<compile_context>
chip_gen: v7x
topology: tpu7x:2x2x1
jax: 0.10.2.dev20260603
libtpu: 0.0.44.dev20260713+nightly
codegen_flags: <defaults>
</compile_context>

<pallas_src>
import functools

import jax
import jax.numpy as jnp
from jax import lax
from jax.experimental import pallas as pl
from jax.experimental.pallas import tpu as pltpu
from jax.experimental.pallas import tpu_sc as plsc

D_MODEL = 64
SCALE = 0.125

NC = 2
NS = 16
NW = NC * NS
LANES = 16
UNIT = 256
SPLIT = 524288


def _make_kernel(S, NB):
    B = S * NB
    b_per_w = B // NW
    n_units = b_per_w // UNIT
    units_per_s = NB // UNIT
    assert B % NW == 0 and b_per_w % UNIT == 0 and n_units % 2 == 0

    mesh = plsc.VectorSubcoreMesh(core_axis_name="c", subcore_axis_name="s")

    @functools.partial(
        pl.kernel,
        out_type=jax.ShapeDtypeStruct((S, D_MODEL, NB), jnp.float32),
        mesh=mesh,
        compiler_params=pltpu.CompilerParams(needs_layout_passes=False),
        scratch_types=[
            pltpu.VMEM((b_per_w,), jnp.int32),
            pltpu.VMEM((UNIT,), jnp.int32),
            pltpu.VMEM((UNIT,), jnp.int32),
            pltpu.VMEM((2, UNIT, 128), jnp.float32),
            pltpu.VMEM((2, D_MODEL, UNIT), jnp.float32),
            pltpu.SemaphoreType.DMA,
            pltpu.SemaphoreType.DMA,
            pltpu.SemaphoreType.DMA,
            pltpu.SemaphoreType.DMA,
        ],
    )
    def emb_kernel(xt_hbm, t2_hbm, out_hbm, idx_v, i2a, i2b, rows_v,
                   st_v, g0, g1, o0, o1):
        gsems = (g0, g1)
        osems = (o0, o1)
        idx2s = (i2a, i2b)
        wid = lax.axis_index("s") * NC + lax.axis_index("c")
        base = wid * b_per_w
        u0 = wid * n_units

        pltpu.sync_copy(xt_hbm.at[pl.ds(base, b_per_w)], idx_v)

        iota16 = lax.iota(jnp.int32, LANES)

        def prep_gather(u, slot):
            @pl.loop(0, UNIT // LANES)
            def _(t):
                v = idx_v[pl.ds(u * UNIT + t * LANES, LANES)]
                idx2s[slot][pl.ds(t * LANES, LANES)] = jnp.where(
                    v >= SPLIT, v - SPLIT, v)
            pltpu.async_copy(t2_hbm.at[idx2s[slot]], rows_v.at[slot],
                             gsems[slot])

        def wait_gather(slot):
            pltpu.make_async_copy(t2_hbm.at[idx2s[slot]],
                                  rows_v.at[slot], gsems[slot]).wait()

        def start_store(u, slot):
            ug = u0 + u
            s = ug // units_per_s
            b0 = (ug % units_per_s) * UNIT
            pltpu.async_copy(st_v.at[slot],
                             out_hbm.at[s, :, pl.ds(b0, UNIT)], osems[slot])

        def wait_store(slot):
            pltpu.make_async_copy(st_v.at[slot],
                                  out_hbm.at[0, :, pl.ds(0, UNIT)],
                                  osems[slot]).wait()

        def select_transpose_scale(u, slot):
            @pl.loop(0, UNIT // LANES)
            def _(bg):
                half = (idx_v[pl.ds(u * UNIT + bg * LANES, LANES)]
                        >= SPLIT).astype(jnp.int32) << 6
                rv = iota16 + bg * LANES
                for d0 in range(0, D_MODEL, 16):
                    vs = [plsc.load_gather(rows_v.at[slot],
                                           [rv, half + (d0 + k)])
                          for k in range(16)]
                    for k in range(16):
                        st_v[slot, d0 + k, pl.ds(bg * LANES, LANES)] = (
                            vs[k] * SCALE)

        prep_gather(0, 0)

        @pl.loop(0, n_units, step=2)
        def _(i):
            @pl.when(i > 0)
            def _():
                wait_store(1)
            prep_gather(i + 1, 1)
            wait_gather(0)
            select_transpose_scale(i, 0)
            start_store(i, 0)

            @pl.when(i + 2 < n_units)
            def _():
                wait_store(0)
                prep_gather(i + 2, 0)
            wait_gather(1)
            select_transpose_scale(i + 1, 1)
            start_store(i + 1, 1)

        wait_store(0)
        wait_store(1)

    return emb_kernel


def _make_table_builder(V):
    CB = 2048
    n_blocks = SPLIT // CB
    last_in = (V + CB - 1) // CB - 1

    def body(a_ref, b_ref, o_ref):
        o_ref[:, 0:D_MODEL] = jnp.transpose(a_ref[...], (1, 0))
        o_ref[:, D_MODEL:2 * D_MODEL] = jnp.transpose(b_ref[...], (1, 0))

    return pl.pallas_call(
        body,
        grid=(n_blocks,),
        in_specs=[
            pl.BlockSpec((D_MODEL, CB), lambda i: (0, i)),
            pl.BlockSpec((D_MODEL, CB),
                         lambda i: (0, jnp.minimum(i + n_blocks, last_in))),
        ],
        out_specs=pl.BlockSpec((CB, 2 * D_MODEL), lambda i: (i, 0)),
        out_shape=jax.ShapeDtypeStruct((SPLIT, 2 * D_MODEL), jnp.float32),
    )


def kernel(x, table):
    nb, ns = x.shape
    nv, d = table.shape
    xt = jnp.transpose(x).reshape(-1).astype(jnp.int32)
    tt = jnp.transpose(table)
    t2 = _make_table_builder(nv)(tt, tt)
    o = _make_kernel(ns, nb)(xt, t2)
    return jnp.transpose(o, (2, 0, 1))

# --- scband reference (transcript-rebuilt; emitter-appended) ---
"""Pipeline reference for scband-input-embedding-48335561949881 (READ-ONLY COPY).

The authoritative reference and input builder live on the scoring server;
editing this copy changes nothing except your own understanding.
"""

import jax, jax.numpy as jnp
import numpy as np

MAX_SEQ_LEN = 1000000
D_MODEL = 64

def setup_inputs(seed: int = 0) -> dict:
    key = jax.random.key(seed)
    k1, k2 = jax.random.split(key)
    x = jax.random.randint(k1, (4096, 200), 0, MAX_SEQ_LEN, dtype=jnp.int64 if jax.config.jax_enable_x64 else jnp.int32)
    table = jax.random.normal(k2, (MAX_SEQ_LEN, D_MODEL), dtype=jnp.float32)
    return {"x": x, "table": table}

def reference(x, table):
    # nn.Embedding lookup followed by scaling by 1/sqrt(d_model)
    emb = jnp.take(table, x, axis=0)
    return emb / np.sqrt(D_MODEL)

if __name__ == "__main__":
    import jax
    _d = setup_inputs()
    print(jax.jit(kernel)(*tuple(_d.values())))

</pallas_src>

<mosaic_0001>
#map = affine_map<(d0, d1) -> (0)>
#map1 = affine_map<(d0, d1) -> (0, 0)>
#map2 = affine_map<(d0, d1) -> (0, 0, 0)>
module attributes {stable_mosaic.version = 14 : i64} {
  func.func @emb_kernel(%arg0: i32, %arg1: i32, %arg2: memref<819200xi32, #tpu.memory_space<hbm>>, %arg3: memref<524288x128xf32, #tpu.memory_space<hbm>>, %arg4: memref<200x64x4096xf32, #tpu.memory_space<hbm>>, %arg5: memref<25600xi32, #tpu.memory_space<vmem>>, %arg6: memref<256xi32, #tpu.memory_space<vmem>>, %arg7: memref<256xi32, #tpu.memory_space<vmem>>, %arg8: memref<2x256x128xf32, #tpu.memory_space<vmem>>, %arg9: memref<2x64x256xf32, #tpu.memory_space<vmem>>, %arg10: memref<!tpu.dma_semaphore, #tpu.memory_space<semaphore_mem>>, %arg11: memref<!tpu.dma_semaphore, #tpu.memory_space<semaphore_mem>>, %arg12: memref<!tpu.dma_semaphore, #tpu.memory_space<semaphore_mem>>, %arg13: memref<!tpu.dma_semaphore, #tpu.memory_space<semaphore_mem>>) attributes {dimension_semantics = [#tpu.dimension_semantics<core_parallel>, #tpu.dimension_semantics<subcore_parallel>], iteration_bounds = array<i64: 2, 16>, scalar_prefetch = 0 : i64, scratch_operands = 9 : i64, tpu.core_type = #tpu.core_type<sc_vector_subcore>, window_params = [{transform_indices = #map}, {transform_indices = #map1}, {transform_indices = #map2}]} {
    %mul3A = arith.constant 2 : i32
    %mul3A_0 = arith.muli %arg1, %mul3A : i32
    %add3A = arith.addi %mul3A_0, %arg0 : i32
    %mul3A_1 = arith.constant 25600 : i32
    %mul3A_2 = arith.muli %add3A, %mul3A_1 : i32
    %mul3A_3 = arith.constant 100 : i32
    %mul3A_4 = arith.muli %add3A, %mul3A_3 : i32
    "tpu.region"() ({
      %run_scoped3A = tpu.sem_alloc : memref<!tpu.dma_semaphore, #tpu.memory_space<semaphore_mem>>
      %dma_start3A_56 = tpu.memref_slice %arg2[%mul3A_2] : memref<819200xi32, #tpu.memory_space<hbm>> -> memref<25600xi32, #tpu.memory_space<hbm>>
      %dma_start3A_57 = tpu.memref_slice %arg2[%mul3A_2] : memref<819200xi32, #tpu.memory_space<hbm>> -> memref<25600xi32, #tpu.memory_space<hbm>>
      tpu.enqueue_dma source(%dma_start3A_57 : memref<25600xi32, #tpu.memory_space<hbm>>) target(%arg5 : memref<25600xi32, #tpu.memory_space<vmem>>) target_semaphore(%run_scoped3A : memref<!tpu.dma_semaphore, #tpu.memory_space<semaphore_mem>>)
      %dma_wait3A_58 = tpu.memref_slice %arg2[%mul3A_2] : memref<819200xi32, #tpu.memory_space<hbm>> -> memref<25600xi32, #tpu.memory_space<hbm>>
      %dma_wait3A_59 = tpu.memref_slice %arg2[%mul3A_2] : memref<819200xi32, #tpu.memory_space<hbm>> -> memref<25600xi32, #tpu.memory_space<hbm>>
      tpu.wait_dma2 semaphore(%run_scoped3A : memref<!tpu.dma_semaphore, #tpu.memory_space<semaphore_mem>>) src(%dma_wait3A_59 : memref<25600xi32, #tpu.memory_space<hbm>>) dst(%arg5 : memref<25600xi32, #tpu.memory_space<vmem>>)
      tpu.yield
    }) : () -> ()
    %iota3A = tpu.iota {dimensions = array<i32: 0>} : vector<16xi32>
    %scan3A = arith.constant 0 : i32
    %scan3A_5 = arith.constant 16 : i32
    %scan3A_6 = arith.addi %scan3A, %scan3A_5 : i32
    %scan3A_7 = arith.constant 1 : i32
    scf.for %scan3A_56 = %scan3A to %scan3A_6 step %scan3A_7  : i32 {
      %mul3A_57 = arith.constant 1 : i32
      %mul3A_58 = arith.muli %scan3A_56, %mul3A_57 : i32
      %add3A_59 = arith.constant 0 : i32
      %add3A_60 = arith.addi %add3A_59, %mul3A_58 : i32
      %mul3A_61 = arith.constant 16 : i32
      %mul3A_62 = arith.muli %add3A_60, %mul3A_61 : i32
      %add3A_63 = arith.constant 0 : i32
      %add3A_64 = arith.addi %add3A_63, %mul3A_62 : i32
      %get3A = arith.index_cast %add3A_64 : i32 to index
      %get3A_65 = tpu.vector_load %arg5[%get3A] {strides = array<i32>} : memref<25600xi32, #tpu.memory_space<vmem>>, vector<16xi32>,
      %ge3A = arith.constant 524288 : i32
      %ge3A_66 = vector.broadcast %ge3A : i32 to vector<16xi32>
      %ge3A_67 = arith.cmpi sge, %get3A_65, %ge3A_66 : vector<16xi32>
      %sub3A = arith.constant 524288 : i32
      %sub3A_68 = vector.broadcast %sub3A : i32 to vector<16xi32>
      %sub3A_69 = arith.subi %get3A_65, %sub3A_68 : vector<16xi32>
      %select_n3A = arith.select %ge3A_67, %sub3A_69, %get3A_65 : vector<16xi1>, vector<16xi32>
      %mul3A_70 = arith.constant 16 : i32
      %mul3A_71 = arith.muli %add3A_60, %mul3A_70 : i32
      %swap3A = arith.index_cast %mul3A_71 : i32 to index
      %swap3A_72 = tpu.vector_load %arg6[%swap3A] {strides = array<i32>} : memref<256xi32, #tpu.memory_space<vmem>>, vector<16xi32>,
      tpu.vector_store %arg6[%swap3A], %select_n3A {strides = array<i32>} : memref<256xi32, #tpu.memory_space<vmem>>, vector<16xi32>,
    }
    %scan3A_8 = arith.constant 16 : i32
    %dma_start3A = arith.constant 0 : i32
    %dma_start3A_9 = arith.constant 0 : i32
    %dma_start3A_10 = arith.constant 0 : i32
    %dma_start3A_11 = tpu.memref_slice %arg8[%dma_start3A, %dma_start3A_9, %dma_start3A_10] : memref<2x256x128xf32, #tpu.memory_space<vmem>> -> memref<1x256x128xf32, #tpu.memory_space<vmem>>
    %dma_start3A_12 = tpu.memref_squeeze %dma_start3A_11 : memref<1x256x128xf32, #tpu.memory_space<vmem>> -> memref<256x128xf32, #tpu.memory_space<vmem>>
    %dma_start3A_13 = arith.constant 0 : i32
    %dma_start3A_14 = arith.constant 0 : i32
    %dma_start3A_15 = tpu.memref_slice %arg3[%dma_start3A_13, %dma_start3A_14] : memref<524288x128xf32, #tpu.memory_space<hbm>> -> memref<524288x128xf32, #tpu.memory_space<hbm>>
    tpu.enqueue_indirect_dma source(%dma_start3A_15 : memref<524288x128xf32, #tpu.memory_space<hbm>>) target(%dma_start3A_12 : memref<256x128xf32, #tpu.memory_space<vmem>>) offsets(%arg6 : memref<256xi32, #tpu.memory_space<vmem>>) semaphore(%arg10 : memref<!tpu.dma_semaphore, #tpu.memory_space<semaphore_mem>>)
    %scan3A_16 = arith.constant 0 : i32
    %scan3A_17 = arith.constant 50 : i32
    %scan3A_18 = arith.addi %scan3A_16, %scan3A_17 : i32
    %scan3A_19 = arith.constant 1 : i32
    scf.for %scan3A_56 = %scan3A_16 to %scan3A_18 step %scan3A_19  : i32 {
      %mul3A_57 = arith.constant 2 : i32
      %mul3A_58 = arith.muli %scan3A_56, %mul3A_57 : i32
      %add3A_59 = arith.constant 0 : i32
      %add3A_60 = arith.addi %add3A_59, %mul3A_58 : i32
      %gt3A = arith.constant 0 : i32
      %gt3A_61 = arith.cmpi sgt, %add3A_60, %gt3A : i32
      %convert_element_type3A = arith.extui %gt3A_61 : i1 to i32
      %cond3A = arith.constant 0 : i32
      %cond3A_62 = arith.cmpi ne, %convert_element_type3A, %cond3A : i32
      scf.if %cond3A_62 {
        %dma_wait3A_221 = arith.constant 1 : i32
        %dma_wait3A_222 = arith.constant 0 : i32
        %dma_wait3A_223 = arith.constant 0 : i32
        %dma_wait3A_224 = arith.constant 0 : i32
        %dma_wait3A_225 = tpu.memref_slice %arg9[%dma_wait3A_221, %dma_wait3A_223, %dma_wait3A_224] : memref<2x64x256xf32, #tpu.memory_space<vmem>> -> memref<1x64x256xf32, #tpu.memory_space<vmem>>
        %dma_wait3A_226 = tpu.memref_squeeze %dma_wait3A_225 : memref<1x64x256xf32, #tpu.memory_space<vmem>> -> memref<64x256xf32, #tpu.memory_space<vmem>>
        %dma_wait3A_227 = arith.constant 0 : i32
        %dma_wait3A_228 = arith.constant 0 : i32
        %dma_wait3A_229 = tpu.memref_slice %arg4[%dma_wait3A_222, %dma_wait3A_227, %dma_wait3A_228] : memref<200x64x4096xf32, #tpu.memory_space<hbm>> -> memref<1x64x256xf32, #tpu.memory_space<hbm>>
        %dma_wait3A_230 = tpu.memref_squeeze %dma_wait3A_229 : memref<1x64x256xf32, #tpu.memory_space<hbm>> -> memref<64x256xf32, #tpu.memory_space<hbm>>
        %dma_wait3A_231 = arith.constant 0 : i32
        %dma_wait3A_232 = arith.constant 0 : i32
        %dma_wait3A_233 = tpu.memref_slice %arg4[%dma_wait3A_222, %dma_wait3A_231, %dma_wait3A_232] : memref<200x64x4096xf32, #tpu.memory_space<hbm>> -> memref<1x64x256xf32, #tpu.memory_space<hbm>>
        %dma_wait3A_234 = tpu.memref_squeeze %dma_wait3A_233 : memref<1x64x256xf32, #tpu.memory_space<hbm>> -> memref<64x256xf32, #tpu.memory_space<hbm>>
        %dma_wait3A_235 = arith.constant 0 : i32
        %dma_wait3A_236 = arith.constant 0 : i32
        %dma_wait3A_237 = tpu.memref_slice %arg9[%dma_wait3A_221, %dma_wait3A_235, %dma_wait3A_236] : memref<2x64x256xf32, #tpu.memory_space<vmem>> -> memref<1x64x256xf32, #tpu.memory_space<vmem>>
        %dma_wait3A_238 = tpu.memref_squeeze %dma_wait3A_237 : memref<1x64x256xf32, #tpu.memory_space<vmem>> -> memref<64x256xf32, #tpu.memory_space<vmem>>
        tpu.wait_dma2 semaphore(%arg13 : memref<!tpu.dma_semaphore, #tpu.memory_space<semaphore_mem>>) src(%dma_wait3A_238 : memref<64x256xf32, #tpu.memory_space<vmem>>) dst(%dma_wait3A_234 : memref<64x256xf32, #tpu.memory_space<hbm>>)
      } else {
      }
      %add3A_63 = arith.constant 1 : i32
      %add3A_64 = arith.addi %add3A_60, %add3A_63 : i32
      %scan3A_65 = arith.constant 0 : i32
      %scan3A_66 = arith.constant 16 : i32
      %scan3A_67 = arith.addi %scan3A_65, %scan3A_66 : i32
      %scan3A_68 = arith.constant 1 : i32
      scf.for %scan3A_221 = %scan3A_65 to %scan3A_67 step %scan3A_68  : i32 {
        %mul3A_222 = arith.constant 1 : i32
        %mul3A_223 = arith.muli %scan3A_221, %mul3A_222 : i32
        %add3A_224 = arith.constant 0 : i32
        %add3A_225 = arith.addi %add3A_224, %mul3A_223 : i32
        %mul3A_226 = arith.constant 256 : i32
        %mul3A_227 = arith.muli %add3A_64, %mul3A_226 : i32
        %mul3A_228 = arith.constant 16 : i32
        %mul3A_229 = arith.muli %add3A_225, %mul3A_228 : i32
        %add3A_230 = arith.addi %mul3A_227, %mul3A_229 : i32
        %get3A = arith.index_cast %add3A_230 : i32 to index
        %get3A_231 = tpu.vector_load %arg5[%get3A] {strides = array<i32>} : memref<25600xi32, #tpu.memory_space<vmem>>, vector<16xi32>,
        %ge3A = arith.constant 524288 : i32
        %ge3A_232 = vector.broadcast %ge3A : i32 to vector<16xi32>
        %ge3A_233 = arith.cmpi sge, %get3A_231, %ge3A_232 : vector<16xi32>
        %sub3A_234 = arith.constant 524288 : i32
        %sub3A_235 = vector.broadcast %sub3A_234 : i32 to vector<16xi32>
        %sub3A_236 = arith.subi %get3A_231, %sub3A_235 : vector<16xi32>
        %select_n3A_237 = arith.select %ge3A_233, %sub3A_236, %get3A_231 : vector<16xi1>, vector<16xi32>
        %mul3A_238 = arith.constant 16 : i32
        %mul3A_239 = arith.muli %add3A_225, %mul3A_238 : i32
        %swap3A = arith.index_cast %mul3A_239 : i32 to index
        %swap3A_240 = tpu.vector_load %arg7[%swap3A] {strides = array<i32>} : memref<256xi32, #tpu.memory_space<vmem>>, vector<16xi32>,
        tpu.vector_store %arg7[%swap3A], %select_n3A_237 {strides = array<i32>} : memref<256xi32, #tpu.memory_space<vmem>>, vector<16xi32>,
      }
      %scan3A_69 = arith.constant 16 : i32
      %dma_start3A_70 = arith.constant 1 : i32
      %dma_start3A_71 = arith.constant 0 : i32
      %dma_start3A_72 = arith.constant 0 : i32
      %dma_start3A_73 = tpu.memref_slice %arg8[%dma_start3A_70, %dma_start3A_71, %dma_start3A_72] : memref<2x256x128xf32, #tpu.memory_space<vmem>> -> memref<1x256x128xf32, #tpu.memory_space<vmem>>
      %dma_start3A_74 = tpu.memref_squeeze %dma_start3A_73 : memref<1x256x128xf32, #tpu.memory_space<vmem>> -> memref<256x128xf32, #tpu.memory_space<vmem>>
      %dma_start3A_75 = arith.constant 0 : i32
      %dma_start3A_76 = arith.constant 0 : i32
      %dma_start3A_77 = tpu.memref_slice %arg3[%dma_start3A_75, %dma_start3A_76] : memref<524288x128xf32, #tpu.memory_space<hbm>> -> memref<524288x128xf32, #tpu.memory_space<hbm>>
      tpu.enqueue_indirect_dma source(%dma_start3A_77 : memref<524288x128xf32, #tpu.memory_space<hbm>>) target(%dma_start3A_74 : memref<256x128xf32, #tpu.memory_space<vmem>>) offsets(%arg7 : memref<256xi32, #tpu.memory_space<vmem>>) semaphore(%arg11 : memref<!tpu.dma_semaphore, #tpu.memory_space<semaphore_mem>>)
      %dma_wait3A_78 = arith.constant 0 : i32
      %dma_wait3A_79 = arith.constant 0 : i32
      %dma_wait3A_80 = arith.constant 0 : i32
      %dma_wait3A_81 = tpu.memref_slice %arg8[%dma_wait3A_78, %dma_wait3A_79, %dma_wait3A_80] : memref<2x256x128xf32, #tpu.memory_space<vmem>> -> memref<1x256x128xf32, #tpu.memory_space<vmem>>
      %dma_wait3A_82 = tpu.memref_squeeze %dma_wait3A_81 : memref<1x256x128xf32, #tpu.memory_space<vmem>> -> memref<256x128xf32, #tpu.memory_space<vmem>>
      %dma_wait3A_83 = arith.constant 0 : i32
      %dma_wait3A_84 = arith.constant 0 : i32
      %dma_wait3A_85 = tpu.memref_slice %arg3[%dma_wait3A_83, %dma_wait3A_84] : memref<524288x128xf32, #tpu.memory_space<hbm>> -> memref<524288x128xf32, #tpu.memory_space<hbm>>
      tpu.wait_indirect_dma semaphore(%arg10 : memref<!tpu.dma_semaphore, #tpu.memory_space<semaphore_mem>>) src(%dma_wait3A_85 : memref<524288x128xf32, #tpu.memory_space<hbm>>) dst(%dma_wait3A_82 : memref<256x128xf32, #tpu.memory_space<vmem>>)
      %scan3A_86 = arith.constant 0 : i32
      %scan3A_87 = arith.constant 16 : i32
      %scan3A_88 = arith.addi %scan3A_86, %scan3A_87 : i32
      %scan3A_89 = arith.constant 1 : i32
      scf.for %scan3A_221 = %scan3A_86 to %scan3A_88 step %scan3A_89  : i32 {
        %mul3A_222 = arith.constant 1 : i32
        %mul3A_223 = arith.muli %scan3A_221, %mul3A_222 : i32
        %add3A_224 = arith.constant 0 : i32
        %add3A_225 = arith.addi %add3A_224, %mul3A_223 : i32
        %mul3A_226 = arith.constant 256 : i32
        %mul3A_227 = arith.muli %add3A_60, %mul3A_226 : i32
        %mul3A_228 = arith.constant 16 : i32
        %mul3A_229 = arith.muli %add3A_225, %mul3A_228 : i32
        %add3A_230 = arith.addi %mul3A_227, %mul3A_229 : i32
        %get3A = arith.index_cast %add3A_230 : i32 to index
        %get3A_231 = tpu.vector_load %arg5[%get3A] {strides = array<i32>} : memref<25600xi32, #tpu.memory_space<vmem>>, vector<16xi32>,
        %ge3A = arith.constant 524288 : i32
        %ge3A_232 = vector.broadcast %ge3A : i32 to vector<16xi32>
        %ge3A_233 = arith.cmpi sge, %get3A_231, %ge3A_232 : vector<16xi32>
        %convert_element_type3A_234 = arith.extui %ge3A_233 : vector<16xi1> to vector<16xi32>
        %shift_left3A = arith.constant 6 : i32
        %shift_left3A_235 = vector.broadcast %shift_left3A : i32 to vector<16xi32>
        %shift_left3A_236 = arith.shli %convert_element_type3A_234, %shift_left3A_235 : vector<16xi32>
        %mul3A_237 = arith.constant 16 : i32
        %mul3A_238 = arith.muli %add3A_225, %mul3A_237 : i32
        %add3A_239 = vector.broadcast %mul3A_238 : i32 to vector<16xi32>
        %add3A_240 = arith.addi %iota3A, %add3A_239 : vector<16xi32>
        %add3A_241 = arith.constant 0 : i32
        %add3A_242 = vector.broadcast %add3A_241 : i32 to vector<16xi32>
        %add3A_243 = arith.addi %shift_left3A_236, %add3A_242 : vector<16xi32>
        %gather3A = arith.constant 0 : i32
        %gather3A_244 = arith.constant 0 : i32
        %gather3A_245 = arith.constant 0 : i32
        %gather3A_246 = tpu.memref_slice %arg8[%gather3A, %gather3A_244, %gather3A_245] : memref<2x256x128xf32, #tpu.memory_space<vmem>> -> memref<1x256x128xf32, #tpu.memory_space<vmem>>
        %gather3A_247 = tpu.memref_squeeze %gather3A_246 : memref<1x256x128xf32, #tpu.memory_space<vmem>> -> memref<256x128xf32, #tpu.memory_space<vmem>>
        %gather3A_248 = tpu.vector_load_idx %gather3A_247[%add3A_240, %add3A_243] : memref<256x128xf32, #tpu.memory_space<vmem>>[vector<16xi32>, vector<16xi32>], vector<16xf32>,
        %add3A_249 = arith.constant 1 : i32
        %add3A_250 = vector.broadcast %add3A_249 : i32 to vector<16xi32>
        %add3A_251 = arith.addi %shift_left3A_236, %add3A_250 : vector<16xi32>
        %gather3A_252 = arith.constant 0 : i32
        %gather3A_253 = arith.constant 0 : i32
        %gather3A_254 = arith.constant 0 : i32
        %gather3A_255 = tpu.memref_slice %arg8[%gather3A_252, %gather3A_253, %gather3A_254] : memref<2x256x128xf32, #tpu.memory_space<vmem>> -> memref<1x256x128xf32, #tpu.memory_space<vmem>>
        %gather3A_256 = tpu.memref_squeeze %gather3A_255 : memref<1x256x128xf32, #tpu.memory_space<vmem>> -> memref<256x128xf32, #tpu.memory_space<vmem>>
        %gather3A_257 = tpu.vector_load_idx %gather3A_256[%add3A_240, %add3A_251] : memref<256x128xf32, #tpu.memory_space<vmem>>[vector<16xi32>, vector<16xi32>], vector<16xf32>,
        %add3A_258 = arith.constant 2 : i32
        %add3A_259 = vector.broadcast %add3A_258 : i32 to vector<16xi32>
        %add3A_260 = arith.addi %shift_left3A_236, %add3A_259 : vector<16xi32>
        %gather3A_261 = arith.constant 0 : i32
        %gather3A_262 = arith.constant 0 : i32
        %gather3A_263 = arith.constant 0 : i32
        %gather3A_264 = tpu.memref_slice %arg8[%gather3A_261, %gather3A_262, %gather3A_263] : memref<2x256x128xf32, #tpu.memory_space<vmem>> -> memref<1x256x128xf32, #tpu.memory_space<vmem>>
        %gather3A_265 = tpu.memref_squeeze %gather3A_264 : memref<1x256x128xf32, #tpu.memory_space<vmem>> -> memref<256x128xf32, #tpu.memory_space<vmem>>
        %gather3A_266 = tpu.vector_load_idx %gather3A_265[%add3A_240, %add3A_260] : memref<256x128xf32, #tpu.memory_space<vmem>>[vector<16xi32>, vector<16xi32>], vector<16xf32>,
        %add3A_267 = arith.constant 3 : i32
        %add3A_268 = vector.broadcast %add3A_267 : i32 to vector<16xi32>
        %add3A_269 = arith.addi %shift_left3A_236, %add3A_268 : vector<16xi32>
        %gather3A_270 = arith.constant 0 : i32
        %gather3A_271 = arith.constant 0 : i32
        %gather3A_272 = arith.constant 0 : i32
        %gather3A_273 = tpu.memref_slice %arg8[%gather3A_270, %gather3A_271, %gather3A_272] : memref<2x256x128xf32, #tpu.memory_space<vmem>> -> memref<1x256x128xf32, #tpu.memory_space<vmem>>
        %gather3A_274 = tpu.memref_squeeze %gather3A_273 : memref<1x256x128xf32, #tpu.memory_space<vmem>> -> memref<256x128xf32, #tpu.memory_space<vmem>>
        %gather3A_275 = tpu.vector_load_idx %gather3A_274[%add3A_240, %add3A_269] : memref<256x128xf32, #tpu.memory_space<vmem>>[vector<16xi32>, vector<16xi32>], vector<16xf32>,
        %add3A_276 = arith.constant 4 : i32
        %add3A_277 = vector.broadcast %add3A_276 : i32 to vector<16xi32>
        %add3A_278 = arith.addi %shift_left3A_236, %add3A_277 : vector<16xi32>
        %gather3A_279 = arith.constant 0 : i32
        %gather3A_280 = arith.constant 0 : i32
        %gather3A_281 = arith.constant 0 : i32
        %gather3A_282 = tpu.memref_slice %arg8[%gather3A_279, %gather3A_280, %gather3A_281] : memref<2x256x128xf32, #tpu.memory_space<vmem>> -> memref<1x256x128xf32, #tpu.memory_space<vmem>>
        %gather3A_283 = tpu.memref_squeeze %gather3A_282 : memref<1x256x128xf32, #tpu.memory_space<vmem>> -> memref<256x128xf32, #tpu.memory_space<vmem>>
        %gather3A_284 = tpu.vector_load_idx %gather3A_283[%add3A_240, %add3A_278] : memref<256x128xf32, #tpu.memory_space<vmem>>[vector<16xi32>, vector<16xi32>], vector<16xf32>,
        %add3A_285 = arith.constant 5 : i32
        %add3A_286 = vector.broadcast %add3A_285 : i32 to vector<16xi32>
        %add3A_287 = arith.addi %shift_left3A_236, %add3A_286 : vector<16xi32>
        %gather3A_288 = arith.constant 0 : i32
        %gather3A_289 = arith.constant 0 : i32
        %gather3A_290 = arith.constant 0 : i32
        %gather3A_291 = tpu.memref_slice %arg8[%gather3A_288, %gather3A_289, %gather3A_290] : memref<2x256x128xf32, #tpu.memory_space<vmem>> -> memref<1x256x128xf32, #tpu.memory_space<vmem>>
        %gather3A_292 = tpu.memref_squeeze %gather3A_291 : memref<1x256x128xf32, #tpu.memory_space<vmem>> -> memref<256x128xf32, #tpu.memory_space<vmem>>
        %gather3A_293 = tpu.vector_load_idx %gather3A_292[%add3A_240, %add3A_287] : memref<256x128xf32, #tpu.memory_space<vmem>>[vector<16xi32>, vector<16xi32>], vector<16xf32>,
        %add3A_294 = arith.constant 6 : i32
        %add3A_295 = vector.broadcast %add3A_294 : i32 to vector<16xi32>
        %add3A_296 = arith.addi %shift_left3A_236, %add3A_295 : vector<16xi32>
        %gather3A_297 = arith.constant 0 : i32
        %gather3A_298 = arith.constant 0 : i32
        %gather3A_299 = arith.constant 0 : i32
        %gather3A_300 = tpu.memref_slice %arg8[%gather3A_297, %gather3A_298, %gather3A_299] : memref<2x256x128xf32, #tpu.memory_space<vmem>> -> memref<1x256x128xf32, #tpu.memory_space<vmem>>
        %gather3A_301 = tpu.memref_squeeze %gather3A_300 : memref<1x256x128xf32, #tpu.memory_space<vmem>> -> memref<256x128xf32, #tpu.memory_space<vmem>>
        %gather3A_302 = tpu.vector_load_idx %gather3A_301[%add3A_240, %add3A_296] : memref<256x128xf32, #tpu.memory_space<vmem>>[vector<16xi32>, vector<16xi32>], vector<16xf32>,
        %add3A_303 = arith.constant 7 : i32
        %add3A_304 = vector.broadcast %add3A_303 : i32 to vector<16xi32>
        %add3A_305 = arith.addi %shift_left3A_236, %add3A_304 : vector<16xi32>
        %gather3A_306 = arith.constant 0 : i32
        %gather3A_307 = arith.constant 0 : i32
        %gather3A_308 = arith.constant 0 : i32
        %gather3A_309 = tpu.memref_slice %arg8[%gather3A_306, %gather3A_307, %gather3A_308] : memref<2x256x128xf32, #tpu.memory_space<vmem>> -> memref<1x256x128xf32, #tpu.memory_space<vmem>>
        %gather3A_310 = tpu.memref_squeeze %gather3A_309 : memref<1x256x128xf32, #tpu.memory_space<vmem>> -> memref<256x128xf32, #tpu.memory_space<vmem>>
        %gather3A_311 = tpu.vector_load_idx %gather3A_310[%add3A_240, %add3A_305] : memref<256x128xf32, #tpu.memory_space<vmem>>[vector<16xi32>, vector<16xi32>], vector<16xf32>,
        %add3A_312 = arith.constant 8 : i32
        %add3A_313 = vector.broadcast %add3A_312 : i32 to vector<16xi32>
        %add3A_314 = arith.addi %shift_left3A_236, %add3A_313 : vector<16xi32>
        %gather3A_315 = arith.constant 0 : i32
        %gather3A_316 = arith.constant 0 : i32
        %gather3A_317 = arith.constant 0 : i32
        %gather3A_318 = tpu.memref_slice %arg8[%gather3A_315, %gather3A_316, %gather3A_317] : memref<2x256x128xf32, #tpu.memory_space<vmem>> -> memref<1x256x128xf32, #tpu.memory_space<vmem>>
        %gather3A_319 = tpu.memref_squeeze %gather3A_318 : memref<1x256x128xf32, #tpu.memory_space<vmem>> -> memref<256x128xf32, #tpu.memory_space<vmem>>
        %gather3A_320 = tpu.vector_load_idx %gather3A_319[%add3A_240, %add3A_314] : memref<256x128xf32, #tpu.memory_space<vmem>>[vector<16xi32>, vector<16xi32>], vector<16xf32>,
        %add3A_321 = arith.constant 9 : i32
        %add3A_322 = vector.broadcast %add3A_321 : i32 to vector<16xi32>
        %add3A_323 = arith.addi %shift_left3A_236, %add3A_322 : vector<16xi32>
        %gather3A_324 = arith.constant 0 : i32
        %gather3A_325 = arith.constant 0 : i32
        %gather3A_326 = arith.constant 0 : i32
        %gather3A_327 = tpu.memref_slice %arg8[%gather3A_324, %gather3A_325, %gather3A_326] : memref<2x256x128xf32, #tpu.memory_space<vmem>> -> memref<1x256x128xf32, #tpu.memory_space<vmem>>
        %gather3A_328 = tpu.memref_squeeze %gather3A_327 : memref<1x256x128xf32, #tpu.memory_space<vmem>> -> memref<256x128xf32, #tpu.memory_space<vmem>>
        %gather3A_329 = tpu.vector_load_idx %gather3A_328[%add3A_240, %add3A_323] : memref<256x128xf32, #tpu.memory_space<vmem>>[vector<16xi32>, vector<16xi32>], vector<16xf32>,
        %add3A_330 = arith.constant 10 : i32
        %add3A_331 = vector.broadcast %add3A_330 : i32 to vector<16xi32>
        %add3A_332 = arith.addi %shift_left3A_236, %add3A_331 : vector<16xi32>
        %gather3A_333 = arith.constant 0 : i32
        %gather3A_334 = arith.constant 0 : i32
        %gather3A_335 = arith.constant 0 : i32
        %gather3A_336 = tpu.memref_slice %arg8[%gather3A_333, %gather3A_334, %gather3A_335] : memref<2x256x128xf32, #tpu.memory_space<vmem>> -> memref<1x256x128xf32, #tpu.memory_space<vmem>>
        %gather3A_337 = tpu.memref_squeeze %gather3A_336 : memref<1x256x128xf32, #tpu.memory_space<vmem>> -> memref<256x128xf32, #tpu.memory_space<vmem>>
        %gather3A_338 = tpu.vector_load_idx %gather3A_337[%add3A_240, %add3A_332] : memref<256x128xf32, #tpu.memory_space<vmem>>[vector<16xi32>, vector<16xi32>], vector<16xf32>,
        %add3A_339 = arith.constant 11 : i32
        %add3A_340 = vector.broadcast %add3A_339 : i32 to vector<16xi32>
        %add3A_341 = arith.addi %shift_left3A_236, %add3A_340 : vector<16xi32>
        %gather3A_342 = arith.constant 0 : i32
        %gather3A_343 = arith.constant 0 : i32
        %gather3A_344 = arith.constant 0 : i32
        %gather3A_345 = tpu.memref_slice %arg8[%gather3A_342, %gather3A_343, %gather3A_344] : memref<2x256x128xf32, #tpu.memory_space<vmem>> -> memref<1x256x128xf32, #tpu.memory_space<vmem>>
        %gather3A_346 = tpu.memref_squeeze %gather3A_345 : memref<1x256x128xf32, #tpu.memory_space<vmem>> -> memref<256x128xf32, #tpu.memory_space<vmem>>
        %gather3A_347 = tpu.vector_load_idx %gather3A_346[%add3A_240, %add3A_341] : memref<256x128xf32, #tpu.memory_space<vmem>>[vector<16xi32>, vector<16xi32>], vector<16xf32>,
        %add3A_348 = arith.constant 12 : i32
        %add3A_349 = vector.broadcast %add3A_348 : i32 to vector<16xi32>
        %add3A_350 = arith.addi %shift_left3A_236, %add3A_349 : vector<16xi32>
        %gather3A_351 = arith.constant 0 : i32
        %gather3A_352 = arith.constant 0 : i32
        %gather3A_353 = arith.constant 0 : i32
        %gather3A_354 = tpu.memref_slice %arg8[%gather3A_351, %gather3A_352, %gather3A_353] : memref<2x256x128xf32, #tpu.memory_space<vmem>> -> memref<1x256x128xf32, #tpu.memory_space<vmem>>
        %gather3A_355 = tpu.memref_squeeze %gather3A_354 : memref<1x256x128xf32, #tpu.memory_space<vmem>> -> memref<256x128xf32, #tpu.memory_space<vmem>>
        %gather3A_356 = tpu.vector_load_idx %gather3A_355[%add3A_240, %add3A_350] : memref<256x128xf32, #tpu.memory_space<vmem>>[vector<16xi32>, vector<16xi32>], vector<16xf32>,
        %add3A_357 = arith.constant 13 : i32
        %add3A_358 = vector.broadcast %add3A_357 : i32 to vector<16xi32>
        %add3A_359 = arith.addi %shift_left3A_236, %add3A_358 : vector<16xi32>
        %gather3A_360 = arith.constant 0 : i32
        %gather3A_361 = arith.constant 0 : i32
        %gather3A_362 = arith.constant 0 : i32
        %gather3A_363 = tpu.memref_slice %arg8[%gather3A_360, %gather3A_361, %gather3A_362] : memref<2x256x128xf32, #tpu.memory_space<vmem>> -> memref<1x256x128xf32, #tpu.memory_space<vmem>>
        %gather3A_364 = tpu.memref_squeeze %gather3A_363 : memref<1x256x128xf32, #tpu.memory_space<vmem>> -> memref<256x128xf32, #tpu.memory_space<vmem>>
        %gather3A_365 = tpu.vector_load_idx %gather3A_364[%add3A_240, %add3A_359] : memref<256x128xf32, #tpu.memory_space<vmem>>[vector<16xi32>, vector<16xi32>], vector<16xf32>,
        %add3A_366 = arith.constant 14 : i32
        %add3A_367 = vector.broadcast %add3A_366 : i32 to vector<16xi32>
        %add3A_368 = arith.addi %shift_left3A_236, %add3A_367 : vector<16xi32>
        %gather3A_369 = arith.constant 0 : i32
        %gather3A_370 = arith.constant 0 : i32
        %gather3A_371 = arith.constant 0 : i32
        %gather3A_372 = tpu.memref_slice %arg8[%gather3A_369, %gather3A_370, %gather3A_371] : memref<2x256x128xf32, #tpu.memory_space<vmem>> -> memref<1x256x128xf32, #tpu.memory_space<vmem>>
        %gather3A_373 = tpu.memref_squeeze %gather3A_372 : memref<1x256x128xf32, #tpu.memory_space<vmem>> -> memref<256x128xf32, #tpu.memory_space<vmem>>
        %gather3A_374 = tpu.vector_load_idx %gather3A_373[%add3A_240, %add3A_368] : memref<256x128xf32, #tpu.memory_space<vmem>>[vector<16xi32>, vector<16xi32>], vector<16xf32>,
        %add3A_375 = arith.constant 15 : i32
        %add3A_376 = vector.broadcast %add3A_375 : i32 to vector<16xi32>
        %add3A_377 = arith.addi %shift_left3A_236, %add3A_376 : vector<16xi32>
        %gather3A_378 = arith.constant 0 : i32
        %gather3A_379 = arith.constant 0 : i32
        %gather3A_380 = arith.constant 0 : i32
        %gather3A_381 = tpu.memref_slice %arg8[%gather3A_378, %gather3A_379, %gather3A_380] : memref<2x256x128xf32, #tpu.memory_space<vmem>> -> memref<1x256x128xf32, #tpu.memory_space<vmem>>
        %gather3A_382 = tpu.memref_squeeze %gather3A_381 : memref<1x256x128xf32, #tpu.memory_space<vmem>> -> memref<256x128xf32, #tpu.memory_space<vmem>>
        %gather3A_383 = tpu.vector_load_idx %gather3A_382[%add3A_240, %add3A_377] : memref<256x128xf32, #tpu.memory_space<vmem>>[vector<16xi32>, vector<16xi32>], vector<16xf32>,
        %mul3A_384 = arith.constant 1.250000e-01 : f32
        %mul3A_385 = vector.broadcast %mul3A_384 : f32 to vector<16xf32>
        %mul3A_386 = arith.mulf %gather3A_248, %mul3A_385 : vector<16xf32>
        %mul3A_387 = arith.constant 16 : i32
        %mul3A_388 = arith.muli %add3A_225, %mul3A_387 : i32
        %swap3A = arith.constant 0 : i32
        %swap3A_389 = arith.constant 0 : i32
        %swap3A_390 = arith.index_cast %swap3A : i32 to index
        %swap3A_391 = arith.index_cast %swap3A_389 : i32 to index
        %swap3A_392 = arith.index_cast %mul3A_388 : i32 to index
        %swap3A_393 = tpu.vector_load %arg9[%swap3A_390, %swap3A_391, %swap3A_392] {strides = array<i32>} : memref<2x64x256xf32, #tpu.memory_space<vmem>>, vector<16xf32>,
        tpu.vector_store %arg9[%swap3A_390, %swap3A_391, %swap3A_392], %mul3A_386 {strides = array<i32>} : memref<2x64x256xf32, #tpu.memory_space<vmem>>, vector<16xf32>,
        %mul3A_394 = arith.constant 1.250000e-01 : f32
        %mul3A_395 = vector.broadcast %mul3A_394 : f32 to vector<16xf32>
        %mul3A_396 = arith.mulf %gather3A_257, %mul3A_395 : vector<16xf32>
        %mul3A_397 = arith.constant 16 : i32
        %mul3A_398 = arith.muli %add3A_225, %mul3A_397 : i32
        %swap3A_399 = arith.constant 0 : i32
        %swap3A_400 = arith.constant 1 : i32
        %swap3A_401 = arith.index_cast %swap3A_399 : i32 to index
        %swap3A_402 = arith.index_cast %swap3A_400 : i32 to index
        %swap3A_403 = arith.index_cast %mul3A_398 : i32 to index
        %swap3A_404 = tpu.vector_load %arg9[%swap3A_401, %swap3A_402, %swap3A_403] {strides = array<i32>} : memref<2x64x256xf32, #tpu.memory_space<vmem>>, vector<16xf32>,
        tpu.vector_store %arg9[%swap3A_401, %swap3A_402, %swap3A_403], %mul3A_396 {strides = array<i32>} : memref<2x64x256xf32, #tpu.memory_space<vmem>>, vector<16xf32>,
        %mul3A_405 = arith.constant 1.250000e-01 : f32
        %mul3A_406 = vector.broadcast %mul3A_405 : f32 to vector<16xf32>
        %mul3A_407 = arith.mulf %gather3A_266, %mul3A_406 : vector<16xf32>
        %mul3A_408 = arith.constant 16 : i32
        %mul3A_409 = arith.muli %add3A_225, %mul3A_408 : i32
        %swap3A_410 = arith.constant 0 : i32
        %swap3A_411 = arith.constant 2 : i32
        %swap3A_412 = arith.index_cast %swap3A_410 : i32 to index
        %swap3A_413 = arith.index_cast %swap3A_411 : i32 to index
        %swap3A_414 = arith.index_cast %mul3A_409 : i32 to index
        %swap3A_415 = tpu.vector_load %arg9[%swap3A_412, %swap3A_413, %swap3A_414] {strides = array<i32>} : memref<2x64x256xf32, #tpu.memory_space<vmem>>, vector<16xf32>,
        tpu.vector_store %arg9[%swap3A_412, %swap3A_413, %swap3A_414], %mul3A_407 {strides = array<i32>} : memref<2x64x256xf32, #tpu.memory_space<vmem>>, vector<16xf32>,
        %mul3A_416 = arith.constant 1.250000e-01 : f32
        %mul3A_417 = vector.broadcast %mul3A_416 : f32 to vector<16xf32>
        %mul3A_418 = arith.mulf %gather3A_275, %mul3A_417 : vector<16xf32>
        %mul3A_419 = arith.constant 16 : i32
        %mul3A_420 = arith.muli %add3A_225, %mul3A_419 : i32
        %swap3A_421 = arith.constant 0 : i32
        %swap3A_422 = arith.constant 3 : i32
        %swap3A_423 = arith.index_cast %swap3A_421 : i32 to index
        %swap3A_424 = arith.index_cast %swap3A_422 : i32 to index
        %swap3A_425 = arith.index_cast %mul3A_420 : i32 to index
        %swap3A_426 = tpu.vector_load %arg9[%swap3A_423, %swap3A_424, %swap3A_425] {strides = array<i32>} : memref<2x64x256xf32, #tpu.memory_space<vmem>>, vector<16xf32>,
        tpu.vector_store %arg9[%swap3A_423, %swap3A_424, %swap3A_425], %mul3A_418 {strides = array<i32>} : memref<2x64x256xf32, #tpu.memory_space<vmem>>, vector<16xf32>,
        %mul3A_427 = arith.constant 1.250000e-01 : f32
        %mul3A_428 = vector.broadcast %mul3A_427 : f32 to vector<16xf32>
        %mul3A_429 = arith.mulf %gather3A_284, %mul3A_428 : vector<16xf32>
        %mul3A_430 = arith.constant 16 : i32
        %mul3A_431 = arith.muli %add3A_225, %mul3A_430 : i32
        %swap3A_432 = arith.constant 0 : i32
        %swap3A_433 = arith.constant 4 : i32
        %swap3A_434 = arith.index_cast %swap3A_432 : i32 to index
        %swap3A_435 = arith.index_cast %swap3A_433 : i32 to index
        %swap3A_436 = arith.index_cast %mul3A_431 : i32 to index
        %swap3A_437 = tpu.vector_load %arg9[%swap3A_434, %swap3A_435, %swap3A_436] {strides = array<i32>} : memref<2x64x256xf32, #tpu.memory_space<vmem>>, vector<16xf32>,
        tpu.vector_store %arg9[%swap3A_434, %swap3A_435, %swap3A_436], %mul3A_429 {strides = array<i32>} : memref<2x64x256xf32, #tpu.memory_space<vmem>>, vector<16xf32>,
        %mul3A_438 = arith.constant 1.250000e-01 : f32
        %mul3A_439 = vector.broadcast %mul3A_438 : f32 to vector<16xf32>
        %mul3A_440 = arith.mulf %gather3A_293, %mul3A_439 : vector<16xf32>
        %mul3A_441 = arith.constant 16 : i32
        %mul3A_442 = arith.muli %add3A_225, %mul3A_441 : i32
        %swap3A_443 = arith.constant 0 : i32
        %swap3A_444 = arith.constant 5 : i32
        %swap3A_445 = arith.index_cast %swap3A_443 : i32 to index
        %swap3A_446 = arith.index_cast %swap3A_444 : i32 to index
        %swap3A_447 = arith.index_cast %mul3A_442 : i32 to index
        %swap3A_448 = tpu.vector_load %arg9[%swap3A_445, %swap3A_446, %swap3A_447] {strides = array<i32>} : memref<2x64x256xf32, #tpu.memory_space<vmem>>, vector<16xf32>,
        tpu.vector_store %arg9[%swap3A_445, %swap3A_446, %swap3A_447], %mul3A_440 {strides = array<i32>} : memref<2x64x256xf32, #tpu.memory_space<vmem>>, vector<16xf32>,
        %mul3A_449 = arith.constant 1.250000e-01 : f32
        %mul3A_450 = vector.broadcast %mul3A_449 : f32 to vector<16xf32>
        %mul3A_451 = arith.mulf %gather3A_302, %mul3A_450 : vector<16xf32>
        %mul3A_452 = arith.constant 16 : i32
        %mul3A_453 = arith.muli %add3A_225, %mul3A_452 : i32
        %swap3A_454 = arith.constant 0 : i32
        %swap3A_455 = arith.constant 6 : i32
        %swap3A_456 = arith.index_cast %swap3A_454 : i32 to index
        %swap3A_457 = arith.index_cast %swap3A_455 : i32 to index
        %swap3A_458 = arith.index_cast %mul3A_453 : i32 to index
        %swap3A_459 = tpu.vector_load %arg9[%swap3A_456, %swap3A_457, %swap3A_458] {strides = array<i32>} : memref<2x64x256xf32, #tpu.memory_space<vmem>>, vector<16xf32>,
        tpu.vector_store %arg9[%swap3A_456, %swap3A_457, %swap3A_458], %mul3A_451 {strides = array<i32>} : memref<2x64x256xf32, #tpu.memory_space<vmem>>, vector<16xf32>,
        %mul3A_460 = arith.constant 1.250000e-01 : f32
        %mul3A_461 = vector.broadcast %mul3A_460 : f32 to vector<16xf32>
        %mul3A_462 = arith.mulf %gather3A_311, %mul3A_461 : vector<16xf32>
        %mul3A_463 = arith.constant 16 : i32
        %mul3A_464 = arith.muli %add3A_225, %mul3A_463 : i32
        %swap3A_465 = arith.constant 0 : i32
        %swap3A_466 = arith.constant 7 : i32
        %swap3A_467 = arith.index_cast %swap3A_465 : i32 to index
        %swap3A_468 = arith.index_cast %swap3A_466 : i32 to index
        %swap3A_469 = arith.index_cast %mul3A_464 : i32 to index
        %swap3A_470 = tpu.vector_load %arg9[%swap3A_467, %swap3A_468, %swap3A_469] {strides = array<i32>} : memref<2x64x256xf32, #tpu.memory_space<vmem>>, vector<16xf32>,
        tpu.vector_store %arg9[%swap3A_467, %swap3A_468, %swap3A_469], %mul3A_462 {strides = array<i32>} : memref<2x64x256xf32, #tpu.memory_space<vmem>>, vector<16xf32>,
        %mul3A_471 = arith.constant 1.250000e-01 : f32
        %mul3A_472 = vector.broadcast %mul3A_471 : f32 to vector<16xf32>
        %mul3A_473 = arith.mulf %gather3A_320, %mul3A_472 : vector<16xf32>
        %mul3A_474 = arith.constant 16 : i32
        %mul3A_475 = arith.muli %add3A_225, %mul3A_474 : i32
        %swap3A_476 = arith.constant 0 : i32
        %swap3A_477 = arith.constant 8 : i32
        %swap3A_478 = arith.index_cast %swap3A_476 : i32 to index
        %swap3A_479 = arith.index_cast %swap3A_477 : i32 to index
        %swap3A_480 = arith.index_cast %mul3A_475 : i32 to index
        %swap3A_481 = tpu.vector_load %arg9[%swap3A_478, %swap3A_479, %swap3A_480] {strides = array<i32>} : memref<2x64x256xf32, #tpu.memory_space<vmem>>, vector<16xf32>,
        tpu.vector_store %arg9[%swap3A_478, %swap3A_479, %swap3A_480], %mul3A_473 {strides = array<i32>} : memref<2x64x256xf32, #tpu.memory_space<vmem>>, vector<16xf32>,
        %mul3A_482 = arith.constant 1.250000e-01 : f32
        %mul3A_483 = vector.broadcast %mul3A_482 : f32 to vector<16xf32>
        %mul3A_484 = arith.mulf %gather3A_329, %mul3A_483 : vector<16xf32>
        %mul3A_485 = arith.constant 16 : i32
        %mul3A_486 = arith.muli %add3A_225, %mul3A_485 : i32
        %swap3A_487 = arith.constant 0 : i32
        %swap3A_488 = arith.constant 9 : i32
        %swap3A_489 = arith.index_cast %swap3A_487 : i32 to index
        %swap3A_490 = arith.index_cast %swap3A_488 : i32 to index
        %swap3A_491 = arith.index_cast %mul3A_486 : i32 to index
        %swap3A_492 = tpu.vector_load %arg9[%swap3A_489, %swap3A_490, %swap3A_491] {strides = array<i32>} : memref<2x64x256xf32, #tpu.memory_space<vmem>>, vector<16xf32>,
        tpu.vector_store %arg9[%swap3A_489, %swap3A_490, %swap3A_491], %mul3A_484 {strides = array<i32>} : memref<2x64x256xf32, #tpu.memory_space<vmem>>, vector<16xf32>,
        %mul3A_493 = arith.constant 1.250000e-01 : f32
        %mul3A_494 = vector.broadcast %mul3A_493 : f32 to vector<16xf32>
        %mul3A_495 = arith.mulf %gather3A_338, %mul3A_494 : vector<16xf32>
        %mul3A_496 = arith.constant 16 : i32
        %mul3A_497 = arith.muli %add3A_225, %mul3A_496 : i32
        %swap3A_498 = arith.constant 0 : i32
        %swap3A_499 = arith.constant 10 : i32
        %swap3A_500 = arith.index_cast %swap3A_498 : i32 to index
        %swap3A_501 = arith.index_cast %swap3A_499 : i32 to index
        %swap3A_502 = arith.index_cast %mul3A_497 : i32 to index
        %swap3A_503 = tpu.vector_load %arg9[%swap3A_500, %swap3A_501, %swap3A_502] {strides = array<i32>} : memref<2x64x256xf32, #tpu.memory_space<vmem>>, vector<16xf32>,
        tpu.vector_store %arg9[%swap3A_500, %swap3A_501, %swap3A_502], %mul3A_495 {strides = array<i32>} : memref<2x64x256xf32, #tpu.memory_space<vmem>>, vector<16xf32>,
        %mul3A_504 = arith.constant 1.250000e-01 : f32
        %mul3A_505 = vector.broadcast %mul3A_504 : f32 to vector<16xf32>
        %mul3A_506 = arith.mulf %gather3A_347, %mul3A_505 : vector<16xf32>
        %mul3A_507 = arith.constant 16 : i32
        %mul3A_508 = arith.muli %add3A_225, %mul3A_507 : i32
        %swap3A_509 = arith.constant 0 : i32
        %swap3A_510 = arith.constant 11 : i32
        %swap3A_511 = arith.index_cast %swap3A_509 : i32 to index
        %swap3A_512 = arith.index_cast %swap3A_510 : i32 to index
        %swap3A_513 = arith.index_cast %mul3A_508 : i32 to index
        %swap3A_514 = tpu.vector_load %arg9[%swap3A_511, %swap3A_512, %swap3A_513] {strides = array<i32>} : memref<2x64x256xf32, #tpu.memory_space<vmem>>, vector<16xf32>,
        tpu.vector_store %arg9[%swap3A_511, %swap3A_512, %swap3A_513], %mul3A_506 {strides = array<i32>} : memref<2x64x256xf32, #tpu.memory_space<vmem>>, vector<16xf32>,
        %mul3A_515 = arith.constant 1.250000e-01 : f32
        %mul3A_516 = vector.broadcast %mul3A_515 : f32 to vector<16xf32>
        %mul3A_517 = arith.mulf %gather3A_356, %mul3A_516 : vector<16xf32>
        %mul3A_518 = arith.constant 16 : i32
        %mul3A_519 = arith.muli %add3A_225, %mul3A_518 : i32
        %swap3A_520 = arith.constant 0 : i32
        %swap3A_521 = arith.constant 12 : i32
        %swap3A_522 = arith.index_cast %swap3A_520 : i32 to index
        %swap3A_523 = arith.index_cast %swap3A_521 : i32 to index
        %swap3A_524 = arith.index_cast %mul3A_519 : i32 to index
        %swap3A_525 = tpu.vector_load %arg9[%swap3A_522, %swap3A_523, %swap3A_524] {strides = array<i32>} : memref<2x64x256xf32, #tpu.memory_space<vmem>>, vector<16xf32>,
        tpu.vector_store %arg9[%swap3A_522, %swap3A_523, %swap3A_524], %mul3A_517 {strides = array<i32>} : memref<2x64x256xf32, #tpu.memory_space<vmem>>, vector<16xf32>,
        %mul3A_526 = arith.constant 1.250000e-01 : f32
        %mul3A_527 = vector.broadcast %mul3A_526 : f32 to vector<16xf32>
        %mul3A_528 = arith.mulf %gather3A_365, %mul3A_527 : vector<16xf32>
        %mul3A_529 = arith.constant 16 : i32
        %mul3A_530 = arith.muli %add3A_225, %mul3A_529 : i32
        %swap3A_531 = arith.constant 0 : i32
        %swap3A_532 = arith.constant 13 : i32
        %swap3A_533 = arith.index_cast %swap3A_531 : i32 to index
        %swap3A_534 = arith.index_cast %swap3A_532 : i32 to index
        %swap3A_535 = arith.index_cast %mul3A_530 : i32 to index
        %swap3A_536 = tpu.vector_load %arg9[%swap3A_533, %swap3A_534, %swap3A_535] {strides = array<i32>} : memref<2x64x256xf32, #tpu.memory_space<vmem>>, vector<16xf32>,
        tpu.vector_store %arg9[%swap3A_533, %swap3A_534, %swap3A_535], %mul3A_528 {strides = array<i32>} : memref<2x64x256xf32, #tpu.memory_space<vmem>>, vector<16xf32>,
        %mul3A_537 = arith.constant 1.250000e-01 : f32
        %mul3A_538 = vector.broadcast %mul3A_537 : f32 to vector<16xf32>
        %mul3A_539 = arith.mulf %gather3A_374, %mul3A_538 : vector<16xf32>
        %mul3A_540 = arith.constant 16 : i32
        %mul3A_541 = arith.muli %add3A_225, %mul3A_540 : i32
        %swap3A_542 = arith.constant 0 : i32
        %swap3A_543 = arith.constant 14 : i32
        %swap3A_544 = arith.index_cast %swap3A_542 : i32 to index
        %swap3A_545 = arith.index_cast %swap3A_543 : i32 to index
        %swap3A_546 = arith.index_cast %mul3A_541 : i32 to index
        %swap3A_547 = tpu.vector_load %arg9[%swap3A_544, %swap3A_545, %swap3A_546] {strides = array<i32>} : memref<2x64x256xf32, #tpu.memory_space<vmem>>, vector<16xf32>,
        tpu.vector_store %arg9[%swap3A_544, %swap3A_545, %swap3A_546], %mul3A_539 {strides = array<i32>} : memref<2x64x256xf32, #tpu.memory_space<vmem>>, vector<16xf32>,
        %mul3A_548 = arith.constant 1.250000e-01 : f32
        %mul3A_549 = vector.broadcast %mul3A_548 : f32 to vector<16xf32>
        %mul3A_550 = arith.mulf %gather3A_383, %mul3A_549 : vector<16xf32>
        %mul3A_551 = arith.constant 16 : i32
        %mul3A_552 = arith.muli %add3A_225, %mul3A_551 : i32
        %swap3A_553 = arith.constant 0 : i32
        %swap3A_554 = arith.constant 15 : i32
        %swap3A_555 = arith.index_cast %swap3A_553 : i32 to index
        %swap3A_556 = arith.index_cast %swap3A_554 : i32 to index
        %swap3A_557 = arith.index_cast %mul3A_552 : i32 to index
        %swap3A_558 = tpu.vector_load %arg9[%swap3A_555, %swap3A_556, %swap3A_557] {strides = array<i32>} : memref<2x64x256xf32, #tpu.memory_space<vmem>>, vector<16xf32>,
        tpu.vector_store %arg9[%swap3A_555, %swap3A_556, %swap3A_557], %mul3A_550 {strides = array<i32>} : memref<2x64x256xf32, #tpu.memory_space<vmem>>, vector<16xf32>,
        %add3A_559 = arith.constant 16 : i32
        %add3A_560 = vector.broadcast %add3A_559 : i32 to vector<16xi32>
        %add3A_561 = arith.addi %shift_left3A_236, %add3A_560 : vector<16xi32>
        %gather3A_562 = arith.constant 0 : i32
        %gather3A_563 = arith.constant 0 : i32
        %gather3A_564 = arith.constant 0 : i32
        %gather3A_565 = tpu.memref_slice %arg8[%gather3A_562, %gather3A_563, %gather3A_564] : memref<2x256x128xf32, #tpu.memory_space<vmem>> -> memref<1x256x128xf32, #tpu.memory_space<vmem>>
        %gather3A_566 = tpu.memref_squeeze %gather3A_565 : memref<1x256x128xf32, #tpu.memory_space<vmem>> -> memref<256x128xf32, #tpu.memory_space<vmem>>
        %gather3A_567 = tpu.vector_load_idx %gather3A_566[%add3A_240, %add3A_561] : memref<256x128xf32, #tpu.memory_space<vmem>>[vector<16xi32>, vector<16xi32>], vector<16xf32>,
        %add3A_568 = arith.constant 17 : i32
        %add3A_569 = vector.broadcast %add3A_568 : i32 to vector<16xi32>
        %add3A_570 = arith.addi %shift_left3A_236, %add3A_569 : vector<16xi32>
        %gather3A_571 = arith.constant 0 : i32
        %gather3A_572 = arith.constant 0 : i32
        %gather3A_573 = arith.constant 0 : i32
        %gather3A_574 = tpu.memref_slice %arg8[%gather3A_571, %gather3A_572, %gather3A_573] : memref<2x256x128xf32, #tpu.memory_space<vmem>> -> memref<1x256x128xf32, #tpu.memory_space<vmem>>
        %gather3A_575 = tpu.memref_squeeze %gather3A_574 : memref<1x256x128xf32, #tpu.memory_space<vmem>> -> memref<256x128xf32, #tpu.memory_space<vmem>>
        %gather3A_576 = tpu.vector_load_idx %gather3A_575[%add3A_240, %add3A_570] : memref<256x128xf32, #tpu.memory_space<vmem>>[vector<16xi32>, vector<16xi32>], vector<16xf32>,
        %add3A_577 = arith.constant 18 : i32
        %add3A_578 = vector.broadcast %add3A_577 : i32 to vector<16xi32>
        %add3A_579 = arith.addi %shift_left3A_236, %add3A_578 : vector<16xi32>
        %gather3A_580 = arith.constant 0 : i32
        %gather3A_581 = arith.constant 0 : i32
        %gather3A_582 = arith.constant 0 : i32
        %gather3A_583 = tpu.memref_slice %arg8[%gather3A_580, %gather3A_581, %gather3A_582] : memref<2x256x128xf32, #tpu.memory_space<vmem>> -> memref<1x256x128xf32, #tpu.memory_space<vmem>>
        %gather3A_584 = tpu.memref_squeeze %gather3A_583 : memref<1x256x128xf32, #tpu.memory_space<vmem>> -> memref<256x128xf32, #tpu.memory_space<vmem>>
        %gather3A_585 = tpu.vector_load_idx %gather3A_584[%add3A_240, %add3A_579] : memref<256x128xf32, #tpu.memory_space<vmem>>[vector<16xi32>, vector<16xi32>], vector<16xf32>,
        %add3A_586 = arith.constant 19 : i32
        %add3A_587 = vector.broadcast %add3A_586 : i32 to vector<16xi32>
        %add3A_588 = arith.addi %shift_left3A_236, %add3A_587 : vector<16xi32>
        %gather3A_589 = arith.constant 0 : i32
        %gather3A_590 = arith.constant 0 : i32
        %gather3A_591 = arith.constant 0 : i32
        %gather3A_592 = tpu.memref_slice %arg8[%gather3A_589, %gather3A_590, %gather3A_591] : memref<2x256x128xf32, #tpu.memory_space<vmem>> -> memref<1x256x128xf32, #tpu.memory_space<vmem>>
        %gather3A_593 = tpu.memref_squeeze %gather3A_592 : memref<1x256x128xf32, #tpu.memory_space<vmem>> -> memref<256x128xf32, #tpu.memory_space<vmem>>
        %gather3A_594 = tpu.vector_load_idx %gather3A_593[%add3A_240, %add3A_588] : memref<256x128xf32, #tpu.memory_space<vmem>>[vector<16xi32>, vector<16xi32>], vector<16xf32>,
        %add3A_595 = arith.constant 20 : i32
        %add3A_596 = vector.broadcast %add3A_595 : i32 to vector<16xi32>
        %add3A_597 = arith.addi %shift_left3A_236, %add3A_596 : vector<16xi32>
        %gather3A_598 = arith.constant 0 : i32
        %gather3A_599 = arith.constant 0 : i32
        %gather3A_600 = arith.constant 0 : i32
        %gather3A_601 = tpu.memref_slice %arg8[%gather3A_598, %gather3A_599, %gather3A_600] : memref<2x256x128xf32, #tpu.memory_space<vmem>> -> memref<1x256x128xf32, #tpu.memory_space<vmem>>
        %gather3A_602 = tpu.memref_squeeze %gather3A_601 : memref<1x256x128xf32, #tpu.memory_space<vmem>> -> memref<256x128xf32, #tpu.memory_space<vmem>>
        %gather3A_603 = tpu.vector_load_idx %gather3A_602[%add3A_240, %add3A_597] : memref<256x128xf32, #tpu.memory_space<vmem>>[vector<16xi32>, vector<16xi32>], vector<16xf32>,
        %add3A_604 = arith.constant 21 : i32
        %add3A_605 = vector.broadcast %add3A_604 : i32 to vector<16xi32>
        %add3A_606 = arith.addi %shift_left3A_236, %add3A_605 : vector<16xi32>
        %gather3A_607 = arith.constant 0 : i32
        %gather3A_608 = arith.constant 0 : i32
        %gather3A_609 = arith.constant 0 : i32
        %gather3A_610 = tpu.memref_slice %arg8[%gather3A_607, %gather3A_608, %gather3A_609] : memref<2x256x128xf32, #tpu.memory_space<vmem>> -> memref<1x256x128xf32, #tpu.memory_space<vmem>>
        %gather3A_611 = tpu.memref_squeeze %gather3A_610 : memref<1x256x128xf32, #tpu.memory_space<vmem>> -> memref<256x128xf32, #tpu.memory_space<vmem>>
        %gather3A_612 = tpu.vector_load_idx %gather3A_611[%add3A_240, %add3A_606] : memref<256x128xf32, #tpu.memory_space<vmem>>[vector<16xi32>, vector<16xi32>], vector<16xf32>,
        %add3A_613 = arith.constant 22 : i32
        %add3A_614 = vector.broadcast %add3A_613 : i32 to vector<16xi32>
        %add3A_615 = arith.addi %shift_left3A_236, %add3A_614 : vector<16xi32>
        %gather3A_616 = arith.constant 0 : i32
        %gather3A_617 = arith.constant 0 : i32
        %gather3A_618 = arith.constant 0 : i32
        %gather3A_619 = tpu.memref_slice %arg8[%gather3A_616, %gather3A_617, %gather3A_618] : memref<2x256x128xf32, #tpu.memory_space<vmem>> -> memref<1x256x128xf32, #tpu.memory_space<vmem>>
        %gather3A_620 = tpu.memref_squeeze %gather3A_619 : memref<1x256x128xf32, #tpu.memory_space<vmem>> -> memref<256x128xf32, #tpu.memory_space<vmem>>
        %gather3A_621 = tpu.vector_load_idx %gather3A_620[%add3A_240, %add3A_615] : memref<256x128xf32, #tpu.memory_space<vmem>>[vector<16xi32>, vector<16xi32>], vector<16xf32>,
        %add3A_622 = arith.constant 23 : i32
        %add3A_623 = vector.broadcast %add3A_622 : i32 to vector<16xi32>
        %add3A_624 = arith.addi %shift_left3A_236, %add3A_623 : vector<16xi32>
        %gather3A_625 = arith.constant 0 : i32
        %gather3A_626 = arith.constant 0 : i32
        %gather3A_627 = arith.constant 0 : i32
        %gather3A_628 = tpu.memref_slice %arg8[%gather3A_625, %gather3A_626, %gather3A_627] : memref<2x256x128xf32, #tpu.memory_space<vmem>> -> memref<1x256x128xf32, #tpu.memory_space<vmem>>
        %gather3A_629 = tpu.memref_squeeze %gather3A_628 : memref<1x256x128xf32, #tpu.memory_space<vmem>> -> memref<256x128xf32, #tpu.memory_space<vmem>>
        %gather3A_630 = tpu.vector_load_idx %gather3A_629[%add3A_240, %add3A_624] : memref<256x128xf32, #tpu.memory_space<vmem>>[vector<16xi32>, vector<16xi32>], vector<16xf32>,
        %add3A_631 = arith.constant 24 : i32
        %add3A_632 = vector.broadcast %add3A_631 : i32 to vector<16xi32>
        %add3A_633 = arith.addi %shift_left3A_236, %add3A_632 : vector<16xi32>
        %gather3A_634 = arith.constant 0 : i32
        %gather3A_635 = arith.constant 0 : i32
        %gather3A_636 = arith.constant 0 : i32
        %gather3A_637 = tpu.memref_slice %arg8[%gather3A_634, %gather3A_635, %gather3A_636] : memref<2x256x128xf32, #tpu.memory_space<vmem>> -> memref<1x256x128xf32, #tpu.memory_space<vmem>>
        %gather3A_638 = tpu.memref_squeeze %gather3A_637 : memref<1x256x128xf32, #tpu.memory_space<vmem>> -> memref<256x128xf32, #tpu.memory_space<vmem>>
        %gather3A_639 = tpu.vector_load_idx %gather3A_638[%add3A_240, %add3A_633] : memref<256x128xf32, #tpu.memory_space<vmem>>[vector<16xi32>, vector<16xi32>], vector<16xf32>,
        %add3A_640 = arith.constant 25 : i32
        %add3A_641 = vector.broadcast %add3A_640 : i32 to vector<16xi32>
        %add3A_642 = arith.addi %shift_left3A_236, %add3A_641 : vector<16xi32>
        %gather3A_643 = arith.constant 0 : i32
        %gather3A_644 = arith.constant 0 : i32
        %gather3A_645 = arith.constant 0 : i32
        %gather3A_646 = tpu.memref_slice %arg8[%gather3A_643, %gather3A_644, %gather3A_645] : memref<2x256x128xf32, #tpu.memory_space<vmem>> -> memref<1x256x128xf32, #tpu.memory_space<vmem>>
        %gather3A_647 = tpu.memref_squeeze %gather3A_646 : memref<1x256x128xf32, #tpu.memory_space<vmem>> -> memref<256x128xf32, #tpu.memory_space<vmem>>
        %gather3A_648 = tpu.vector_load_idx %gather3A_647[%add3A_240, %add3A_642] : memref<256x128xf32, #tpu.memory_space<vmem>>[vector<16xi32>, vector<16xi32>], vector<16xf32>,
        %add3A_649 = arith.constant 26 : i32
        %add3A_650 = vector.broadcast %add3A_649 : i32 to vector<16xi32>
        %add3A_651 = arith.addi %shift_left3A_236, %add3A_650 : vector<16xi32>
        %gather3A_652 = arith.constant 0 : i32
        %gather3A_653 = arith.constant 0 : i32
        %gather3A_654 = arith.constant 0 : i32
        %gather3A_655 = tpu.memref_slice %arg8[%gather3A_652, %gather3A_653, %gather3A_654] : memref<2x256x128xf32, #tpu.memory_space<vmem>> -> memref<1x256x128xf32, #tpu.memory_space<vmem>>
        %gather3A_656 = tpu.memref_squeeze %gather3A_655 : memref<1x256x128xf32, #tpu.memory_space<vmem>> -> memref<256x128xf32, #tpu.memory_space<vmem>>
        %gather3A_657 = tpu.vector_load_idx %gather3A_656[%add3A_240, %add3A_651] : memref<256x128xf32, #tpu.memory_space<vmem>>[vector<16xi32>, vector<16xi32>], vector<16xf32>,
        %add3A_658 = arith.constant 27 : i32
        %add3A_659 = vector.broadcast %add3A_658 : i32 to vector<16xi32>
        %add3A_660 = arith.addi %shift_left3A_236, %add3A_659 : vector<16xi32>
        %gather3A_661 = arith.constant 0 : i32
        %gather3A_662 = arith.constant 0 : i32
        %gather3A_663 = arith.constant 0 : i32
        %gather3A_664 = tpu.memref_slice %arg8[%gather3A_661, %gather3A_662, %gather3A_663] : memref<2x256x128xf32, #tpu.memory_space<vmem>> -> memref<1x256x128xf32, #tpu.memory_space<vmem>>
        %gather3A_665 = tpu.memref_squeeze %gather3A_664 : memref<1x256x128xf32, #tpu.memory_space<vmem>> -> memref<256x128xf32, #tpu.memory_space<vmem>>
        %gather3A_666 = tpu.vector_load_idx %gather3A_665[%add3A_240, %add3A_660] : memref<256x128xf32, #tpu.memory_space<vmem>>[vector<16xi32>, vector<16xi32>], vector<16xf32>,
        %add3A_667 = arith.constant 28 : i32
        %add3A_668 = vector.broadcast %add3A_667 : i32 to vector<16xi32>
        %add3A_669 = arith.addi %shift_left3A_236, %add3A_668 : vector<16xi32>
        %gather3A_670 = arith.constant 0 : i32
        %gather3A_671 = arith.constant 0 : i32
        %gather3A_672 = arith.constant 0 : i32
        %gather3A_673 = tpu.memref_slice %arg8[%gather3A_670, %gather3A_671, %gather3A_672] : memref<2x256x128xf32, #tpu.memory_space<vmem>> -> memref<1x256x128xf32, #tpu.memory_space<vmem>>
        %gather3A_674 = tpu.memref_squeeze %gather3A_673 : memref<1x256x128xf32, #tpu.memory_space<vmem>> -> memref<256x128xf32, #tpu.memory_space<vmem>>
        %gather3A_675 = tpu.vector_load_idx %gather3A_674[%add3A_240, %add3A_669] : memref<256x128xf32, #tpu.memory_space<vmem>>[vector<16xi32>, vector<16xi32>], vector<16xf32>,
        %add3A_676 = arith.constant 29 : i32
        %add3A_677 = vector.broadcast %add3A_676 : i32 to vector<16xi32>
        %add3A_678 = arith.addi %shift_left3A_236, %add3A_677 : vector<16xi32>
        %gather3A_679 = arith.constant 0 : i32
        %gather3A_680 = arith.constant 0 : i32
        %gather3A_681 = arith.constant 0 : i32
        %gather3A_682 = tpu.memref_slice %arg8[%gather3A_679, %gather3A_680, %gather3A_681] : memref<2x256x128xf32, #tpu.memory_space<vmem>> -> memref<1x256x128xf32, #tpu.memory_space<vmem>>
        %gather3A_683 = tpu.memref_squeeze %gather3A_682 : memref<1x256x128xf32, #tpu.memory_space<vmem>> -> memref<256x128xf32, #tpu.memory_space<vmem>>
        %gather3A_684 = tpu.vector_load_idx %gather3A_683[%add3A_240, %add3A_678] : memref<256x128xf32, #tpu.memory_space<vmem>>[vector<16xi32>, vector<16xi32>], vector<16xf32>,
        %add3A_685 = arith.constant 30 : i32
        %add3A_686 = vector.broadcast %add3A_685 : i32 to vector<16xi32>
        %add3A_687 = arith.addi %shift_left3A_236, %add3A_686 : vector<16xi32>
        %gather3A_688 = arith.constant 0 : i32
        %gather3A_689 = arith.constant 0 : i32
        %gather3A_690 = arith.constant 0 : i32
        %gather3A_691 = tpu.memref_slice %arg8[%gather3A_688, %gather3A_689, %gather3A_690] : memref<2x256x128xf32, #tpu.memory_space<vmem>> -> memref<1x256x128xf32, #tpu.memory_space<vmem>>
        %gather3A_692 = tpu.memref_squeeze %gather3A_691 : memref<1x256x128xf32, #tpu.memory_space<vmem>> -> memref<256x128xf32, #tpu.memory_space<vmem>>
        %gather3A_693 = tpu.vector_load_idx %gather3A_692[%add3A_240, %add3A_687] : memref<256x128xf32, #tpu.memory_space<vmem>>[vector<16xi32>, vector<16xi32>], vector<16xf32>,
        %add3A_694 = arith.constant 31 : i32
        %add3A_695 = vector.broadcast %add3A_694 : i32 to vector<16xi32>
        %add3A_696 = arith.addi %shift_left3A_236, %add3A_695 : vector<16xi32>
        %gather3A_697 = arith.constant 0 : i32
        %gather3A_698 = arith.constant 0 : i32
        %gather3A_699 = arith.constant 0 : i32
        %gather3A_700 = tpu.memref_slice %arg8[%gather3A_697, %gather3A_698, %gather3A_699] : memref<2x256x128xf32, #tpu.memory_space<vmem>> -> memref<1x256x128xf32, #tpu.memory_space<vmem>>
        %gather3A_701 = tpu.memref_squeeze %gather3A_700 : memref<1x256x128xf32, #tpu.memory_space<vmem>> -> memref<256x128xf32, #tpu.memory_space<vmem>>
        %gather3A_702 = tpu.vector_load_idx %gather3A_701[%add3A_240, %add3A_696] : memref<256x128xf32, #tpu.memory_space<vmem>>[vector<16xi32>, vector<16xi32>], vector<16xf32>,
        %mul3A_703 = arith.constant 1.250000e-01 : f32
        %mul3A_704 = vector.broadcast %mul3A_703 : f32 to vector<16xf32>
        %mul3A_705 = arith.mulf %gather3A_567, %mul3A_704 : vector<16xf32>
        %mul3A_706 = arith.constant 16 : i32
        %mul3A_707 = arith.muli %add3A_225, %mul3A_706 : i32
        %swap3A_708 = arith.constant 0 : i32
        %swap3A_709 = arith.constant 16 : i32
        %swap3A_710 = arith.index_cast %swap3A_708 : i32 to index
        %swap3A_711 = arith.index_cast %swap3A_709 : i32 to index
        %swap3A_712 = arith.index_cast %mul3A_707 : i32 to index
        %swap3A_713 = tpu.vector_load %arg9[%swap3A_710, %swap3A_711, %swap3A_712] {strides = array<i32>} : memref<2x64x256xf32, #tpu.memory_space<vmem>>, vector<16xf32>,
        tpu.vector_store %arg9[%swap3A_710, %swap3A_711, %swap3A_712], %mul3A_705 {strides = array<i32>} : memref<2x64x256xf32, #tpu.memory_space<vmem>>, vector<16xf32>,
        %mul3A_714 = arith.constant 1.250000e-01 : f32
        %mul3A_715 = vector.broadcast %mul3A_714 : f32 to vector<16xf32>
        %mul3A_716 = arith.mulf %gather3A_576, %mul3A_715 : vector<16xf32>
        %mul3A_717 = arith.constant 16 : i32
        %mul3A_718 = arith.muli %add3A_225, %mul3A_717 : i32
        %swap3A_719 = arith.constant 0 : i32
        %swap3A_720 = arith.constant 17 : i32
        %swap3A_721 = arith.index_cast %swap3A_719 : i32 to index
        %swap3A_722 = arith.index_cast %swap3A_720 : i32 to index
        %swap3A_723 = arith.index_cast %mul3A_718 : i32 to index
        %swap3A_724 = tpu.vector_load %arg9[%swap3A_721, %swap3A_722, %swap3A_723] {strides = array<i32>} : memref<2x64x256xf32, #tpu.memory_space<vmem>>, vector<16xf32>,
        tpu.vector_store %arg9[%swap3A_721, %swap3A_722, %swap3A_723], %mul3A_716 {strides = array<i32>} : memref<2x64x256xf32, #tpu.memory_space<vmem>>, vector<16xf32>,
        %mul3A_725 = arith.constant 1.250000e-01 : f32
        %mul3A_726 = vector.broadcast %mul3A_725 : f32 to vector<16xf32>
        %mul3A_727 = arith.mulf %gather3A_585, %mul3A_726 : vector<16xf32>
        %mul3A_728 = arith.constant 16 : i32
        %mul3A_729 = arith.muli %add3A_225, %mul3A_728 : i32
        %swap3A_730 = arith.constant 0 : i32
        %swap3A_731 = arith.constant 18 : i32
        %swap3A_732 = arith.index_cast %swap3A_730 : i32 to index
        %swap3A_733 = arith.index_cast %swap3A_731 : i32 to index
        %swap3A_734 = arith.index_cast %mul3A_729 : i32 to index
        %swap3A_735 = tpu.vector_load %arg9[%swap3A_732, %swap3A_733, %swap3A_734] {strides = array<i32>} : memref<2x64x256xf32, #tpu.memory_space<vmem>>, vector<16xf32>,
        tpu.vector_store %arg9[%swap3A_732, %swap3A_733, %swap3A_734], %mul3A_727 {strides = array<i32>} : memref<2x64x256xf32, #tpu.memory_space<vmem>>, vector<16xf32>,
        %mul3A_736 = arith.constant 1.250000e-01 : f32
        %mul3A_737 = vector.broadcast %mul3A_736 : f32 to vector<16xf32>
        %mul3A_738 = arith.mulf %gather3A_594, %mul3A_737 : vector<16xf32>
        %mul3A_739 = arith.constant 16 : i32
        %mul3A_740 = arith.muli %add3A_225, %mul3A_739 : i32
        %swap3A_741 = arith.constant 0 : i32
        %swap3A_742 = arith.constant 19 : i32
        %swap3A_743 = arith.index_cast %swap3A_741 : i32 to index
        %swap3A_744 = arith.index_cast %swap3A_742 : i32 to index
        %swap3A_745 = arith.index_cast %mul3A_740 : i32 to index
        %swap3A_746 = tpu.vector_load %arg9[%swap3A_743, %swap3A_744, %swap3A_745] {strides = array<i32>} : memref<2x64x256xf32, #tpu.memory_space<vmem>>, vector<16xf32>,
        tpu.vector_store %arg9[%swap3A_743, %swap3A_744, %swap3A_745], %mul3A_738 {strides = array<i32>} : memref<2x64x256xf32, #tpu.memory_space<vmem>>, vector<16xf32>,
        %mul3A_747 = arith.constant 1.250000e-01 : f32
        %mul3A_748 = vector.broadcast %mul3A_747 : f32 to vector<16xf32>
        %mul3A_749 = arith.mulf %gather3A_603, %mul3A_748 : vector<16xf32>
        %mul3A_750 = arith.constant 16 : i32
        %mul3A_751 = arith.muli %add3A_225, %mul3A_750 : i32
        %swap3A_752 = arith.constant 0 : i32
        %swap3A_753 = arith.constant 20 : i32
        %swap3A_754 = arith.index_cast %swap3A_752 : i32 to index
        %swap3A_755 = arith.index_cast %swap3A_753 : i32 to index
        %swap3A_756 = arith.index_cast %mul3A_751 : i32 to index
        %swap3A_757 = tpu.vector_load %arg9[%swap3A_754, %swap3A_755, %swap3A_756] {strides = array<i32>} : memref<2x64x256xf32, #tpu.memory_space<vmem>>, vector<16xf32>,
        tpu.vector_store %arg9[%swap3A_754, %swap3A_755, %swap3A_756], %mul3A_749 {strides = array<i32>} : memref<2x64x256xf32, #tpu.memory_space<vmem>>, vector<16xf32>,
        %mul3A_758 = arith.constant 1.250000e-01 : f32
        %mul3A_759 = vector.broadcast %mul3A_758 : f32 to vector<16xf32>
        %mul3A_760 = arith.mulf %gather3A_612, %mul3A_759 : vector<16xf32>
        %mul3A_761 = arith.constant 16 : i32
        %mul3A_762 = arith.muli %add3A_225, %mul3A_761 : i32
        %swap3A_763 = arith.constant 0 : i32
        %swap3A_764 = arith.constant 21 : i32
        %swap3A_765 = arith.index_cast %swap3A_763 : i32 to index
        %swap3A_766 = arith.index_cast %swap3A_764 : i32 to index
        %swap3A_767 = arith.index_cast %mul3A_762 : i32 to index
        %swap3A_768 = tpu.vector_load %arg9[%swap3A_765, %swap3A_766, %swap3A_767] {strides = array<i32>} : memref<2x64x256xf32, #tpu.memory_space<vmem>>, vector<16xf32>,
        tpu.vector_store %arg9[%swap3A_765, %swap3A_766, %swap3A_767], %mul3A_760 {strides = array<i32>} : memref<2x64x256xf32, #tpu.memory_space<vmem>>, vector<16xf32>,
        %mul3A_769 = arith.constant 1.250000e-01 : f32
        %mul3A_770 = vector.broadcast %mul3A_769 : f32 to vector<16xf32>
        %mul3A_771 = arith.mulf %gather3A_621, %mul3A_770 : vector<16xf32>
        %mul3A_772 = arith.constant 16 : i32
        %mul3A_773 = arith.muli %add3A_225, %mul3A_772 : i32
        %swap3A_774 = arith.constant 0 : i32
        %swap3A_775 = arith.constant 22 : i32
        %swap3A_776 = arith.index_cast %swap3A_774 : i32 to index
        %swap3A_777 = arith.index_cast %swap3A_775 : i32 to index
        %swap3A_778 = arith.index_cast %mul3A_773 : i32 to index
        %swap3A_779 = tpu.vector_load %arg9[%swap3A_776, %swap3A_777, %swap3A_778] {strides = array<i32>} : memref<2x64x256xf32, #tpu.memory_space<vmem>>, vector<16xf32>,
        tpu.vector_store %arg9[%swap3A_776, %swap3A_777, %swap3A_778], %mul3A_771 {strides = array<i32>} : memref<2x64x256xf32, #tpu.memory_space<vmem>>, vector<16xf32>,
        %mul3A_780 = arith.constant 1.250000e-01 : f32
        %mul3A_781 = vector.broadcast %mul3A_780 : f32 to vector<16xf32>
        %mul3A_782 = arith.mulf %gather3A_630, %mul3A_781 : vector<16xf32>
        %mul3A_783 = arith.constant 16 : i32
        %mul3A_784 = arith.muli %add3A_225, %mul3A_783 : i32
        %swap3A_785 = arith.constant 0 : i32
        %swap3A_786 = arith.constant 23 : i32
        %swap3A_787 = arith.index_cast %swap3A_785 : i32 to index
        %swap3A_788 = arith.index_cast %swap3A_786 : i32 to index
        %swap3A_789 = arith.index_cast %mul3A_784 : i32 to index
        %swap3A_790 = tpu.vector_load %arg9[%swap3A_787, %swap3A_788, %swap3A_789] {strides = array<i32>} : memref<2x64x256xf32, #tpu.memory_space<vmem>>, vector<16xf32>,
        tpu.vector_store %arg9[%swap3A_787, %swap3A_788, %swap3A_789], %mul3A_782 {strides = array<i32>} : memref<2x64x256xf32, #tpu.memory_space<vmem>>, vector<16xf32>,
        %mul3A_791 = arith.constant 1.250000e-01 : f32
        %mul3A_792 = vector.broadcast %mul3A_791 : f32 to vector<16xf32>
        %mul3A_793 = arith.mulf %gather3A_639, %mul3A_792 : vector<16xf32>
        %mul3A_794 = arith.constant 16 : i32
        %mul3A_795 = arith.muli %add3A_225, %mul3A_794 : i32
        %swap3A_796 = arith.constant 0 : i32
        %swap3A_797 = arith.constant 24 : i32
        %swap3A_798 = arith.index_cast %swap3A_796 : i32 to index
        %swap3A_799 = arith.index_cast %swap3A_797 : i32 to index
        %swap3A_800 = arith.index_cast %mul3A_795 : i32 to index
        %swap3A_801 = tpu.vector_load %arg9[%swap3A_798, %swap3A_799, %swap3A_800] {strides = array<i32>} : memref<2x64x256xf32, #tpu.memory_space<vmem>>, vector<16xf32>,
        tpu.vector_store %arg9[%swap3A_798, %swap3A_799, %swap3A_800], %mul3A_793 {strides = array<i32>} : memref<2x64x256xf32, #tpu.memory_space<vmem>>, vector<16xf32>,
        %mul3A_802 = arith.constant 1.250000e-01 : f32
        %mul3A_803 = vector.broadcast %mul3A_802 : f32 to vector<16xf32>
        %mul3A_804 = arith.mulf %gather3A_648, %mul3A_803 : vector<16xf32>
        %mul3A_805 = arith.constant 16 : i32
        %mul3A_806 = arith.muli %add3A_225, %mul3A_805 : i32
        %swap3A_807 = arith.constant 0 : i32
        %swap3A_808 = arith.constant 25 : i32
        %swap3A_809 = arith.index_cast %swap3A_807 : i32 to index
        %swap3A_810 = arith.index_cast %swap3A_808 : i32 to index
        %swap3A_811 = arith.index_cast %mul3A_806 : i32 to index
        %swap3A_812 = tpu.vector_load %arg9[%swap3A_809, %swap3A_810, %swap3A_811] {strides = array<i32>} : memref<2x64x256xf32, #tpu.memory_space<vmem>>, vector<16xf32>,
        tpu.vector_store %arg9[%swap3A_809, %swap3A_810, %swap3A_811], %mul3A_804 {strides = array<i32>} : memref<2x64x256xf32, #tpu.memory_space<vmem>>, vector<16xf32>,
        %mul3A_813 = arith.constant 1.250000e-01 : f32
        %mul3A_814 = vector.broadcast %mul3A_813 : f32 to vector<16xf32>
        %mul3A_815 = arith.mulf %gather3A_657, %mul3A_814 : vector<16xf32>
        %mul3A_816 = arith.constant 16 : i32
        %mul3A_817 = arith.muli %add3A_225, %mul3A_816 : i32
        %swap3A_818 = arith.constant 0 : i32
        %swap3A_819 = arith.constant 26 : i32
        %swap3A_820 = arith.index_cast %swap3A_818 : i32 to index
        %swap3A_821 = arith.index_cast %swap3A_819 : i32 to index
        %swap3A_822 = arith.index_cast %mul3A_817 : i32 to index
        %swap3A_823 = tpu.vector_load %arg9[%swap3A_820, %swap3A_821, %swap3A_822] {strides = array<i32>} : memref<2x64x256xf32, #tpu.memory_space<vmem>>, vector<16xf32>,
        tpu.vector_store %arg9[%swap3A_820, %swap3A_821, %swap3A_822], %mul3A_815 {strides = array<i32>} : memref<2x64x256xf32, #tpu.memory_space<vmem>>, vector<16xf32>,
        %mul3A_824 = arith.constant 1.250000e-01 : f32
        %mul3A_825 = vector.broadcast %mul3A_824 : f32 to vector<16xf32>
        %mul3A_826 = arith.mulf %gather3A_666, %mul3A_825 : vector<16xf32>
        %mul3A_827 = arith.constant 16 : i32
        %mul3A_828 = arith.muli %add3A_225, %mul3A_827 : i32
        %swap3A_829 = arith.constant 0 : i32
        %swap3A_830 = arith.constant 27 : i32
        %swap3A_831 = arith.index_cast %swap3A_829 : i32 to index
        %swap3A_832 = arith.index_cast %swap3A_830 : i32 to index
        %swap3A_833 = arith.index_cast %mul3A_828 : i32 to index
        %swap3A_834 = tpu.vector_load %arg9[%swap3A_831, %swap3A_832, %swap3A_833] {strides = array<i32>} : memref<2x64x256xf32, #tpu.memory_space<vmem>>, vector<16xf32>,
        tpu.vector_store %arg9[%swap3A_831, %swap3A_832, %swap3A_833], %mul3A_826 {strides = array<i32>} : memref<2x64x256xf32, #tpu.memory_space<vmem>>, vector<16xf32>,
        %mul3A_835 = arith.constant 1.250000e-01 : f32
        %mul3A_836 = vector.broadcast %mul3A_835 : f32 to vector<16xf32>
        %mul3A_837 = arith.mulf %gather3A_675, %mul3A_836 : vector<16xf32>
        %mul3A_838 = arith.constant 16 : i32
        %mul3A_839 = arith.muli %add3A_225, %mul3A_838 : i32
        %swap3A_840 = arith.constant 0 : i32
        %swap3A_841 = arith.constant 28 : i32
        %swap3A_842 = arith.index_cast %swap3A_840 : i32 to index
        %swap3A_843 = arith.index_cast %swap3A_841 : i32 to index
        %swap3A_844 = arith.index_cast %mul3A_839 : i32 to index
        %swap3A_845 = tpu.vector_load %arg9[%swap3A_842, %swap3A_843, %swap3A_844] {strides = array<i32>} : memref<2x64x256xf32, #tpu.memory_space<vmem>>, vector<16xf32>,
        tpu.vector_store %arg9[%swap3A_842, %swap3A_843, %swap3A_844], %mul3A_837 {strides = array<i32>} : memref<2x64x256xf32, #tpu.memory_space<vmem>>, vector<16xf32>,
        %mul3A_846 = arith.constant 1.250000e-01 : f32
        %mul3A_847 = vector.broadcast %mul3A_846 : f32 to vector<16xf32>
        %mul3A_848 = arith.mulf %gather3A_684, %mul3A_847 : vector<16xf32>
        %mul3A_849 = arith.constant 16 : i32
        %mul3A_850 = arith.muli %add3A_225, %mul3A_849 : i32
        %swap3A_851 = arith.constant 0 : i32
        %swap3A_852 = arith.constant 29 : i32
        %swap3A_853 = arith.index_cast %swap3A_851 : i32 to index
        %swap3A_854 = arith.index_cast %swap3A_852 : i32 to index
        %swap3A_855 = arith.index_cast %mul3A_850 : i32 to index
        %swap3A_856 = tpu.vector_load %arg9[%swap3A_853, %swap3A_854, %swap3A_855] {strides = array<i32>} : memref<2x64x256xf32, #tpu.memory_space<vmem>>, vector<16xf32>,
        tpu.vector_store %arg9[%swap3A_853, %swap3A_854, %swap3A_855], %mul3A_848 {strides = array<i32>} : memref<2x64x256xf32, #tpu.memory_space<vmem>>, vector<16xf32>,
        %mul3A_857 = arith.constant 1.250000e-01 : f32
        %mul3A_858 = vector.broadcast %mul3A_857 : f32 to vector<16xf32>
        %mul3A_859 = arith.mulf %gather3A_693, %mul3A_858 : vector<16xf32>
        %mul3A_860 = arith.constant 16 : i32
        %mul3A_861 = arith.muli %add3A_225, %mul3A_860 : i32
        %swap3A_862 = arith.constant 0 : i32
        %swap3A_863 = arith.constant 30 : i32
        %swap3A_864 = arith.index_cast %swap3A_862 : i32 to index
        %swap3A_865 = arith.index_cast %swap3A_863 : i32 to index
        %swap3A_866 = arith.index_cast %mul3A_861 : i32 to index
        %swap3A_867 = tpu.vector_load %arg9[%swap3A_864, %swap3A_865, %swap3A_866] {strides = array<i32>} : memref<2x64x256xf32, #tpu.memory_space<vmem>>, vector<16xf32>,
        tpu.vector_store %arg9[%swap3A_864, %swap3A_865, %swap3A_866], %mul3A_859 {strides = array<i32>} : memref<2x64x256xf32, #tpu.memory_space<vmem>>, vector<16xf32>,
        %mul3A_868 = arith.constant 1.250000e-01 : f32
        %mul3A_869 = vector.broadcast %mul3A_868 : f32 to vector<16xf32>
        %mul3A_870 = arith.mulf %gather3A_702, %mul3A_869 : vector<16xf32>
        %mul3A_871 = arith.constant 16 : i32
        %mul3A_872 = arith.muli %add3A_225, %mul3A_871 : i32
        %swap3A_873 = arith.constant 0 : i32
        %swap3A_874 = arith.constant 31 : i32
        %swap3A_875 = arith.index_cast %swap3A_873 : i32 to index
        %swap3A_876 = arith.index_cast %swap3A_874 : i32 to index
        %swap3A_877 = arith.index_cast %mul3A_872 : i32 to index
        %swap3A_878 = tpu.vector_load %arg9[%swap3A_875, %swap3A_876, %swap3A_877] {strides = array<i32>} : memref<2x64x256xf32, #tpu.memory_space<vmem>>, vector<16xf32>,
        tpu.vector_store %arg9[%swap3A_875, %swap3A_876, %swap3A_877], %mul3A_870 {strides = array<i32>} : memref<2x64x256xf32, #tpu.memory_space<vmem>>, vector<16xf32>,
        %add3A_879 = arith.constant 32 : i32
        %add3A_880 = vector.broadcast %add3A_879 : i32 to vector<16xi32>
        %add3A_881 = arith.addi %shift_left3A_236, %add3A_880 : vector<16xi32>
        %gather3A_882 = arith.constant 0 : i32
        %gather3A_883 = arith.constant 0 : i32
        %gather3A_884 = arith.constant 0 : i32
        %gather3A_885 = tpu.memref_slice %arg8[%gather3A_882, %gather3A_883, %gather3A_884] : memref<2x256x128xf32, #tpu.memory_space<vmem>> -> memref<1x256x128xf32, #tpu.memory_space<vmem>>
        %gather3A_886 = tpu.memref_squeeze %gather3A_885 : memref<1x256x128xf32, #tpu.memory_space<vmem>> -> memref<256x128xf32, #tpu.memory_space<vmem>>
        %gather3A_887 = tpu.vector_load_idx %gather3A_886[%add3A_240, %add3A_881] : memref<256x128xf32, #tpu.memory_space<vmem>>[vector<16xi32>, vector<16xi32>], vector<16xf32>,
        %add3A_888 = arith.constant 33 : i32
        %add3A_889 = vector.broadcast %add3A_888 : i32 to vector<16xi32>
        %add3A_890 = arith.addi %shift_left3A_236, %add3A_889 : vector<16xi32>
        %gather3A_891 = arith.constant 0 : i32
        %gather3A_892 = arith.constant 0 : i32
        %gather3A_893 = arith.constant 0 : i32
        %gather3A_894 = tpu.memref_slice %arg8[%gather3A_891, %gather3A_892, %gather3A_893] : memref<2x256x128xf32, #tpu.memory_space<vmem>> -> memref<1x256x128xf32, #tpu.memory_space<vmem>>
        %gather3A_895 = tpu.memref_squeeze %gather3A_894 : memref<1x256x128xf32, #tpu.memory_space<vmem>> -> memref<256x128xf32, #tpu.memory_space<vmem>>
        %gather3A_896 = tpu.vector_load_idx %gather3A_895[%add3A_240, %add3A_890] : memref<256x128xf32, #tpu.memory_space<vmem>>[vector<16xi32>, vector<16xi32>], vector<16xf32>,
        %add3A_897 = arith.constant 34 : i32
        %add3A_898 = vector.broadcast %add3A_897 : i32 to vector<16xi32>
        %add3A_899 = arith.addi %shift_left3A_236, %add3A_898 : vector<16xi32>
        %gather3A_900 = arith.constant 0 : i32
        %gather3A_901 = arith.constant 0 : i32
        %gather3A_902 = arith.constant 0 : i32
        %gather3A_903 = tpu.memref_slice %arg8[%gather3A_900, %gather3A_901, %gather3A_902] : memref<2x256x128xf32, #tpu.memory_space<vmem>> -> memref<1x256x128xf32, #tpu.memory_space<vmem>>
        %gather3A_904 = tpu.memref_squeeze %gather3A_903 : memref<1x256x128xf32, #tpu.memory_space<vmem>> -> memref<256x128xf32, #tpu.memory_space<vmem>>
        %gather3A_905 = tpu.vector_load_idx %gather3A_904[%add3A_240, %add3A_899] : memref<256x128xf32, #tpu.memory_space<vmem>>[vector<16xi32>, vector<16xi32>], vector<16xf32>,
        %add3A_906 = arith.constant 35 : i32
        %add3A_907 = vector.broadcast %add3A_906 : i32 to vector<16xi32>
        %add3A_908 = arith.addi %shift_left3A_236, %add3A_907 : vector<16xi32>
        %gather3A_909 = arith.constant 0 : i32
        %gather3A_910 = arith.constant 0 : i32
        %gather3A_911 = arith.constant 0 : i32
        %gather3A_912 = tpu.memref_slice %arg8[%gather3A_909, %gather3A_910, %gather3A_911] : memref<2x256x128xf32, #tpu.memory_space<vmem>> -> memref<1x256x128xf32, #tpu.memory_space<vmem>>
        %gather3A_913 = tpu.memref_squeeze %gather3A_912 : memref<1x256x128xf32, #tpu.memory_space<vmem>> -> memref<256x128xf32, #tpu.memory_space<vmem>>
        %gather3A_914 = tpu.vector_load_idx %gather3A_913[%add3A_240, %add3A_908] : memref<256x128xf32, #tpu.memory_space<vmem>>[vector<16xi32>, vector<16xi32>], vector<16xf32>,
        %add3A_915 = arith.constant 36 : i32
        %add3A_916 = vector.broadcast %add3A_915 : i32 to vector<16xi32>
        %add3A_917 = arith.addi %shift_left3A_236, %add3A_916 : vector<16xi32>
        %gather3A_918 = arith.constant 0 : i32
        %gather3A_919 = arith.constant 0 : i32
        %gather3A_920 = arith.constant 0 : i32
        %gather3A_921 = tpu.memref_slice %arg8[%gather3A_918, %gather3A_919, %gather3A_920] : memref<2x256x128xf32, #tpu.memory_space<vmem>> -> memref<1x256x128xf32, #tpu.memory_space<vmem>>
        %gather3A_922 = tpu.memref_squeeze %gather3A_921 : memref<1x256x128xf32, #tpu.memory_space<vmem>> -> memref<256x128xf32, #tpu.memory_space<vmem>>
        %gather3A_923 = tpu.vector_load_idx %gather3A_922[%add3A_240, %add3A_917] : memref<256x128xf32, #tpu.memory_space<vmem>>[vector<16xi32>, vector<16xi32>], vector<16xf32>,
        %add3A_924 = arith.constant 37 : i32
        %add3A_925 = vector.broadcast %add3A_924 : i32 to vector<16xi32>
        %add3A_926 = arith.addi %shift_left3A_236, %add3A_925 : vector<16xi32>
        %gather3A_927 = arith.constant 0 : i32
        %gather3A_928 = arith.constant 0 : i32
        %gather3A_929 = arith.constant 0 : i32
        %gather3A_930 = tpu.memref_slice %arg8[%gather3A_927, %gather3A_928, %gather3A_929] : memref<2x256x128xf32, #tpu.memory_space<vmem>> -> memref<1x256x128xf32, #tpu.memory_space<vmem>>
        %gather3A_931 = tpu.memref_squeeze %gather3A_930 : memref<1x256x128xf32, #tpu.memory_space<vmem>> -> memref<256x128xf32, #tpu.memory_space<vmem>>
        %gather3A_932 = tpu.vector_load_idx %gather3A_931[%add3A_240, %add3A_926] : memref<256x128xf32, #tpu.memory_space<vmem>>[vector<16xi32>, vector<16xi32>], vector<16xf32>,
        %add3A_933 = arith.constant 38 : i32
        %add3A_934 = vector.broadcast %add3A_933 : i32 to vector<16xi32>
        %add3A_935 = arith.addi %shift_left3A_236, %add3A_934 : vector<16xi32>
        %gather3A_936 = arith.constant 0 : i32
        %gather3A_937 = arith.constant 0 : i32
        %gather3A_938 = arith.constant 0 : i32
        %gather3A_939 = tpu.memref_slice %arg8[%gather3A_936, %gather3A_937, %gather3A_938] : memref<2x256x128xf32, #tpu.memory_space<vmem>> -> memref<1x256x128xf32, #tpu.memory_space<vmem>>
        %gather3A_940 = tpu.memref_squeeze %gather3A_939 : memref<1x256x128xf32, #tpu.memory_space<vmem>> -> memref<256x128xf32, #tpu.memory_space<vmem>>
        %gather3A_941 = tpu.vector_load_idx %gather3A_940[%add3A_240, %add3A_935] : memref<256x128xf32, #tpu.memory_space<vmem>>[vector<16xi32>, vector<16xi32>], vector<16xf32>,
        %add3A_942 = arith.constant 39 : i32
        %add3A_943 = vector.broadcast %add3A_942 : i32 to vector<16xi32>
        %add3A_944 = arith.addi %shift_left3A_236, %add3A_943 : vector<16xi32>
        %gather3A_945 = arith.constant 0 : i32
        %gather3A_946 = arith.constant 0 : i32
        %gather3A_947 = arith.constant 0 : i32
        %gather3A_948 = tpu.memref_slice %arg8[%gather3A_945, %gather3A_946, %gather3A_947] : memref<2x256x128xf32, #tpu.memory_space<vmem>> -> memref<1x256x128xf32, #tpu.memory_space<vmem>>
        %gather3A_949 = tpu.memref_squeeze %gather3A_948 : memref<1x256x128xf32, #tpu.memory_space<vmem>> -> memref<256x128xf32, #tpu.memory_space<vmem>>
        %gather3A_950 = tpu.vector_load_idx %gather3A_949[%add3A_240, %add3A_944] : memref<256x128xf32, #tpu.memory_space<vmem>>[vector<16xi32>, vector<16xi32>], vector<16xf32>,
        %add3A_951 = arith.constant 40 : i32
        %add3A_952 = vector.broadcast %add3A_951 : i32 to vector<16xi32>
        %add3A_953 = arith.addi %shift_left3A_236, %add3A_952 : vector<16xi32>
        %gather3A_954 = arith.constant 0 : i32
        %gather3A_955 = arith.constant 0 : i32
        %gather3A_956 = arith.constant 0 : i32
        %gather3A_957 = tpu.memref_slice %arg8[%gather3A_954, %gather3A_955, %gather3A_956] : memref<2x256x128xf32, #tpu.memory_space<vmem>> -> memref<1x256x128xf32, #tpu.memory_space<vmem>>
        %gather3A_958 = tpu.memref_squeeze %gather3A_957 : memref<1x256x128xf32, #tpu.memory_space<vmem>> -> memref<256x128xf32, #tpu.memory_space<vmem>>
        %gather3A_959 = tpu.vector_load_idx %gather3A_958[%add3A_240, %add3A_953] : memref<256x128xf32, #tpu.memory_space<vmem>>[vector<16xi32>, vector<16xi32>], vector<16xf32>,
        %add3A_960 = arith.constant 41 : i32
        %add3A_961 = vector.broadcast %add3A_960 : i32 to vector<16xi32>
        %add3A_962 = arith.addi %shift_left3A_236, %add3A_961 : vector<16xi32>
        %gather3A_963 = arith.constant 0 : i32
        %gather3A_964 = arith.constant 0 : i32
        %gather3A_965 = arith.constant 0 : i32
        %gather3A_966 = tpu.memref_slice %arg8[%gather3A_963, %gather3A_964, %gather3A_965] : memref<2x256x128xf32, #tpu.memory_space<vmem>> -> memref<1x256x128xf32, #tpu.memory_space<vmem>>
        %gather3A_967 = tpu.memref_squeeze %gather3A_966 : memref<1x256x128xf32, #tpu.memory_space<vmem>> -> memref<256x128xf32, #tpu.memory_space<vmem>>
        %gather3A_968 = tpu.vector_load_idx %gather3A_967[%add3A_240, %add3A_962] : memref<256x128xf32, #tpu.memory_space<vmem>>[vector<16xi32>, vector<16xi32>], vector<16xf32>,
        %add3A_969 = arith.constant 42 : i32
        %add3A_970 = vector.broadcast %add3A_969 : i32 to vector<16xi32>
        %add3A_971 = arith.addi %shift_left3A_236, %add3A_970 : vector<16xi32>
        %gather3A_972 = arith.constant 0 : i32
        %gather3A_973 = arith.constant 0 : i32
        %gather3A_974 = arith.constant 0 : i32
        %gather3A_975 = tpu.memref_slice %arg8[%gather3A_972, %gather3A_973, %gather3A_974] : memref<2x256x128xf32, #tpu.memory_space<vmem>> -> memref<1x256x128xf32, #tpu.memory_space<vmem>>
        %gather3A_976 = tpu.memref_squeeze %gather3A_975 : memref<1x256x128xf32, #tpu.memory_space<vmem>> -> memref<256x128xf32, #tpu.memory_space<vmem>>
        %gather3A_977 = tpu.vector_load_idx %gather3A_976[%add3A_240, %add3A_971] : memref<256x128xf32, #tpu.memory_space<vmem>>[vector<16xi32>, vector<16xi32>], vector<16xf32>,
        %add3A_978 = arith.constant 43 : i32
        %add3A_979 = vector.broadcast %add3A_978 : i32 to vector<16xi32>
        %add3A_980 = arith.addi %shift_left3A_236, %add3A_979 : vector<16xi32>
        %gather3A_981 = arith.constant 0 : i32
        %gather3A_982 = arith.constant 0 : i32
        %gather3A_983 = arith.constant 0 : i32
        %gather3A_984 = tpu.memref_slice %arg8[%gather3A_981, %gather3A_982, %gather3A_983] : memref<2x256x128xf32, #tpu.memory_space<vmem>> -> memref<1x256x128xf32, #tpu.memory_space<vmem>>
        %gather3A_985 = tpu.memref_squeeze %gather3A_984 : memref<1x256x128xf32, #tpu.memory_space<vmem>> -> memref<256x128xf32, #tpu.memory_space<vmem>>
        %gather3A_986 = tpu.vector_load_idx %gather3A_985[%add3A_240, %add3A_980] : memref<256x128xf32, #tpu.memory_space<vmem>>[vector<16xi32>, vector<16xi32>], vector<16xf32>,
        %add3A_987 = arith.constant 44 : i32
        %add3A_988 = vector.broadcast %add3A_987 : i32 to vector<16xi32>
        %add3A_989 = arith.addi %shift_left3A_236, %add3A_988 : vector<16xi32>
        %gather3A_990 = arith.constant 0 : i32
        %gather3A_991 = arith.constant 0 : i32
        %gather3A_992 = arith.constant 0 : i32
        %gather3A_993 = tpu.memref_slice %arg8[%gather3A_990, %gather3A_991, %gather3A_992] : memref<2x256x128xf32, #tpu.memory_space<vmem>> -> memref<1x256x128xf32, #tpu.memory_space<vmem>>
        %gather3A_994 = tpu.memref_squeeze %gather3A_993 : memref<1x256x128xf32, #tpu.memory_space<vmem>> -> memref<256x128xf32, #tpu.memory_space<vmem>>
        %gather3A_995 = tpu.vector_load_idx %gather3A_994[%add3A_240, %add3A_989] : memref<256x128xf32, #tpu.memory_space<vmem>>[vector<16xi32>, vector<16xi32>], vector<16xf32>,
        %add3A_996 = arith.constant 45 : i32
        %add3A_997 = vector.broadcast %add3A_996 : i32 to vector<16xi32>
        %add3A_998 = arith.addi %shift_left3A_236, %add3A_997 : vector<16xi32>
        %gather3A_999 = arith.constant 0 : i32
        %gather3A_1000 = arith.constant 0 : i32
        %gather3A_1001 = arith.constant 0 : i32
        %gather3A_1002 = tpu.memref_slice %arg8[%gather3A_999, %gather3A_1000, %gather3A_1001] : memref<2x256x128xf32, #tpu.memory_space<vmem>> -> memref<1x256x128xf32, #tpu.memory_space<vmem>>
        %gather3A_1003 = tpu.memref_squeeze %gather3A_1002 : memref<1x256x128xf32, #tpu.memory_space<vmem>> -> memref<256x128xf32, #tpu.memory_space<vmem>>
        %gather3A_1004 = tpu.vector_load_idx %gather3A_1003[%add3A_240, %add3A_998] : memref<256x128xf32, #tpu.memory_space<vmem>>[vector<16xi32>, vector<16xi32>], vector<16xf32>,
        %add3A_1005 = arith.constant 46 : i32
        %add3A_1006 = vector.broadcast %add3A_1005 : i32 to vector<16xi32>
        %add3A_1007 = arith.addi %shift_left3A_236, %add3A_1006 : vector<16xi32>
        %gather3A_1008 = arith.constant 0 : i32
        %gather3A_1009 = arith.constant 0 : i32
        %gather3A_1010 = arith.constant 0 : i32
        %gather3A_1011 = tpu.memref_slice %arg8[%gather3A_1008, %gather3A_1009, %gather3A_1010] : memref<2x256x128xf32, #tpu.memory_space<vmem>> -> memref<1x256x128xf32, #tpu.memory_space<vmem>>
        %gather3A_1012 = tpu.memref_squeeze %gather3A_1011 : memref<1x256x128xf32, #tpu.memory_space<vmem>> -> memref<256x128xf32, #tpu.memory_space<vmem>>
        %gather3A_1013 = tpu.vector_load_idx %gather3A_1012[%add3A_240, %add3A_1007] : memref<256x128xf32, #tpu.memory_space<vmem>>[vector<16xi32>, vector<16xi32>], vector<16xf32>,
        %add3A_1014 = arith.constant 47 : i32
        %add3A_1015 = vector.broadcast %add3A_1014 : i32 to vector<16xi32>
        %add3A_1016 = arith.addi %shift_left3A_236, %add3A_1015 : vector<16xi32>
        %gather3A_1017 = arith.constant 0 : i32
        %gather3A_1018 = arith.constant 0 : i32
        %gather3A_1019 = arith.constant 0 : i32
        %gather3A_1020 = tpu.memref_slice %arg8[%gather3A_1017, %gather3A_1018, %gather3A_1019] : memref<2x256x128xf32, #tpu.memory_space<vmem>> -> memref<1x256x128xf32, #tpu.memory_space<vmem>>
        %gather3A_1021 = tpu.memref_squeeze %gather3A_1020 : memref<1x256x128xf32, #tpu.memory_space<vmem>> -> memref<256x128xf32, #tpu.memory_space<vmem>>
        %gather3A_1022 = tpu.vector_load_idx %gather3A_1021[%add3A_240, %add3A_1016] : memref<256x128xf32, #tpu.memory_space<vmem>>[vector<16xi32>, vector<16xi32>], vector<16xf32>,
        %mul3A_1023 = arith.constant 1.250000e-01 : f32
        %mul3A_1024 = vector.broadcast %mul3A_1023 : f32 to vector<16xf32>
        %mul3A_1025 = arith.mulf %gather3A_887, %mul3A_1024 : vector<16xf32>
        %mul3A_1026 = arith.constant 16 : i32
        %mul3A_1027 = arith.muli %add3A_225, %mul3A_1026 : i32
        %swap3A_1028 = arith.constant 0 : i32
        %swap3A_1029 = arith.constant 32 : i32
        %swap3A_1030 = arith.index_cast %swap3A_1028 : i32 to index
        %swap3A_1031 = arith.index_cast %swap3A_1029 : i32 to index
        %swap3A_1032 = arith.index_cast %mul3A_1027 : i32 to index
        %swap3A_1033 = tpu.vector_load %arg9[%swap3A_1030, %swap3A_1031, %swap3A_1032] {strides = array<i32>} : memref<2x64x256xf32, #tpu.memory_space<vmem>>, vector<16xf32>,
        tpu.vector_store %arg9[%swap3A_1030, %swap3A_1031, %swap3A_1032], %mul3A_1025 {strides = array<i32>} : memref<2x64x256xf32, #tpu.memory_space<vmem>>, vector<16xf32>,
        %mul3A_1034 = arith.constant 1.250000e-01 : f32
        %mul3A_1035 = vector.broadcast %mul3A_1034 : f32 to vector<16xf32>
        %mul3A_1036 = arith.mulf %gather3A_896, %mul3A_1035 : vector<16xf32>
        %mul3A_1037 = arith.constant 16 : i32
        %mul3A_1038 = arith.muli %add3A_225, %mul3A_1037 : i32
        %swap3A_1039 = arith.constant 0 : i32
        %swap3A_1040 = arith.constant 33 : i32
        %swap3A_1041 = arith.index_cast %swap3A_1039 : i32 to index
        %swap3A_1042 = arith.index_cast %swap3A_1040 : i32 to index
        %swap3A_1043 = arith.index_cast %mul3A_1038 : i32 to index
        %swap3A_1044 = tpu.vector_load %arg9[%swap3A_1041, %swap3A_1042, %swap3A_1043] {strides = array<i32>} : memref<2x64x256xf32, #tpu.memory_space<vmem>>, vector<16xf32>,
        tpu.vector_store %arg9[%swap3A_1041, %swap3A_1042, %swap3A_1043], %mul3A_1036 {strides = array<i32>} : memref<2x64x256xf32, #tpu.memory_space<vmem>>, vector<16xf32>,
        %mul3A_1045 = arith.constant 1.250000e-01 : f32
        %mul3A_1046 = vector.broadcast %mul3A_1045 : f32 to vector<16xf32>
        %mul3A_1047 = arith.mulf %gather3A_905, %mul3A_1046 : vector<16xf32>
        %mul3A_1048 = arith.constant 16 : i32
        %mul3A_1049 = arith.muli %add3A_225, %mul3A_1048 : i32
        %swap3A_1050 = arith.constant 0 : i32
        %swap3A_1051 = arith.constant 34 : i32
        %swap3A_1052 = arith.index_cast %swap3A_1050 : i32 to index
        %swap3A_1053 = arith.index_cast %swap3A_1051 : i32 to index
        %swap3A_1054 = arith.index_cast %mul3A_1049 : i32 to index
        %swap3A_1055 = tpu.vector_load %arg9[%swap3A_1052, %swap3A_1053, %swap3A_1054] {strides = array<i32>} : memref<2x64x256xf32, #tpu.memory_space<vmem>>, vector<16xf32>,
        tpu.vector_store %arg9[%swap3A_1052, %swap3A_1053, %swap3A_1054], %mul3A_1047 {strides = array<i32>} : memref<2x64x256xf32, #tpu.memory_space<vmem>>, vector<16xf32>,
        %mul3A_1056 = arith.constant 1.250000e-01 : f32
        %mul3A_1057 = vector.broadcast %mul3A_1056 : f32 to vector<16xf32>
        %mul3A_1058 = arith.mulf %gather3A_914, %mul3A_1057 : vector<16xf32>
        %mul3A_1059 = arith.constant 16 : i32
        %mul3A_1060 = arith.muli %add3A_225, %mul3A_1059 : i32
        %swap3A_1061 = arith.constant 0 : i32
        %swap3A_1062 = arith.constant 35 : i32
        %swap3A_1063 = arith.index_cast %swap3A_1061 : i32 to index
        %swap3A_1064 = arith.index_cast %swap3A_1062 : i32 to index
        %swap3A_1065 = arith.index_cast %mul3A_1060 : i32 to index
        %swap3A_1066 = tpu.vector_load %arg9[%swap3A_1063, %swap3A_1064, %swap3A_1065] {strides = array<i32>} : memref<2x64x256xf32, #tpu.memory_space<vmem>>, vector<16xf32>,
        tpu.vector_store %arg9[%swap3A_1063, %swap3A_1064, %swap3A_1065], %mul3A_1058 {strides = array<i32>} : memref<2x64x256xf32, #tpu.memory_space<vmem>>, vector<16xf32>,
        %mul3A_1067 = arith.constant 1.250000e-01 : f32
        %mul3A_1068 = vector.broadcast %mul3A_1067 : f32 to vector<16xf32>
        %mul3A_1069 = arith.mulf %gather3A_923, %mul3A_1068 : vector<16xf32>
        %mul3A_1070 = arith.constant 16 : i32
        %mul3A_1071 = arith.muli %add3A_225, %mul3A_1070 : i32
        %swap3A_1072 = arith.constant 0 : i32
        %swap3A_1073 = arith.constant 36 : i32
        %swap3A_1074 = arith.index_cast %swap3A_1072 : i32 to index
        %swap3A_1075 = arith.index_cast %swap3A_1073 : i32 to index
        %swap3A_1076 = arith.index_cast %mul3A_1071 : i32 to index
        %swap3A_1077 = tpu.vector_load %arg9[%swap3A_1074, %swap3A_1075, %swap3A_1076] {strides = array<i32>} : memref<2x64x256xf32, #tpu.memory_space<vmem>>, vector<16xf32>,
        tpu.vector_store %arg9[%swap3A_1074, %swap3A_1075, %swap3A_1076], %mul3A_1069 {strides = array<i32>} : memref<2x64x256xf32, #tpu.memory_space<vmem>>, vector<16xf32>,
        %mul3A_1078 = arith.constant 1.250000e-01 : f32
        %mul3A_1079 = vector.broadcast %mul3A_1078 : f32 to vector<16xf32>
        %mul3A_1080 = arith.mulf %gather3A_932, %mul3A_1079 : vector<16xf32>
        %mul3A_1081 = arith.constant 16 : i32
        %mul3A_1082 = arith.muli %add3A_225, %mul3A_1081 : i32
        %swap3A_1083 = arith.constant 0 : i32
        %swap3A_1084 = arith.constant 37 : i32
        %swap3A_1085 = arith.index_cast %swap3A_1083 : i32 to index
        %swap3A_1086 = arith.index_cast %swap3A_1084 : i32 to index
        %swap3A_1087 = arith.index_cast %mul3A_1082 : i32 to index
        %swap3A_1088 = tpu.vector_load %arg9[%swap3A_1085, %swap3A_1086, %swap3A_1087] {strides = array<i32>} : memref<2x64x256xf32, #tpu.memory_space<vmem>>, vector<16xf32>,
        tpu.vector_store %arg9[%swap3A_1085, %swap3A_1086, %swap3A_1087], %mul3A_1080 {strides = array<i32>} : memref<2x64x256xf32, #tpu.memory_space<vmem>>, vector<16xf32>,
        %mul3A_1089 = arith.constant 1.250000e-01 : f32
        %mul3A_1090 = vector.broadcast %mul3A_1089 : f32 to vector<16xf32>
        %mul3A_1091 = arith.mulf %gather3A_941, %mul3A_1090 : vector<16xf32>
        %mul3A_1092 = arith.constant 16 : i32
        %mul3A_1093 = arith.muli %add3A_225, %mul3A_1092 : i32
        %swap3A_1094 = arith.constant 0 : i32
        %swap3A_1095 = arith.constant 38 : i32
        %swap3A_1096 = arith.index_cast %swap3A_1094 : i32 to index
        %swap3A_1097 = arith.index_cast %swap3A_1095 : i32 to index
        %swap3A_1098 = arith.index_cast %mul3A_1093 : i32 to index
        %swap3A_1099 = tpu.vector_load %arg9[%swap3A_1096, %swap3A_1097, %swap3A_1098] {strides = array<i32>} : memref<2x64x256xf32, #tpu.memory_space<vmem>>, vector<16xf32>,
        tpu.vector_store %arg9[%swap3A_1096, %swap3A_1097, %swap3A_1098], %mul3A_1091 {strides = array<i32>} : memref<2x64x256xf32, #tpu.memory_space<vmem>>, vector<16xf32>,
        %mul3A_1100 = arith.constant 1.250000e-01 : f32
        %mul3A_1101 = vector.broadcast %mul3A_1100 : f32 to vector<16xf32>
        %mul3A_1102 = arith.mulf %gather3A_950, %mul3A_1101 : vector<16xf32>
        %mul3A_1103 = arith.constant 16 : i32
        %mul3A_1104 = arith.muli %add3A_225, %mul3A_1103 : i32
        %swap3A_1105 = arith.constant 0 : i32
        %swap3A_1106 = arith.constant 39 : i32
        %swap3A_1107 = arith.index_cast %swap3A_1105 : i32 to index
        %swap3A_1108 = arith.index_cast %swap3A_1106 : i32 to index
        %swap3A_1109 = arith.index_cast %mul3A_1104 : i32 to index
        %swap3A_1110 = tpu.vector_load %arg9[%swap3A_1107, %swap3A_1108, %swap3A_1109] {strides = array<i32>} : memref<2x64x256xf32, #tpu.memory_space<vmem>>, vector<16xf32>,
        tpu.vector_store %arg9[%swap3A_1107, %swap3A_1108, %swap3A_1109], %mul3A_1102 {strides = array<i32>} : memref<2x64x256xf32, #tpu.memory_space<vmem>>, vector<16xf32>,
        %mul3A_1111 = arith.constant 1.250000e-01 : f32
        %mul3A_1112 = vector.broadcast %mul3A_1111 : f32 to vector<16xf32>
        %mul3A_1113 = arith.mulf %gather3A_959, %mul3A_1112 : vector<16xf32>
        %mul3A_1114 = arith.constant 16 : i32
        %mul3A_1115 = arith.muli %add3A_225, %mul3A_1114 : i32
        %swap3A_1116 = arith.constant 0 : i32
        %swap3A_1117 = arith.constant 40 : i32
        %swap3A_1118 = arith.index_cast %swap3A_1116 : i32 to index
        %swap3A_1119 = arith.index_cast %swap3A_1117 : i32 to index
        %swap3A_1120 = arith.index_cast %mul3A_1115 : i32 to index
        %swap3A_1121 = tpu.vector_load %arg9[%swap3A_1118, %swap3A_1119, %swap3A_1120] {strides = array<i32>} : memref<2x64x256xf32, #tpu.memory_space<vmem>>, vector<16xf32>,
        tpu.vector_store %arg9[%swap3A_1118, %swap3A_1119, %swap3A_1120], %mul3A_1113 {strides = array<i32>} : memref<2x64x256xf32, #tpu.memory_space<vmem>>, vector<16xf32>,
        %mul3A_1122 = arith.constant 1.250000e-01 : f32
        %mul3A_1123 = vector.broadcast %mul3A_1122 : f32 to vector<16xf32>
        %mul3A_1124 = arith.mulf %gather3A_968, %mul3A_1123 : vector<16xf32>
        %mul3A_1125 = arith.constant 16 : i32
        %mul3A_1126 = arith.muli %add3A_225, %mul3A_1125 : i32
        %swap3A_1127 = arith.constant 0 : i32
        %swap3A_1128 = arith.constant 41 : i32
        %swap3A_1129 = arith.index_cast %swap3A_1127 : i32 to index
        %swap3A_1130 = arith.index_cast %swap3A_1128 : i32 to index
        %swap3A_1131 = arith.index_cast %mul3A_1126 : i32 to index
        %swap3A_1132 = tpu.vector_load %arg9[%swap3A_1129, %swap3A_1130, %swap3A_1131] {strides = array<i32>} : memref<2x64x256xf32, #tpu.memory_space<vmem>>, vector<16xf32>,
        tpu.vector_store %arg9[%swap3A_1129, %swap3A_1130, %swap3A_1131], %mul3A_1124 {strides = array<i32>} : memref<2x64x256xf32, #tpu.memory_space<vmem>>, vector<16xf32>,
        %mul3A_1133 = arith.constant 1.250000e-01 : f32
        %mul3A_1134 = vector.broadcast %mul3A_1133 : f32 to vector<16xf32>
        %mul3A_1135 = arith.mulf %gather3A_977, %mul3A_1134 : vector<16xf32>
        %mul3A_1136 = arith.constant 16 : i32
        %mul3A_1137 = arith.muli %add3A_225, %mul3A_1136 : i32
        %swap3A_1138 = arith.constant 0 : i32
        %swap3A_1139 = arith.constant 42 : i32
        %swap3A_1140 = arith.index_cast %swap3A_1138 : i32 to index
        %swap3A_1141 = arith.index_cast %swap3A_1139 : i32 to index
        %swap3A_1142 = arith.index_cast %mul3A_1137 : i32 to index
        %swap3A_1143 = tpu.vector_load %arg9[%swap3A_1140, %swap3A_1141, %swap3A_1142] {strides = array<i32>} : memref<2x64x256xf32, #tpu.memory_space<vmem>>, vector<16xf32>,
        tpu.vector_store %arg9[%swap3A_1140, %swap3A_1141, %swap3A_1142], %mul3A_1135 {strides = array<i32>} : memref<2x64x256xf32, #tpu.memory_space<vmem>>, vector<16xf32>,
        %mul3A_1144 = arith.constant 1.250000e-01 : f32
        %mul3A_1145 = vector.broadcast %mul3A_1144 : f32 to vector<16xf32>
        %mul3A_1146 = arith.mulf %gather3A_986, %mul3A_1145 : vector<16xf32>
        %mul3A_1147 = arith.constant 16 : i32
        %mul3A_1148 = arith.muli %add3A_225, %mul3A_1147 : i32
        %swap3A_1149 = arith.constant 0 : i32
        %swap3A_1150 = arith.constant 43 : i32
        %swap3A_1151 = arith.index_cast %swap3A_1149 : i32 to index
        %swap3A_1152 = arith.index_cast %swap3A_1150 : i32 to index
        %swap3A_1153 = arith.index_cast %mul3A_1148 : i32 to index
        %swap3A_1154 = tpu.vector_load %arg9[%swap3A_1151, %swap3A_1152, %swap3A_1153] {strides = array<i32>} : memref<2x64x256xf32, #tpu.memory_space<vmem>>, vector<16xf32>,
        tpu.vector_store %arg9[%swap3A_1151, %swap3A_1152, %swap3A_1153], %mul3A_1146 {strides = array<i32>} : memref<2x64x256xf32, #tpu.memory_space<vmem>>, vector<16xf32>,
        %mul3A_1155 = arith.constant 1.250000e-01 : f32
        %mul3A_1156 = vector.broadcast %mul3A_1155 : f32 to vector<16xf32>
        %mul3A_1157 = arith.mulf %gather3A_995, %mul3A_1156 : vector<16xf32>
        %mul3A_1158 = arith.constant 16 : i32
        %mul3A_1159 = arith.muli %add3A_225, %mul3A_1158 : i32
        %swap3A_1160 = arith.constant 0 : i32
        %swap3A_1161 = arith.constant 44 : i32
        %swap3A_1162 = arith.index_cast %swap3A_1160 : i32 to index
        %swap3A_1163 = arith.index_cast %swap3A_1161 : i32 to index
        %swap3A_1164 = arith.index_cast %mul3A_1159 : i32 to index
        %swap3A_1165 = tpu.vector_load %arg9[%swap3A_1162, %swap3A_1163, %swap3A_1164] {strides = array<i32>} : memref<2x64x256xf32, #tpu.memory_space<vmem>>, vector<16xf32>,
        tpu.vector_store %arg9[%swap3A_1162, %swap3A_1163, %swap3A_1164], %mul3A_1157 {strides = array<i32>} : memref<2x64x256xf32, #tpu.memory_space<vmem>>, vector<16xf32>,
        %mul3A_1166 = arith.constant 1.250000e-01 : f32
        %mul3A_1167 = vector.broadcast %mul3A_1166 : f32 to vector<16xf32>
        %mul3A_1168 = arith.mulf %gather3A_1004, %mul3A_1167 : vector<16xf32>
        %mul3A_1169 = arith.constant 16 : i32
        %mul3A_1170 = arith.muli %add3A_225, %mul3A_1169 : i32
        %swap3A_1171 = arith.constant 0 : i32
        %swap3A_1172 = arith.constant 45 : i32
        %swap3A_1173 = arith.index_cast %swap3A_1171 : i32 to index
        %swap3A_1174 = arith.index_cast %swap3A_1172 : i32 to index
        %swap3A_1175 = arith.index_cast %mul3A_1170 : i32 to index
        %swap3A_1176 = tpu.vector_load %arg9[%swap3A_1173, %swap3A_1174, %swap3A_1175] {strides = array<i32>} : memref<2x64x256xf32, #tpu.memory_space<vmem>>, vector<16xf32>,
        tpu.vector_store %arg9[%swap3A_1173, %swap3A_1174, %swap3A_1175], %mul3A_1168 {strides = array<i32>} : memref<2x64x256xf32, #tpu.memory_space<vmem>>, vector<16xf32>,
        %mul3A_1177 = arith.constant 1.250000e-01 : f32
        %mul3A_1178 = vector.broadcast %mul3A_1177 : f32 to vector<16xf32>
        %mul3A_1179 = arith.mulf %gather3A_1013, %mul3A_1178 : vector<16xf32>
        %mul3A_1180 = arith.constant 16 : i32
        %mul3A_1181 = arith.muli %add3A_225, %mul3A_1180 : i32
        %swap3A_1182 = arith.constant 0 : i32
        %swap3A_1183 = arith.constant 46 : i32
        %swap3A_1184 = arith.index_cast %swap3A_1182 : i32 to index
        %swap3A_1185 = arith.index_cast %swap3A_1183 : i32 to index
        %swap3A_1186 = arith.index_cast %mul3A_1181 : i32 to index
        %swap3A_1187 = tpu.vector_load %arg9[%swap3A_1184, %swap3A_1185, %swap3A_1186] {strides = array<i32>} : memref<2x64x256xf32, #tpu.memory_space<vmem>>, vector<16xf32>,
        tpu.vector_store %arg9[%swap3A_1184, %swap3A_1185, %swap3A_1186], %mul3A_1179 {strides = array<i32>} : memref<2x64x256xf32, #tpu.memory_space<vmem>>, vector<16xf32>,
        %mul3A_1188 = arith.constant 1.250000e-01 : f32
        %mul3A_1189 = vector.broadcast %mul3A_1188 : f32 to vector<16xf32>
        %mul3A_1190 = arith.mulf %gather3A_1022, %mul3A_1189 : vector<16xf32>
        %mul3A_1191 = arith.constant 16 : i32
        %mul3A_1192 = arith.muli %add3A_225, %mul3A_1191 : i32
        %swap3A_1193 = arith.constant 0 : i32
        %swap3A_1194 = arith.constant 47 : i32
        %swap3A_1195 = arith.index_cast %swap3A_1193 : i32 to index
        %swap3A_1196 = arith.index_cast %swap3A_1194 : i32 to index
        %swap3A_1197 = arith.index_cast %mul3A_1192 : i32 to index
        %swap3A_1198 = tpu.vector_load %arg9[%swap3A_1195, %swap3A_1196, %swap3A_1197] {strides = array<i32>} : memref<2x64x256xf32, #tpu.memory_space<vmem>>, vector<16xf32>,
        tpu.vector_store %arg9[%swap3A_1195, %swap3A_1196, %swap3A_1197], %mul3A_1190 {strides = array<i32>} : memref<2x64x256xf32, #tpu.memory_space<vmem>>, vector<16xf32>,
        %add3A_1199 = arith.constant 48 : i32
        %add3A_1200 = vector.broadcast %add3A_1199 : i32 to vector<16xi32>
        %add3A_1201 = arith.addi %shift_left3A_236, %add3A_1200 : vector<16xi32>
        %gather3A_1202 = arith.constant 0 : i32
        %gather3A_1203 = arith.constant 0 : i32
        %gather3A_1204 = arith.constant 0 : i32
        %gather3A_1205 = tpu.memref_slice %arg8[%gather3A_1202, %gather3A_1203, %gather3A_1204] : memref<2x256x128xf32, #tpu.memory_space<vmem>> -> memref<1x256x128xf32, #tpu.memory_space<vmem>>
        %gather3A_1206 = tpu.memref_squeeze %gather3A_1205 : memref<1x256x128xf32, #tpu.memory_space<vmem>> -> memref<256x128xf32, #tpu.memory_space<vmem>>
        %gather3A_1207 = tpu.vector_load_idx %gather3A_1206[%add3A_240, %add3A_1201] : memref<256x128xf32, #tpu.memory_space<vmem>>[vector<16xi32>, vector<16xi32>], vector<16xf32>,
        %add3A_1208 = arith.constant 49 : i32
        %add3A_1209 = vector.broadcast %add3A_1208 : i32 to vector<16xi32>
        %add3A_1210 = arith.addi %shift_left3A_236, %add3A_1209 : vector<16xi32>
        %gather3A_1211 = arith.constant 0 : i32
        %gather3A_1212 = arith.constant 0 : i32
        %gather3A_1213 = arith.constant 0 : i32
        %gather3A_1214 = tpu.memref_slice %arg8[%gather3A_1211, %gather3A_1212, %gather3A_1213] : memref<2x256x128xf32, #tpu.memory_space<vmem>> -> memref<1x256x128xf32, #tpu.memory_space<vmem>>
        %gather3A_1215 = tpu.memref_squeeze %gather3A_1214 : memref<1x256x128xf32, #tpu.memory_space<vmem>> -> memref<256x128xf32, #tpu.memory_space<vmem>>
        %gather3A_1216 = tpu.vector_load_idx %gather3A_1215[%add3A_240, %add3A_1210] : memref<256x128xf32, #tpu.memory_space<vmem>>[vector<16xi32>, vector<16xi32>], vector<16xf32>,
        %add3A_1217 = arith.constant 50 : i32
        %add3A_1218 = vector.broadcast %add3A_1217 : i32 to vector<16xi32>
        %add3A_1219 = arith.addi %shift_left3A_236, %add3A_1218 : vector<16xi32>
        %gather3A_1220 = arith.constant 0 : i32
        %gather3A_1221 = arith.constant 0 : i32
        %gather3A_1222 = arith.constant 0 : i32
        %gather3A_1223 = tpu.memref_slice %arg8[%gather3A_1220, %gather3A_1221, %gather3A_1222] : memref<2x256x128xf32, #tpu.memory_space<vmem>> -> memref<1x256x128xf32, #tpu.memory_space<vmem>>
        %gather3A_1224 = tpu.memref_squeeze %gather3A_1223 : memref<1x256x128xf32, #tpu.memory_space<vmem>> -> memref<256x128xf32, #tpu.memory_space<vmem>>
        %gather3A_1225 = tpu.vector_load_idx %gather3A_1224[%add3A_240, %add3A_1219] : memref<256x128xf32, #tpu.memory_space<vmem>>[vector<16xi32>, vector<16xi32>], vector<16xf32>,
        %add3A_1226 = arith.constant 51 : i32
        %add3A_1227 = vector.broadcast %add3A_1226 : i32 to vector<16xi32>
        %add3A_1228 = arith.addi %shift_left3A_236, %add3A_1227 : vector<16xi32>
        %gather3A_1229 = arith.constant 0 : i32
        %gather3A_1230 = arith.constant 0 : i32
        %gather3A_1231 = arith.constant 0 : i32
        %gather3A_1232 = tpu.memref_slice %arg8[%gather3A_1229, %gather3A_1230, %gather3A_1231] : memref<2x256x128xf32, #tpu.memory_space<vmem>> -> memref<1x256x128xf32, #tpu.memory_space<vmem>>
        %gather3A_1233 = tpu.memref_squeeze %gather3A_1232 : memref<1x256x128xf32, #tpu.memory_space<vmem>> -> memref<256x128xf32, #tpu.memory_space<vmem>>
        %gather3A_1234 = tpu.vector_load_idx %gather3A_1233[%add3A_240, %add3A_1228] : memref<256x128xf32, #tpu.memory_space<vmem>>[vector<16xi32>, vector<16xi32>], vector<16xf32>,
        %add3A_1235 = arith.constant 52 : i32
        %add3A_1236 = vector.broadcast %add3A_1235 : i32 to vector<16xi32>
        %add3A_1237 = arith.addi %shift_left3A_236, %add3A_1236 : vector<16xi32>
        %gather3A_1238 = arith.constant 0 : i32
        %gather3A_1239 = arith.constant 0 : i32
        %gather3A_1240 = arith.constant 0 : i32
        %gather3A_1241 = tpu.memref_slice %arg8[%gather3A_1238, %gather3A_1239, %gather3A_1240] : memref<2x256x128xf32, #tpu.memory_space<vmem>> -> memref<1x256x128xf32, #tpu.memory_space<vmem>>
        %gather3A_1242 = tpu.memref_squeeze %gather3A_1241 : memref<1x256x128xf32, #tpu.memory_space<vmem>> -> memref<256x128xf32, #tpu.memory_space<vmem>>
        %gather3A_1243 = tpu.vector_load_idx %gather3A_1242[%add3A_240, %add3A_1237] : memref<256x128xf32, #tpu.memory_space<vmem>>[vector<16xi32>, vector<16xi32>], vector<16xf32>,
        %add3A_1244 = arith.constant 53 : i32
        %add3A_1245 = vector.broadcast %add3A_1244 : i32 to vector<16xi32>
        %add3A_1246 = arith.addi %shift_left3A_236, %add3A_1245 : vector<16xi32>
        %gather3A_1247 = arith.constant 0 : i32
        %gather3A_1248 = arith.constant 0 : i32
        %gather3A_1249 = arith.constant 0 : i32
        %gather3A_1250 = tpu.memref_slice %arg8[%gather3A_1247, %gather3A_1248, %gather3A_1249] : memref<2x256x128xf32, #tpu.memory_space<vmem>> -> memref<1x256x128xf32, #tpu.memory_space<vmem>>
        %gather3A_1251 = tpu.memref_squeeze %gather3A_1250 : memref<1x256x128xf32, #tpu.memory_space<vmem>> -> memref<256x128xf32, #tpu.memory_space<vmem>>
        %gather3A_1252 = tpu.vector_load_idx %gather3A_1251[%add3A_240, %add3A_1246] : memref<256x128xf32, #tpu.memory_space<vmem>>[vector<16xi32>, vector<16xi32>], vector<16xf32>,
        %add3A_1253 = arith.constant 54 : i32
        %add3A_1254 = vector.broadcast %add3A_1253 : i32 to vector<16xi32>
        %add3A_1255 = arith.addi %shift_left3A_236, %add3A_1254 : vector<16xi32>
        %gather3A_1256 = arith.constant 0 : i32
        %gather3A_1257 = arith.constant 0 : i32
        %gather3A_1258 = arith.constant 0 : i32
        %gather3A_1259 = tpu.memref_slice %arg8[%gather3A_1256, %gather3A_1257, %gather3A_1258] : memref<2x256x128xf32, #tpu.memory_space<vmem>> -> memref<1x256x128xf32, #tpu.memory_space<vmem>>
        %gather3A_1260 = tpu.memref_squeeze %gather3A_1259 : memref<1x256x128xf32, #tpu.memory_space<vmem>> -> memref<256x128xf32, #tpu.memory_space<vmem>>
        %gather3A_1261 = tpu.vector_load_idx %gather3A_1260[%add3A_240, %add3A_1255] : memref<256x128xf32, #tpu.memory_space<vmem>>[vector<16xi32>, vector<16xi32>], vector<16xf32>,
        %add3A_1262 = arith.constant 55 : i32
        %add3A_1263 = vector.broadcast %add3A_1262 : i32 to vector<16xi32>
        %add3A_1264 = arith.addi %shift_left3A_236, %add3A_1263 : vector<16xi32>
        %gather3A_1265 = arith.constant 0 : i32
        %gather3A_1266 = arith.constant 0 : i32
        %gather3A_1267 = arith.constant 0 : i32
        %gather3A_1268 = tpu.memref_slice %arg8[%gather3A_1265, %gather3A_1266, %gather3A_1267] : memref<2x256x128xf32, #tpu.memory_space<vmem>> -> memref<1x256x128xf32, #tpu.memory_space<vmem>>
        %gather3A_1269 = tpu.memref_squeeze %gather3A_1268 : memref<1x256x128xf32, #tpu.memory_space<vmem>> -> memref<256x128xf32, #tpu.memory_space<vmem>>
        %gather3A_1270 = tpu.vector_load_idx %gather3A_1269[%add3A_240, %add3A_1264] : memref<256x128xf32, #tpu.memory_space<vmem>>[vector<16xi32>, vector<16xi32>], vector<16xf32>,
        %add3A_1271 = arith.constant 56 : i32
        %add3A_1272 = vector.broadcast %add3A_1271 : i32 to vector<16xi32>
        %add3A_1273 = arith.addi %shift_left3A_236, %add3A_1272 : vector<16xi32>
        %gather3A_1274 = arith.constant 0 : i32
        %gather3A_1275 = arith.constant 0 : i32
        %gather3A_1276 = arith.constant 0 : i32
        %gather3A_1277 = tpu.memref_slice %arg8[%gather3A_1274, %gather3A_1275, %gather3A_1276] : memref<2x256x128xf32, #tpu.memory_space<vmem>> -> memref<1x256x128xf32, #tpu.memory_space<vmem>>
        %gather3A_1278 = tpu.memref_squeeze %gather3A_1277 : memref<1x256x128xf32, #tpu.memory_space<vmem>> -> memref<256x128xf32, #tpu.memory_space<vmem>>
        %gather3A_1279 = tpu.vector_load_idx %gather3A_1278[%add3A_240, %add3A_1273] : memref<256x128xf32, #tpu.memory_space<vmem>>[vector<16xi32>, vector<16xi32>], vector<16xf32>,
        %add3A_1280 = arith.constant 57 : i32
        %add3A_1281 = vector.broadcast %add3A_1280 : i32 to vector<16xi32>
        %add3A_1282 = arith.addi %shift_left3A_236, %add3A_1281 : vector<16xi32>
        %gather3A_1283 = arith.constant 0 : i32
        %gather3A_1284 = arith.constant 0 : i32
        %gather3A_1285 = arith.constant 0 : i32
        %gather3A_1286 = tpu.memref_slice %arg8[%gather3A_1283, %gather3A_1284, %gather3A_1285] : memref<2x256x128xf32, #tpu.memory_space<vmem>> -> memref<1x256x128xf32, #tpu.memory_space<vmem>>
        %gather3A_1287 = tpu.memref_squeeze %gather3A_1286 : memref<1x256x128xf32, #tpu.memory_space<vmem>> -> memref<256x128xf32, #tpu.memory_space<vmem>>
        %gather3A_1288 = tpu.vector_load_idx %gather3A_1287[%add3A_240, %add3A_1282] : memref<256x128xf32, #tpu.memory_space<vmem>>[vector<16xi32>, vector<16xi32>], vector<16xf32>,
        %add3A_1289 = arith.constant 58 : i32
        %add3A_1290 = vector.broadcast %add3A_1289 : i32 to vector<16xi32>
        %add3A_1291 = arith.addi %shift_left3A_236, %add3A_1290 : vector<16xi32>
        %gather3A_1292 = arith.constant 0 : i32
        %gather3A_1293 = arith.constant 0 : i32
        %gather3A_1294 = arith.constant 0 : i32
        %gather3A_1295 = tpu.memref_slice %arg8[%gather3A_1292, %gather3A_1293, %gather3A_1294] : memref<2x256x128xf32, #tpu.memory_space<vmem>> -> memref<1x256x128xf32, #tpu.memory_space<vmem>>
        %gather3A_1296 = tpu.memref_squeeze %gather3A_1295 : memref<1x256x128xf32, #tpu.memory_space<vmem>> -> memref<256x128xf32, #tpu.memory_space<vmem>>
        %gather3A_1297 = tpu.vector_load_idx %gather3A_1296[%add3A_240, %add3A_1291] : memref<256x128xf32, #tpu.memory_space<vmem>>[vector<16xi32>, vector<16xi32>], vector<16xf32>,
        %add3A_1298 = arith.constant 59 : i32
        %add3A_1299 = vector.broadcast %add3A_1298 : i32 to vector<16xi32>
        %add3A_1300 = arith.addi %shift_left3A_236, %add3A_1299 : vector<16xi32>
        %gather3A_1301 = arith.constant 0 : i32
        %gather3A_1302 = arith.constant 0 : i32
        %gather3A_1303 = arith.constant 0 : i32
        %gather3A_1304 = tpu.memref_slice %arg8[%gather3A_1301, %gather3A_1302, %gather3A_1303] : memref<2x256x128xf32, #tpu.memory_space<vmem>> -> memref<1x256x128xf32, #tpu.memory_space<vmem>>
        %gather3A_1305 = tpu.memref_squeeze %gather3A_1304 : memref<1x256x128xf32, #tpu.memory_space<vmem>> -> memref<256x128xf32, #tpu.memory_space<vmem>>
        %gather3A_1306 = tpu.vector_load_idx %gather3A_1305[%add3A_240, %add3A_1300] : memref<256x128xf32, #tpu.memory_space<vmem>>[vector<16xi32>, vector<16xi32>], vector<16xf32>,
        %add3A_1307 = arith.constant 60 : i32
        %add3A_1308 = vector.broadcast %add3A_1307 : i32 to vector<16xi32>
        %add3A_1309 = arith.addi %shift_left3A_236, %add3A_1308 : vector<16xi32>
        %gather3A_1310 = arith.constant 0 : i32
        %gather3A_1311 = arith.constant 0 : i32
        %gather3A_1312 = arith.constant 0 : i32
        %gather3A_1313 = tpu.memref_slice %arg8[%gather3A_1310, %gather3A_1311, %gather3A_1312] : memref<2x256x128xf32, #tpu.memory_space<vmem>> -> memref<1x256x128xf32, #tpu.memory_space<vmem>>
        %gather3A_1314 = tpu.memref_squeeze %gather3A_1313 : memref<1x256x128xf32, #tpu.memory_space<vmem>> -> memref<256x128xf32, #tpu.memory_space<vmem>>
        %gather3A_1315 = tpu.vector_load_idx %gather3A_1314[%add3A_240, %add3A_1309] : memref<256x128xf32, #tpu.memory_space<vmem>>[vector<16xi32>, vector<16xi32>], vector<16xf32>,
        %add3A_1316 = arith.constant 61 : i32
        %add3A_1317 = vector.broadcast %add3A_1316 : i32 to vector<16xi32>
        %add3A_1318 = arith.addi %shift_left3A_236, %add3A_1317 : vector<16xi32>
        %gather3A_1319 = arith.constant 0 : i32
        %gather3A_1320 = arith.constant 0 : i32
        %gather3A_1321 = arith.constant 0 : i32
        %gather3A_1322 = tpu.memref_slice %arg8[%gather3A_1319, %gather3A_1320, %gather3A_1321] : memref<2x256x128xf32, #tpu.memory_space<vmem>> -> memref<1x256x128xf32, #tpu.memory_space<vmem>>
        %gather3A_1323 = tpu.memref_squeeze %gather3A_1322 : memref<1x256x128xf32, #tpu.memory_space<vmem>> -> memref<256x128xf32, #tpu.memory_space<vmem>>
        %gather3A_1324 = tpu.vector_load_idx %gather3A_1323[%add3A_240, %add3A_1318] : memref<256x128xf32, #tpu.memory_space<vmem>>[vector<16xi32>, vector<16xi32>], vector<16xf32>,
        %add3A_1325 = arith.constant 62 : i32
        %add3A_1326 = vector.broadcast %add3A_1325 : i32 to vector<16xi32>
        %add3A_1327 = arith.addi %shift_left3A_236, %add3A_1326 : vector<16xi32>
        %gather3A_1328 = arith.constant 0 : i32
        %gather3A_1329 = arith.constant 0 : i32
        %gather3A_1330 = arith.constant 0 : i32
        %gather3A_1331 = tpu.memref_slice %arg8[%gather3A_1328, %gather3A_1329, %gather3A_1330] : memref<2x256x128xf32, #tpu.memory_space<vmem>> -> memref<1x256x128xf32, #tpu.memory_space<vmem>>
        %gather3A_1332 = tpu.memref_squeeze %gather3A_1331 : memref<1x256x128xf32, #tpu.memory_space<vmem>> -> memref<256x128xf32, #tpu.memory_space<vmem>>
        %gather3A_1333 = tpu.vector_load_idx %gather3A_1332[%add3A_240, %add3A_1327] : memref<256x128xf32, #tpu.memory_space<vmem>>[vector<16xi32>, vector<16xi32>], vector<16xf32>,
        %add3A_1334 = arith.constant 63 : i32
        %add3A_1335 = vector.broadcast %add3A_1334 : i32 to vector<16xi32>
        %add3A_1336 = arith.addi %shift_left3A_236, %add3A_1335 : vector<16xi32>
        %gather3A_1337 = arith.constant 0 : i32
        %gather3A_1338 = arith.constant 0 : i32
        %gather3A_1339 = arith.constant 0 : i32
        %gather3A_1340 = tpu.memref_slice %arg8[%gather3A_1337, %gather3A_1338, %gather3A_1339] : memref<2x256x128xf32, #tpu.memory_space<vmem>> -> memref<1x256x128xf32, #tpu.memory_space<vmem>>
        %gather3A_1341 = tpu.memref_squeeze %gather3A_1340 : memref<1x256x128xf32, #tpu.memory_space<vmem>> -> memref<256x128xf32, #tpu.memory_space<vmem>>
        %gather3A_1342 = tpu.vector_load_idx %gather3A_1341[%add3A_240, %add3A_1336] : memref<256x128xf32, #tpu.memory_space<vmem>>[vector<16xi32>, vector<16xi32>], vector<16xf32>,
        %mul3A_1343 = arith.constant 1.250000e-01 : f32
        %mul3A_1344 = vector.broadcast %mul3A_1343 : f32 to vector<16xf32>
        %mul3A_1345 = arith.mulf %gather3A_1207, %mul3A_1344 : vector<16xf32>
        %mul3A_1346 = arith.constant 16 : i32
        %mul3A_1347 = arith.muli %add3A_225, %mul3A_1346 : i32
        %swap3A_1348 = arith.constant 0 : i32
        %swap3A_1349 = arith.constant 48 : i32
        %swap3A_1350 = arith.index_cast %swap3A_1348 : i32 to index
        %swap3A_1351 = arith.index_cast %swap3A_1349 : i32 to index
        %swap3A_1352 = arith.index_cast %mul3A_1347 : i32 to index
        %swap3A_1353 = tpu.vector_load %arg9[%swap3A_1350, %swap3A_1351, %swap3A_1352] {strides = array<i32>} : memref<2x64x256xf32, #tpu.memory_space<vmem>>, vector<16xf32>,
        tpu.vector_store %arg9[%swap3A_1350, %swap3A_1351, %swap3A_1352], %mul3A_1345 {strides = array<i32>} : memref<2x64x256xf32, #tpu.memory_space<vmem>>, vector<16xf32>,
        %mul3A_1354 = arith.constant 1.250000e-01 : f32
        %mul3A_1355 = vector.broadcast %mul3A_1354 : f32 to vector<16xf32>
        %mul3A_1356 = arith.mulf %gather3A_1216, %mul3A_1355 : vector<16xf32>
        %mul3A_1357 = arith.constant 16 : i32
        %mul3A_1358 = arith.muli %add3A_225, %mul3A_1357 : i32
        %swap3A_1359 = arith.constant 0 : i32
        %swap3A_1360 = arith.constant 49 : i32
        %swap3A_1361 = arith.index_cast %swap3A_1359 : i32 to index
        %swap3A_1362 = arith.index_cast %swap3A_1360 : i32 to index
        %swap3A_1363 = arith.index_cast %mul3A_1358 : i32 to index
        %swap3A_1364 = tpu.vector_load %arg9[%swap3A_1361, %swap3A_1362, %swap3A_1363] {strides = array<i32>} : memref<2x64x256xf32, #tpu.memory_space<vmem>>, vector<16xf32>,
        tpu.vector_store %arg9[%swap3A_1361, %swap3A_1362, %swap3A_1363], %mul3A_1356 {strides = array<i32>} : memref<2x64x256xf32, #tpu.memory_space<vmem>>, vector<16xf32>,
        %mul3A_1365 = arith.constant 1.250000e-01 : f32
        %mul3A_1366 = vector.broadcast %mul3A_1365 : f32 to vector<16xf32>
        %mul3A_1367 = arith.mulf %gather3A_1225, %mul3A_1366 : vector<16xf32>
        %mul3A_1368 = arith.constant 16 : i32
        %mul3A_1369 = arith.muli %add3A_225, %mul3A_1368 : i32
        %swap3A_1370 = arith.constant 0 : i32
        %swap3A_1371 = arith.constant 50 : i32
        %swap3A_1372 = arith.index_cast %swap3A_1370 : i32 to index
        %swap3A_1373 = arith.index_cast %swap3A_1371 : i32 to index
        %swap3A_1374 = arith.index_cast %mul3A_1369 : i32 to index
        %swap3A_1375 = tpu.vector_load %arg9[%swap3A_1372, %swap3A_1373, %swap3A_1374] {strides = array<i32>} : memref<2x64x256xf32, #tpu.memory_space<vmem>>, vector<16xf32>,
        tpu.vector_store %arg9[%swap3A_1372, %swap3A_1373, %swap3A_1374], %mul3A_1367 {strides = array<i32>} : memref<2x64x256xf32, #tpu.memory_space<vmem>>, vector<16xf32>,
        %mul3A_1376 = arith.constant 1.250000e-01 : f32
        %mul3A_1377 = vector.broadcast %mul3A_1376 : f32 to vector<16xf32>
        %mul3A_1378 = arith.mulf %gather3A_1234, %mul3A_1377 : vector<16xf32>
        %mul3A_1379 = arith.constant 16 : i32
        %mul3A_1380 = arith.muli %add3A_225, %mul3A_1379 : i32
        %swap3A_1381 = arith.constant 0 : i32
        %swap3A_1382 = arith.constant 51 : i32
        %swap3A_1383 = arith.index_cast %swap3A_1381 : i32 to index
        %swap3A_1384 = arith.index_cast %swap3A_1382 : i32 to index
        %swap3A_1385 = arith.index_cast %mul3A_1380 : i32 to index
        %swap3A_1386 = tpu.vector_load %arg9[%swap3A_1383, %swap3A_1384, %swap3A_1385] {strides = array<i32>} : memref<2x64x256xf32, #tpu.memory_space<vmem>>, vector<16xf32>,
        tpu.vector_store %arg9[%swap3A_1383, %swap3A_1384, %swap3A_1385], %mul3A_1378 {strides = array<i32>} : memref<2x64x256xf32, #tpu.memory_space<vmem>>, vector<16xf32>,
        %mul3A_1387 = arith.constant 1.250000e-01 : f32
        %mul3A_1388 = vector.broadcast %mul3A_1387 : f32 to vector<16xf32>
        %mul3A_1389 = arith.mulf %gather3A_1243, %mul3A_1388 : vector<16xf32>
        %mul3A_1390 = arith.constant 16 : i32
        %mul3A_1391 = arith.muli %add3A_225, %mul3A_1390 : i32
        %swap3A_1392 = arith.constant 0 : i32
        %swap3A_1393 = arith.constant 52 : i32
        %swap3A_1394 = arith.index_cast %swap3A_1392 : i32 to index
        %swap3A_1395 = arith.index_cast %swap3A_1393 : i32 to index
        %swap3A_1396 = arith.index_cast %mul3A_1391 : i32 to index
        %swap3A_1397 = tpu.vector_load %arg9[%swap3A_1394, %swap3A_1395, %swap3A_1396] {strides = array<i32>} : memref<2x64x256xf32, #tpu.memory_space<vmem>>, vector<16xf32>,
        tpu.vector_store %arg9[%swap3A_1394, %swap3A_1395, %swap3A_1396], %mul3A_1389 {strides = array<i32>} : memref<2x64x256xf32, #tpu.memory_space<vmem>>, vector<16xf32>,
        %mul3A_1398 = arith.constant 1.250000e-01 : f32
        %mul3A_1399 = vector.broadcast %mul3A_1398 : f32 to vector<16xf32>
        %mul3A_1400 = arith.mulf %gather3A_1252, %mul3A_1399 : vector<16xf32>
        %mul3A_1401 = arith.constant 16 : i32
        %mul3A_1402 = arith.muli %add3A_225, %mul3A_1401 : i32
        %swap3A_1403 = arith.constant 0 : i32
        %swap3A_1404 = arith.constant 53 : i32
        %swap3A_1405 = arith.index_cast %swap3A_1403 : i32 to index
        %swap3A_1406 = arith.index_cast %swap3A_1404 : i32 to index
        %swap3A_1407 = arith.index_cast %mul3A_1402 : i32 to index
        %swap3A_1408 = tpu.vector_load %arg9[%swap3A_1405, %swap3A_1406, %swap3A_1407] {strides = array<i32>} : memref<2x64x256xf32, #tpu.memory_space<vmem>>, vector<16xf32>,
        tpu.vector_store %arg9[%swap3A_1405, %swap3A_1406, %swap3A_1407], %mul3A_1400 {strides = array<i32>} : memref<2x64x256xf32, #tpu.memory_space<vmem>>, vector<16xf32>,
        %mul3A_1409 = arith.constant 1.250000e-01 : f32
        %mul3A_1410 = vector.broadcast %mul3A_1409 : f32 to vector<16xf32>
        %mul3A_1411 = arith.mulf %gather3A_1261, %mul3A_1410 : vector<16xf32>
        %mul3A_1412 = arith.constant 16 : i32
        %mul3A_1413 = arith.muli %add3A_225, %mul3A_1412 : i32
        %swap3A_1414 = arith.constant 0 : i32
        %swap3A_1415 = arith.constant 54 : i32
        %swap3A_1416 = arith.index_cast %swap3A_1414 : i32 to index
        %swap3A_1417 = arith.index_cast %swap3A_1415 : i32 to index
        %swap3A_1418 = arith.index_cast %mul3A_1413 : i32 to index
        %swap3A_1419 = tpu.vector_load %arg9[%swap3A_1416, %swap3A_1417, %swap3A_1418] {strides = array<i32>} : memref<2x64x256xf32, #tpu.memory_space<vmem>>, vector<16xf32>,
        tpu.vector_store %arg9[%swap3A_1416, %swap3A_1417, %swap3A_1418], %mul3A_1411 {strides = array<i32>} : memref<2x64x256xf32, #tpu.memory_space<vmem>>, vector<16xf32>,
        %mul3A_1420 = arith.constant 1.250000e-01 : f32
        %mul3A_1421 = vector.broadcast %mul3A_1420 : f32 to vector<16xf32>
        %mul3A_1422 = arith.mulf %gather3A_1270, %mul3A_1421 : vector<16xf32>
        %mul3A_1423 = arith.constant 16 : i32
        %mul3A_1424 = arith.muli %add3A_225, %mul3A_1423 : i32
        %swap3A_1425 = arith.constant 0 : i32
        %swap3A_1426 = arith.constant 55 : i32
        %swap3A_1427 = arith.index_cast %swap3A_1425 : i32 to index
        %swap3A_1428 = arith.index_cast %swap3A_1426 : i32 to index
        %swap3A_1429 = arith.index_cast %mul3A_1424 : i32 to index
        %swap3A_1430 = tpu.vector_load %arg9[%swap3A_1427, %swap3A_1428, %swap3A_1429] {strides = array<i32>} : memref<2x64x256xf32, #tpu.memory_space<vmem>>, vector<16xf32>,
        tpu.vector_store %arg9[%swap3A_1427, %swap3A_1428, %swap3A_1429], %mul3A_1422 {strides = array<i32>} : memref<2x64x256xf32, #tpu.memory_space<vmem>>, vector<16xf32>,
        %mul3A_1431 = arith.constant 1.250000e-01 : f32
        %mul3A_1432 = vector.broadcast %mul3A_1431 : f32 to vector<16xf32>
        %mul3A_1433 = arith.mulf %gather3A_1279, %mul3A_1432 : vector<16xf32>
        %mul3A_1434 = arith.constant 16 : i32
        %mul3A_1435 = arith.muli %add3A_225, %mul3A_1434 : i32
        %swap3A_1436 = arith.constant 0 : i32
        %swap3A_1437 = arith.constant 56 : i32
        %swap3A_1438 = arith.index_cast %swap3A_1436 : i32 to index
        %swap3A_1439 = arith.index_cast %swap3A_1437 : i32 to index
        %swap3A_1440 = arith.index_cast %mul3A_1435 : i32 to index
        %swap3A_1441 = tpu.vector_load %arg9[%swap3A_1438, %swap3A_1439, %swap3A_1440] {strides = array<i32>} : memref<2x64x256xf32, #tpu.memory_space<vmem>>, vector<16xf32>,
        tpu.vector_store %arg9[%swap3A_1438, %swap3A_1439, %swap3A_1440], %mul3A_1433 {strides = array<i32>} : memref<2x64x256xf32, #tpu.memory_space<vmem>>, vector<16xf32>,
        %mul3A_1442 = arith.constant 1.250000e-01 : f32
        %mul3A_1443 = vector.broadcast %mul3A_1442 : f32 to vector<16xf32>
        %mul3A_1444 = arith.mulf %gather3A_1288, %mul3A_1443 : vector<16xf32>
        %mul3A_1445 = arith.constant 16 : i32
        %mul3A_1446 = arith.muli %add3A_225, %mul3A_1445 : i32
        %swap3A_1447 = arith.constant 0 : i32
        %swap3A_1448 = arith.constant 57 : i32
        %swap3A_1449 = arith.index_cast %swap3A_1447 : i32 to index
        %swap3A_1450 = arith.index_cast %swap3A_1448 : i32 to index
        %swap3A_1451 = arith.index_cast %mul3A_1446 : i32 to index
        %swap3A_1452 = tpu.vector_load %arg9[%swap3A_1449, %swap3A_1450, %swap3A_1451] {strides = array<i32>} : memref<2x64x256xf32, #tpu.memory_space<vmem>>, vector<16xf32>,
        tpu.vector_store %arg9[%swap3A_1449, %swap3A_1450, %swap3A_1451], %mul3A_1444 {strides = array<i32>} : memref<2x64x256xf32, #tpu.memory_space<vmem>>, vector<16xf32>,
        %mul3A_1453 = arith.constant 1.250000e-01 : f32
        %mul3A_1454 = vector.broadcast %mul3A_1453 : f32 to vector<16xf32>
        %mul3A_1455 = arith.mulf %gather3A_1297, %mul3A_1454 : vector<16xf32>
        %mul3A_1456 = arith.constant 16 : i32
        %mul3A_1457 = arith.muli %add3A_225, %mul3A_1456 : i32
        %swap3A_1458 = arith.constant 0 : i32
        %swap3A_1459 = arith.constant 58 : i32
        %swap3A_1460 = arith.index_cast %swap3A_1458 : i32 to index
        %swap3A_1461 = arith.index_cast %swap3A_1459 : i32 to index
        %swap3A_1462 = arith.index_cast %mul3A_1457 : i32 to index
        %swap3A_1463 = tpu.vector_load %arg9[%swap3A_1460, %swap3A_1461, %swap3A_1462] {strides = array<i32>} : memref<2x64x256xf32, #tpu.memory_space<vmem>>, vector<16xf32>,
        tpu.vector_store %arg9[%swap3A_1460, %swap3A_1461, %swap3A_1462], %mul3A_1455 {strides = array<i32>} : memref<2x64x256xf32, #tpu.memory_space<vmem>>, vector<16xf32>,
        %mul3A_1464 = arith.constant 1.250000e-01 : f32
        %mul3A_1465 = vector.broadcast %mul3A_1464 : f32 to vector<16xf32>
        %mul3A_1466 = arith.mulf %gather3A_1306, %mul3A_1465 : vector<16xf32>
        %mul3A_1467 = arith.constant 16 : i32
        %mul3A_1468 = arith.muli %add3A_225, %mul3A_1467 : i32
        %swap3A_1469 = arith.constant 0 : i32
        %swap3A_1470 = arith.constant 59 : i32
        %swap3A_1471 = arith.index_cast %swap3A_1469 : i32 to index
        %swap3A_1472 = arith.index_cast %swap3A_1470 : i32 to index
        %swap3A_1473 = arith.index_cast %mul3A_1468 : i32 to index
        %swap3A_1474 = tpu.vector_load %arg9[%swap3A_1471, %swap3A_1472, %swap3A_1473] {strides = array<i32>} : memref<2x64x256xf32, #tpu.memory_space<vmem>>, vector<16xf32>,
        tpu.vector_store %arg9[%swap3A_1471, %swap3A_1472, %swap3A_1473], %mul3A_1466 {strides = array<i32>} : memref<2x64x256xf32, #tpu.memory_space<vmem>>, vector<16xf32>,
        %mul3A_1475 = arith.constant 1.250000e-01 : f32
        %mul3A_1476 = vector.broadcast %mul3A_1475 : f32 to vector<16xf32>
        %mul3A_1477 = arith.mulf %gather3A_1315, %mul3A_1476 : vector<16xf32>
        %mul3A_1478 = arith.constant 16 : i32
        %mul3A_1479 = arith.muli %add3A_225, %mul3A_1478 : i32
        %swap3A_1480 = arith.constant 0 : i32
        %swap3A_1481 = arith.constant 60 : i32
        %swap3A_1482 = arith.index_cast %swap3A_1480 : i32 to index
        %swap3A_1483 = arith.index_cast %swap3A_1481 : i32 to index
        %swap3A_1484 = arith.index_cast %mul3A_1479 : i32 to index
        %swap3A_1485 = tpu.vector_load %arg9[%swap3A_1482, %swap3A_1483, %swap3A_1484] {strides = array<i32>} : memref<2x64x256xf32, #tpu.memory_space<vmem>>, vector<16xf32>,
        tpu.vector_store %arg9[%swap3A_1482, %swap3A_1483, %swap3A_1484], %mul3A_1477 {strides = array<i32>} : memref<2x64x256xf32, #tpu.memory_space<vmem>>, vector<16xf32>,
        %mul3A_1486 = arith.constant 1.250000e-01 : f32
        %mul3A_1487 = vector.broadcast %mul3A_1486 : f32 to vector<16xf32>
        %mul3A_1488 = arith.mulf %gather3A_1324, %mul3A_1487 : vector<16xf32>
        %mul3A_1489 = arith.constant 16 : i32
        %mul3A_1490 = arith.muli %add3A_225, %mul3A_1489 : i32
        %swap3A_1491 = arith.constant 0 : i32
        %swap3A_1492 = arith.constant 61 : i32
        %swap3A_1493 = arith.index_cast %swap3A_1491 : i32 to index
        %swap3A_1494 = arith.index_cast %swap3A_1492 : i32 to index
        %swap3A_1495 = arith.index_cast %mul3A_1490 : i32 to index
        %swap3A_1496 = tpu.vector_load %arg9[%swap3A_1493, %swap3A_1494, %swap3A_1495] {strides = array<i32>} : memref<2x64x256xf32, #tpu.memory_space<vmem>>, vector<16xf32>,
        tpu.vector_store %arg9[%swap3A_1493, %swap3A_1494, %swap3A_1495], %mul3A_1488 {strides = array<i32>} : memref<2x64x256xf32, #tpu.memory_space<vmem>>, vector<16xf32>,
        %mul3A_1497 = arith.constant 1.250000e-01 : f32
        %mul3A_1498 = vector.broadcast %mul3A_1497 : f32 to vector<16xf32>
        %mul3A_1499 = arith.mulf %gather3A_1333, %mul3A_1498 : vector<16xf32>
        %mul3A_1500 = arith.constant 16 : i32
        %mul3A_1501 = arith.muli %add3A_225, %mul3A_1500 : i32
        %swap3A_1502 = arith.constant 0 : i32
        %swap3A_1503 = arith.constant 62 : i32
        %swap3A_1504 = arith.index_cast %swap3A_1502 : i32 to index
        %swap3A_1505 = arith.index_cast %swap3A_1503 : i32 to index
        %swap3A_1506 = arith.index_cast %mul3A_1501 : i32 to index
        %swap3A_1507 = tpu.vector_load %arg9[%swap3A_1504, %swap3A_1505, %swap3A_1506] {strides = array<i32>} : memref<2x64x256xf32, #tpu.memory_space<vmem>>, vector<16xf32>,
        tpu.vector_store %arg9[%swap3A_1504, %swap3A_1505, %swap3A_1506], %mul3A_1499 {strides = array<i32>} : memref<2x64x256xf32, #tpu.memory_space<vmem>>, vector<16xf32>,
        %mul3A_1508 = arith.constant 1.250000e-01 : f32
        %mul3A_1509 = vector.broadcast %mul3A_1508 : f32 to vector<16xf32>
        %mul3A_1510 = arith.mulf %gather3A_1342, %mul3A_1509 : vector<16xf32>
        %mul3A_1511 = arith.constant 16 : i32
        %mul3A_1512 = arith.muli %add3A_225, %mul3A_1511 : i32
        %swap3A_1513 = arith.constant 0 : i32
        %swap3A_1514 = arith.constant 63 : i32
        %swap3A_1515 = arith.index_cast %swap3A_1513 : i32 to index
        %swap3A_1516 = arith.index_cast %swap3A_1514 : i32 to index
        %swap3A_1517 = arith.index_cast %mul3A_1512 : i32 to index
        %swap3A_1518 = tpu.vector_load %arg9[%swap3A_1515, %swap3A_1516, %swap3A_1517] {strides = array<i32>} : memref<2x64x256xf32, #tpu.memory_space<vmem>>, vector<16xf32>,
        tpu.vector_store %arg9[%swap3A_1515, %swap3A_1516, %swap3A_1517], %mul3A_1510 {strides = array<i32>} : memref<2x64x256xf32, #tpu.memory_space<vmem>>, vector<16xf32>,
      }
      %scan3A_90 = arith.constant 16 : i32
      %add3A_91 = arith.addi %mul3A_4, %add3A_60 : i32
      %jit3A = arith.constant 16 : i32
      %div3A = arith.divsi %add3A_91, %jit3A : i32
      %sign3A = arith.constant 0 : i32
      %sign3A_92 = arith.cmpi sgt, %add3A_91, %sign3A : i32
      %sign3A_93 = arith.extui %sign3A_92 : i1 to i32
      %sign3A_94 = arith.constant 0 : i32
      %sign3A_95 = arith.cmpi slt, %add3A_91, %sign3A_94 : i32
      %sign3A_96 = arith.extui %sign3A_95 : i1 to i32
      %sign3A_97 = arith.subi %sign3A_93, %sign3A_96 : i32
      %sign3A_98 = arith.constant 0 : i32
      %sign3A_99 = arith.cmpi sgt, %jit3A, %sign3A_98 : i32
      %sign3A_100 = arith.extui %sign3A_99 : i1 to i32
      %sign3A_101 = arith.constant 0 : i32
      %sign3A_102 = arith.cmpi slt, %jit3A, %sign3A_101 : i32
      %sign3A_103 = arith.extui %sign3A_102 : i1 to i32
      %sign3A_104 = arith.subi %sign3A_100, %sign3A_103 : i32
      %ne3A = arith.cmpi ne, %sign3A_97, %sign3A_104 : i32
      %rem3A = arith.remsi %add3A_91, %jit3A : i32
      %ne3A_105 = arith.constant 0 : i32
      %ne3A_106 = arith.cmpi ne, %rem3A, %ne3A_105 : i32
      %and3A = arith.andi %ne3A, %ne3A_106 : i1
      %sub3A = arith.constant 1 : i32
      %sub3A_107 = arith.subi %div3A, %sub3A : i32
      %select_n3A = arith.select %and3A, %sub3A_107, %div3A : i32
      %jit3A_108 = arith.constant 16 : i32
      %eq3A = arith.constant 0 : i32
      %eq3A_109 = arith.cmpi eq, %jit3A_108, %eq3A : i32
      %jit3A_110 = arith.constant 1 : i32
      %select_n3A_111 = arith.select %eq3A_109, %jit3A_110, %jit3A_108 : i32
      %rem3A_112 = arith.remsi %add3A_91, %select_n3A_111 : i32
      %ne3A_113 = arith.constant 0 : i32
      %ne3A_114 = arith.cmpi ne, %rem3A_112, %ne3A_113 : i32
      %lt3A = arith.constant 0 : i32
      %lt3A_115 = arith.cmpi slt, %rem3A_112, %lt3A : i32
      %lt3A_116 = arith.constant 0 : i32
      %lt3A_117 = arith.cmpi slt, %select_n3A_111, %lt3A_116 : i32
      %ne3A_118 = arith.xori %lt3A_115, %lt3A_117 : i1
      %and3A_119 = arith.andi %ne3A_118, %ne3A_114 : i1
      %add3A_120 = arith.addi %rem3A_112, %select_n3A_111 : i32
      %select_n3A_121 = arith.select %and3A_119, %add3A_120, %rem3A_112 : i32
      %mul3A_122 = arith.constant 256 : i32
      %mul3A_123 = arith.muli %select_n3A_121, %mul3A_122 : i32
      %dma_start3A_124 = arith.constant 0 : i32
      %dma_start3A_125 = arith.constant 0 : i32
      %dma_start3A_126 = arith.constant 0 : i32
      %dma_start3A_127 = tpu.memref_slice %arg9[%dma_start3A_124, %dma_start3A_125, %dma_start3A_126] : memref<2x64x256xf32, #tpu.memory_space<vmem>> -> memref<1x64x256xf32, #tpu.memory_space<vmem>>
      %dma_start3A_128 = tpu.memref_squeeze %dma_start3A_127 : memref<1x64x256xf32, #tpu.memory_space<vmem>> -> memref<64x256xf32, #tpu.memory_space<vmem>>
      %dma_start3A_129 = arith.constant 0 : i32
      %dma_start3A_130 = tpu.memref_slice %arg4[%select_n3A, %dma_start3A_129, %mul3A_123] : memref<200x64x4096xf32, #tpu.memory_space<hbm>> -> memref<1x64x256xf32, #tpu.memory_space<hbm>>
      %dma_start3A_131 = tpu.memref_squeeze %dma_start3A_130 : memref<1x64x256xf32, #tpu.memory_space<hbm>> -> memref<64x256xf32, #tpu.memory_space<hbm>>
      %dma_start3A_132 = arith.constant 0 : i32
      %dma_start3A_133 = tpu.memref_slice %arg4[%select_n3A, %dma_start3A_132, %mul3A_123] : memref<200x64x4096xf32, #tpu.memory_space<hbm>> -> memref<1x64x256xf32, #tpu.memory_space<hbm>>
      %dma_start3A_134 = tpu.memref_squeeze %dma_start3A_133 : memref<1x64x256xf32, #tpu.memory_space<hbm>> -> memref<64x256xf32, #tpu.memory_space<hbm>>
      %dma_start3A_135 = arith.constant 0 : i32
      %dma_start3A_136 = arith.constant 0 : i32
      %dma_start3A_137 = tpu.memref_slice %arg9[%dma_start3A_124, %dma_start3A_135, %dma_start3A_136] : memref<2x64x256xf32, #tpu.memory_space<vmem>> -> memref<1x64x256xf32, #tpu.memory_space<vmem>>
      %dma_start3A_138 = tpu.memref_squeeze %dma_start3A_137 : memref<1x64x256xf32, #tpu.memory_space<vmem>> -> memref<64x256xf32, #tpu.memory_space<vmem>>
      tpu.enqueue_dma source(%dma_start3A_138 : memref<64x256xf32, #tpu.memory_space<vmem>>) target(%dma_start3A_134 : memref<64x256xf32, #tpu.memory_space<hbm>>) target_semaphore(%arg12 : memref<!tpu.dma_semaphore, #tpu.memory_space<semaphore_mem>>)
      %add3A_139 = arith.constant 2 : i32
      %add3A_140 = arith.addi %add3A_60, %add3A_139 : i32
      %lt3A_141 = arith.constant 100 : i32
      %lt3A_142 = arith.cmpi slt, %add3A_140, %lt3A_141 : i32
      %convert_element_type3A_143 = arith.extui %lt3A_142 : i1 to i32
      %cond3A_144 = arith.constant 0 : i32
      %cond3A_145 = arith.cmpi ne, %convert_element_type3A_143, %cond3A_144 : i32
      scf.if %cond3A_145 {
        %dma_wait3A_221 = arith.constant 0 : i32
        %dma_wait3A_222 = arith.constant 0 : i32
        %dma_wait3A_223 = arith.constant 0 : i32
        %dma_wait3A_224 = arith.constant 0 : i32
        %dma_wait3A_225 = tpu.memref_slice %arg9[%dma_wait3A_221, %dma_wait3A_223, %dma_wait3A_224] : memref<2x64x256xf32, #tpu.memory_space<vmem>> -> memref<1x64x256xf32, #tpu.memory_space<vmem>>
        %dma_wait3A_226 = tpu.memref_squeeze %dma_wait3A_225 : memref<1x64x256xf32, #tpu.memory_space<vmem>> -> memref<64x256xf32, #tpu.memory_space<vmem>>
        %dma_wait3A_227 = arith.constant 0 : i32
        %dma_wait3A_228 = arith.constant 0 : i32
        %dma_wait3A_229 = tpu.memref_slice %arg4[%dma_wait3A_222, %dma_wait3A_227, %dma_wait3A_228] : memref<200x64x4096xf32, #tpu.memory_space<hbm>> -> memref<1x64x256xf32, #tpu.memory_space<hbm>>
        %dma_wait3A_230 = tpu.memref_squeeze %dma_wait3A_229 : memref<1x64x256xf32, #tpu.memory_space<hbm>> -> memref<64x256xf32, #tpu.memory_space<hbm>>
        %dma_wait3A_231 = arith.constant 0 : i32
        %dma_wait3A_232 = arith.constant 0 : i32
        %dma_wait3A_233 = tpu.memref_slice %arg4[%dma_wait3A_222, %dma_wait3A_231, %dma_wait3A_232] : memref<200x64x4096xf32, #tpu.memory_space<hbm>> -> memref<1x64x256xf32, #tpu.memory_space<hbm>>
        %dma_wait3A_234 = tpu.memref_squeeze %dma_wait3A_233 : memref<1x64x256xf32, #tpu.memory_space<hbm>> -> memref<64x256xf32, #tpu.memory_space<hbm>>
        %dma_wait3A_235 = arith.constant 0 : i32
        %dma_wait3A_236 = arith.constant 0 : i32
        %dma_wait3A_237 = tpu.memref_slice %arg9[%dma_wait3A_221, %dma_wait3A_235, %dma_wait3A_236] : memref<2x64x256xf32, #tpu.memory_space<vmem>> -> memref<1x64x256xf32, #tpu.memory_space<vmem>>
        %dma_wait3A_238 = tpu.memref_squeeze %dma_wait3A_237 : memref<1x64x256xf32, #tpu.memory_space<vmem>> -> memref<64x256xf32, #tpu.memory_space<vmem>>
        tpu.wait_dma2 semaphore(%arg12 : memref<!tpu.dma_semaphore, #tpu.memory_space<semaphore_mem>>) src(%dma_wait3A_238 : memref<64x256xf32, #tpu.memory_space<vmem>>) dst(%dma_wait3A_234 : memref<64x256xf32, #tpu.memory_space<hbm>>)
        %add3A_239 = arith.constant 2 : i32
        %add3A_240 = arith.addi %add3A_60, %add3A_239 : i32
        %scan3A_241 = arith.constant 0 : i32
        %scan3A_242 = arith.constant 16 : i32
        %scan3A_243 = arith.addi %scan3A_241, %scan3A_242 : i32
        %scan3A_244 = arith.constant 1 : i32
        scf.for %scan3A_254 = %scan3A_241 to %scan3A_243 step %scan3A_244  : i32 {
          %mul3A_255 = arith.constant 1 : i32
          %mul3A_256 = arith.muli %scan3A_254, %mul3A_255 : i32
          %add3A_257 = arith.constant 0 : i32
          %add3A_258 = arith.addi %add3A_257, %mul3A_256 : i32
          %mul3A_259 = arith.constant 256 : i32
          %mul3A_260 = arith.muli %add3A_240, %mul3A_259 : i32
          %mul3A_261 = arith.constant 16 : i32
          %mul3A_262 = arith.muli %add3A_258, %mul3A_261 : i32
          %add3A_263 = arith.addi %mul3A_260, %mul3A_262 : i32
          %get3A = arith.index_cast %add3A_263 : i32 to index
          %get3A_264 = tpu.vector_load %arg5[%get3A] {strides = array<i32>} : memref<25600xi32, #tpu.memory_space<vmem>>, vector<16xi32>,
          %ge3A = arith.constant 524288 : i32
          %ge3A_265 = vector.broadcast %ge3A : i32 to vector<16xi32>
          %ge3A_266 = arith.cmpi sge, %get3A_264, %ge3A_265 : vector<16xi32>
          %sub3A_267 = arith.constant 524288 : i32
          %sub3A_268 = vector.broadcast %sub3A_267 : i32 to vector<16xi32>
          %sub3A_269 = arith.subi %get3A_264, %sub3A_268 : vector<16xi32>
          %select_n3A_270 = arith.select %ge3A_266, %sub3A_269, %get3A_264 : vector<16xi1>, vector<16xi32>
          %mul3A_271 = arith.constant 16 : i32
          %mul3A_272 = arith.muli %add3A_258, %mul3A_271 : i32
          %swap3A = arith.index_cast %mul3A_272 : i32 to index
          %swap3A_273 = tpu.vector_load %arg6[%swap3A] {strides = array<i32>} : memref<256xi32, #tpu.memory_space<vmem>>, vector<16xi32>,
          tpu.vector_store %arg6[%swap3A], %select_n3A_270 {strides = array<i32>} : memref<256xi32, #tpu.memory_space<vmem>>, vector<16xi32>,
        }
        %scan3A_245 = arith.constant 16 : i32
        %dma_start3A_246 = arith.constant 0 : i32
        %dma_start3A_247 = arith.constant 0 : i32
        %dma_start3A_248 = arith.constant 0 : i32
        %dma_start3A_249 = tpu.memref_slice %arg8[%dma_start3A_246, %dma_start3A_247, %dma_start3A_248] : memref<2x256x128xf32, #tpu.memory_space<vmem>> -> memref<1x256x128xf32, #tpu.memory_space<vmem>>
        %dma_start3A_250 = tpu.memref_squeeze %dma_start3A_249 : memref<1x256x128xf32, #tpu.memory_space<vmem>> -> memref<256x128xf32, #tpu.memory_space<vmem>>
        %dma_start3A_251 = arith.constant 0 : i32
        %dma_start3A_252 = arith.constant 0 : i32
        %dma_start3A_253 = tpu.memref_slice %arg3[%dma_start3A_251, %dma_start3A_252] : memref<524288x128xf32, #tpu.memory_space<hbm>> -> memref<524288x128xf32, #tpu.memory_space<hbm>>
        tpu.enqueue_indirect_dma source(%dma_start3A_253 : memref<524288x128xf32, #tpu.memory_space<hbm>>) target(%dma_start3A_250 : memref<256x128xf32, #tpu.memory_space<vmem>>) offsets(%arg6 : memref<256xi32, #tpu.memory_space<vmem>>) semaphore(%arg10 : memref<!tpu.dma_semaphore, #tpu.memory_space<semaphore_mem>>)
      } else {
      }
      %dma_wait3A_146 = arith.constant 1 : i32
      %dma_wait3A_147 = arith.constant 0 : i32
      %dma_wait3A_148 = arith.constant 0 : i32
      %dma_wait3A_149 = tpu.memref_slice %arg8[%dma_wait3A_146, %dma_wait3A_147, %dma_wait3A_148] : memref<2x256x128xf32, #tpu.memory_space<vmem>> -> memref<1x256x128xf32, #tpu.memory_space<vmem>>
      %dma_wait3A_150 = tpu.memref_squeeze %dma_wait3A_149 : memref<1x256x128xf32, #tpu.memory_space<vmem>> -> memref<256x128xf32, #tpu.memory_space<vmem>>
      %dma_wait3A_151 = arith.constant 0 : i32
      %dma_wait3A_152 = arith.constant 0 : i32
      %dma_wait3A_153 = tpu.memref_slice %arg3[%dma_wait3A_151, %dma_wait3A_152] : memref<524288x128xf32, #tpu.memory_space<hbm>> -> memref<524288x128xf32, #tpu.memory_space<hbm>>
      tpu.wait_indirect_dma semaphore(%arg11 : memref<!tpu.dma_semaphore, #tpu.memory_space<semaphore_mem>>) src(%dma_wait3A_153 : memref<524288x128xf32, #tpu.memory_space<hbm>>) dst(%dma_wait3A_150 : memref<256x128xf32, #tpu.memory_space<vmem>>)
      %add3A_154 = arith.constant 1 : i32
      %add3A_155 = arith.addi %add3A_60, %add3A_154 : i32
      %scan3A_156 = arith.constant 0 : i32
      %scan3A_157 = arith.constant 16 : i32
      %scan3A_158 = arith.addi %scan3A_156, %scan3A_157 : i32
      %scan3A_159 = arith.constant 1 : i32
      scf.for %scan3A_221 = %scan3A_156 to %scan3A_158 step %scan3A_159  : i32 {
        %mul3A_222 = arith.constant 1 : i32
        %mul3A_223 = arith.muli %scan3A_221, %mul3A_222 : i32
        %add3A_224 = arith.constant 0 : i32
        %add3A_225 = arith.addi %add3A_224, %mul3A_223 : i32
        %mul3A_226 = arith.constant 256 : i32
        %mul3A_227 = arith.muli %add3A_155, %mul3A_226 : i32
        %mul3A_228 = arith.constant 16 : i32
        %mul3A_229 = arith.muli %add3A_225, %mul3A_228 : i32
        %add3A_230 = arith.addi %mul3A_227, %mul3A_229 : i32
        %get3A = arith.index_cast %add3A_230 : i32 to index
        %get3A_231 = tpu.vector_load %arg5[%get3A] {strides = array<i32>} : memref<25600xi32, #tpu.memory_space<vmem>>, vector<16xi32>,
        %ge3A = arith.constant 524288 : i32
        %ge3A_232 = vector.broadcast %ge3A : i32 to vector<16xi32>
        %ge3A_233 = arith.cmpi sge, %get3A_231, %ge3A_232 : vector<16xi32>
        %convert_element_type3A_234 = arith.extui %ge3A_233 : vector<16xi1> to vector<16xi32>
        %shift_left3A = arith.constant 6 : i32
        %shift_left3A_235 = vector.broadcast %shift_left3A : i32 to vector<16xi32>
        %shift_left3A_236 = arith.shli %convert_element_type3A_234, %shift_left3A_235 : vector<16xi32>
        %mul3A_237 = arith.constant 16 : i32
        %mul3A_238 = arith.muli %add3A_225, %mul3A_237 : i32
        %add3A_239 = vector.broadcast %mul3A_238 : i32 to vector<16xi32>
        %add3A_240 = arith.addi %iota3A, %add3A_239 : vector<16xi32>
        %add3A_241 = arith.constant 0 : i32
        %add3A_242 = vector.broadcast %add3A_241 : i32 to vector<16xi32>
        %add3A_243 = arith.addi %shift_left3A_236, %add3A_242 : vector<16xi32>
        %gather3A = arith.constant 1 : i32
        %gather3A_244 = arith.constant 0 : i32
        %gather3A_245 = arith.constant 0 : i32
        %gather3A_246 = tpu.memref_slice %arg8[%gather3A, %gather3A_244, %gather3A_245] : memref<2x256x128xf32, #tpu.memory_space<vmem>> -> memref<1x256x128xf32, #tpu.memory_space<vmem>>
        %gather3A_247 = tpu.memref_squeeze %gather3A_246 : memref<1x256x128xf32, #tpu.memory_space<vmem>> -> memref<256x128xf32, #tpu.memory_space<vmem>>
        %gather3A_248 = tpu.vector_load_idx %gather3A_247[%add3A_240, %add3A_243] : memref<256x128xf32, #tpu.memory_space<vmem>>[vector<16xi32>, vector<16xi32>], vector<16xf32>,
        %add3A_249 = arith.constant 1 : i32
        %add3A_250 = vector.broadcast %add3A_249 : i32 to vector<16xi32>
        %add3A_251 = arith.addi %shift_left3A_236, %add3A_250 : vector<16xi32>
        %gather3A_252 = arith.constant 1 : i32
        %gather3A_253 = arith.constant 0 : i32
        %gather3A_254 = arith.constant 0 : i32
        %gather3A_255 = tpu.memref_slice %arg8[%gather3A_252, %gather3A_253, %gather3A_254] : memref<2x256x128xf32, #tpu.memory_space<vmem>> -> memref<1x256x128xf32, #tpu.memory_space<vmem>>
        %gather3A_256 = tpu.memref_squeeze %gather3A_255 : memref<1x256x128xf32, #tpu.memory_space<vmem>> -> memref<256x128xf32, #tpu.memory_space<vmem>>
        %gather3A_257 = tpu.vector_load_idx %gather3A_256[%add3A_240, %add3A_251] : memref<256x128xf32, #tpu.memory_space<vmem>>[vector<16xi32>, vector<16xi32>], vector<16xf32>,
        %add3A_258 = arith.constant 2 : i32
        %add3A_259 = vector.broadcast %add3A_258 : i32 to vector<16xi32>
        %add3A_260 = arith.addi %shift_left3A_236, %add3A_259 : vector<16xi32>
        %gather3A_261 = arith.constant 1 : i32
        %gather3A_262 = arith.constant 0 : i32
        %gather3A_263 = arith.constant 0 : i32
        %gather3A_264 = tpu.memref_slice %arg8[%gather3A_261, %gather3A_262, %gather3A_263] : memref<2x256x128xf32, #tpu.memory_space<vmem>> -> memref<1x256x128xf32, #tpu.memory_space<vmem>>
        %gather3A_265 = tpu.memref_squeeze %gather3A_264 : memref<1x256x128xf32, #tpu.memory_space<vmem>> -> memref<256x128xf32, #tpu.memory_space<vmem>>
        %gather3A_266 = tpu.vector_load_idx %gather3A_265[%add3A_240, %add3A_260] : memref<256x128xf32, #tpu.memory_space<vmem>>[vector<16xi32>, vector<16xi32>], vector<16xf32>,
        %add3A_267 = arith.constant 3 : i32
        %add3A_268 = vector.broadcast %add3A_267 : i32 to vector<16xi32>
        %add3A_269 = arith.addi %shift_left3A_236, %add3A_268 : vector<16xi32>
        %gather3A_270 = arith.constant 1 : i32
        %gather3A_271 = arith.constant 0 : i32
        %gather3A_272 = arith.constant 0 : i32
        %gather3A_273 = tpu.memref_slice %arg8[%gather3A_270, %gather3A_271, %gather3A_272] : memref<2x256x128xf32, #tpu.memory_space<vmem>> -> memref<1x256x128xf32, #tpu.memory_space<vmem>>
        %gather3A_274 = tpu.memref_squeeze %gather3A_273 : memref<1x256x128xf32, #tpu.memory_space<vmem>> -> memref<256x128xf32, #tpu.memory_space<vmem>>
        %gather3A_275 = tpu.vector_load_idx %gather3A_274[%add3A_240, %add3A_269] : memref<256x128xf32, #tpu.memory_space<vmem>>[vector<16xi32>, vector<16xi32>], vector<16xf32>,
        %add3A_276 = arith.constant 4 : i32
        %add3A_277 = vector.broadcast %add3A_276 : i32 to vector<16xi32>
        %add3A_278 = arith.addi %shift_left3A_236, %add3A_277 : vector<16xi32>
        %gather3A_279 = arith.constant 1 : i32
        %gather3A_280 = arith.constant 0 : i32
        %gather3A_281 = arith.constant 0 : i32
        %gather3A_282 = tpu.memref_slice %arg8[%gather3A_279, %gather3A_280, %gather3A_281] : memref<2x256x128xf32, #tpu.memory_space<vmem>> -> memref<1x256x128xf32, #tpu.memory_space<vmem>>
        %gather3A_283 = tpu.memref_squeeze %gather3A_282 : memref<1x256x128xf32, #tpu.memory_space<vmem>> -> memref<256x128xf32, #tpu.memory_space<vmem>>
        %gather3A_284 = tpu.vector_load_idx %gather3A_283[%add3A_240, %add3A_278] : memref<256x128xf32, #tpu.memory_space<vmem>>[vector<16xi32>, vector<16xi32>], vector<16xf32>,
        %add3A_285 = arith.constant 5 : i32
        %add3A_286 = vector.broadcast %add3A_285 : i32 to vector<16xi32>
        %add3A_287 = arith.addi %shift_left3A_236, %add3A_286 : vector<16xi32>
        %gather3A_288 = arith.constant 1 : i32
        %gather3A_289 = arith.constant 0 : i32
        %gather3A_290 = arith.constant 0 : i32
        %gather3A_291 = tpu.memref_slice %arg8[%gather3A_288, %gather3A_289, %gather3A_290] : memref<2x256x128xf32, #tpu.memory_space<vmem>> -> memref<1x256x128xf32, #tpu.memory_space<vmem>>
        %gather3A_292 = tpu.memref_squeeze %gather3A_291 : memref<1x256x128xf32, #tpu.memory_space<vmem>> -> memref<256x128xf32, #tpu.memory_space<vmem>>
        %gather3A_293 = tpu.vector_load_idx %gather3A_292[%add3A_240, %add3A_287] : memref<256x128xf32, #tpu.memory_space<vmem>>[vector<16xi32>, vector<16xi32>], vector<16xf32>,
        %add3A_294 = arith.constant 6 : i32
        %add3A_295 = vector.broadcast %add3A_294 : i32 to vector<16xi32>
        %add3A_296 = arith.addi %shift_left3A_236, %add3A_295 : vector<16xi32>
        %gather3A_297 = arith.constant 1 : i32
        %gather3A_298 = arith.constant 0 : i32
        %gather3A_299 = arith.constant 0 : i32
        %gather3A_300 = tpu.memref_slice %arg8[%gather3A_297, %gather3A_298, %gather3A_299] : memref<2x256x128xf32, #tpu.memory_space<vmem>> -> memref<1x256x128xf32, #tpu.memory_space<vmem>>
        %gather3A_301 = tpu.memref_squeeze %gather3A_300 : memref<1x256x128xf32, #tpu.memory_space<vmem>> -> memref<256x128xf32, #tpu.memory_space<vmem>>
        %gather3A_302 = tpu.vector_load_idx %gather3A_301[%add3A_240, %add3A_296] : memref<256x128xf32, #tpu.memory_space<vmem>>[vector<16xi32>, vector<16xi32>], vector<16xf32>,
        %add3A_303 = arith.constant 7 : i32
        %add3A_304 = vector.broadcast %add3A_303 : i32 to vector<16xi32>
        %add3A_305 = arith.addi %shift_left3A_236, %add3A_304 : vector<16xi32>
        %gather3A_306 = arith.constant 1 : i32
        %gather3A_307 = arith.constant 0 : i32
        %gather3A_308 = arith.constant 0 : i32
        %gather3A_309 = tpu.memref_slice %arg8[%gather3A_306, %gather3A_307, %gather3A_308] : memref<2x256x128xf32, #tpu.memory_space<vmem>> -> memref<1x256x128xf32, #tpu.memory_space<vmem>>
        %gather3A_310 = tpu.memref_squeeze %gather3A_309 : memref<1x256x128xf32, #tpu.memory_space<vmem>> -> memref<256x128xf32, #tpu.memory_space<vmem>>
        %gather3A_311 = tpu.vector_load_idx %gather3A_310[%add3A_240, %add3A_305] : memref<256x128xf32, #tpu.memory_space<vmem>>[vector<16xi32>, vector<16xi32>], vector<16xf32>,
        %add3A_312 = arith.constant 8 : i32
        %add3A_313 = vector.broadcast %add3A_312 : i32 to vector<16xi32>
        %add3A_314 = arith.addi %shift_left3A_236, %add3A_313 : vector<16xi32>
        %gather3A_315 = arith.constant 1 : i32
        %gather3A_316 = arith.constant 0 : i32
        %gather3A_317 = arith.constant 0 : i32
        %gather3A_318 = tpu.memref_slice %arg8[%gather3A_315, %gather3A_316, %gather3A_317] : memref<2x256x128xf32, #tpu.memory_space<vmem>> -> memref<1x256x128xf32, #tpu.memory_space<vmem>>
        %gather3A_319 = tpu.memref_squeeze %gather3A_318 : memref<1x256x128xf32, #tpu.memory_space<vmem>> -> memref<256x128xf32, #tpu.memory_space<vmem>>
        %gather3A_320 = tpu.vector_load_idx %gather3A_319[%add3A_240, %add3A_314] : memref<256x128xf32, #tpu.memory_space<vmem>>[vector<16xi32>, vector<16xi32>], vector<16xf32>,
        %add3A_321 = arith.constant 9 : i32
        %add3A_322 = vector.broadcast %add3A_321 : i32 to vector<16xi32>
        %add3A_323 = arith.addi %shift_left3A_236, %add3A_322 : vector<16xi32>
        %gather3A_324 = arith.constant 1 : i32
        %gather3A_325 = arith.constant 0 : i32
        %gather3A_326 = arith.constant 0 : i32
        %gather3A_327 = tpu.memref_slice %arg8[%gather3A_324, %gather3A_325, %gather3A_326] : memref<2x256x128xf32, #tpu.memory_space<vmem>> -> memref<1x256x128xf32, #tpu.memory_space<vmem>>
        %gather3A_328 = tpu.memref_squeeze %gather3A_327 : memref<1x256x128xf32, #tpu.memory_space<vmem>> -> memref<256x128xf32, #tpu.memory_space<vmem>>
        %gather3A_329 = tpu.vector_load_idx %gather3A_328[%add3A_240, %add3A_323] : memref<256x128xf32, #tpu.memory_space<vmem>>[vector<16xi32>, vector<16xi32>], vector<16xf32>,
        %add3A_330 = arith.constant 10 : i32
        %add3A_331 = vector.broadcast %add3A_330 : i32 to vector<16xi32>
        %add3A_332 = arith.addi %shift_left3A_236, %add3A_331 : vector<16xi32>
        %gather3A_333 = arith.constant 1 : i32
        %gather3A_334 = arith.constant 0 : i32
        %gather3A_335 = arith.constant 0 : i32
        %gather3A_336 = tpu.memref_slice %arg8[%gather3A_333, %gather3A_334, %gather3A_335] : memref<2x256x128xf32, #tpu.memory_space<vmem>> -> memref<1x256x128xf32, #tpu.memory_space<vmem>>
        %gather3A_337 = tpu.memref_squeeze %gather3A_336 : memref<1x256x128xf32, #tpu.memory_space<vmem>> -> memref<256x128xf32, #tpu.memory_space<vmem>>
        %gather3A_338 = tpu.vector_load_idx %gather3A_337[%add3A_240, %add3A_332] : memref<256x128xf32, #tpu.memory_space<vmem>>[vector<16xi32>, vector<16xi32>], vector<16xf32>,
        %add3A_339 = arith.constant 11 : i32
        %add3A_340 = vector.broadcast %add3A_339 : i32 to vector<16xi32>
        %add3A_341 = arith.addi %shift_left3A_236, %add3A_340 : vector<16xi32>
        %gather3A_342 = arith.constant 1 : i32
        %gather3A_343 = arith.constant 0 : i32
        %gather3A_344 = arith.constant 0 : i32
        %gather3A_345 = tpu.memref_slice %arg8[%gather3A_342, %gather3A_343, %gather3A_344] : memref<2x256x128xf32, #tpu.memory_space<vmem>> -> memref<1x256x128xf32, #tpu.memory_space<vmem>>
        %gather3A_346 = tpu.memref_squeeze %gather3A_345 : memref<1x256x128xf32, #tpu.memory_space<vmem>> -> memref<256x128xf32, #tpu.memory_space<vmem>>
        %gather3A_347 = tpu.vector_load_idx %gather3A_346[%add3A_240, %add3A_341] : memref<256x128xf32, #tpu.memory_space<vmem>>[vector<16xi32>, vector<16xi32>], vector<16xf32>,
        %add3A_348 = arith.constant 12 : i32
        %add3A_349 = vector.broadcast %add3A_348 : i32 to vector<16xi32>
        %add3A_350 = arith.addi %shift_left3A_236, %add3A_349 : vector<16xi32>
        %gather3A_351 = arith.constant 1 : i32
        %gather3A_352 = arith.constant 0 : i32
        %gather3A_353 = arith.constant 0 : i32
        %gather3A_354 = tpu.memref_slice %arg8[%gather3A_351, %gather3A_352, %gather3A_353] : memref<2x256x128xf32, #tpu.memory_space<vmem>> -> memref<1x256x128xf32, #tpu.memory_space<vmem>>
        %gather3A_355 = tpu.memref_squeeze %gather3A_354 : memref<1x256x128xf32, #tpu.memory_space<vmem>> -> memref<256x128xf32, #tpu.memory_space<vmem>>
        %gather3A_356 = tpu.vector_load_idx %gather3A_355[%add3A_240, %add3A_350] : memref<256x128xf32, #tpu.memory_space<vmem>>[vector<16xi32>, vector<16xi32>], vector<16xf32>,
        %add3A_357 = arith.constant 13 : i32
        %add3A_358 = vector.broadcast %add3A_357 : i32 to vector<16xi32>
        %add3A_359 = arith.addi %shift_left3A_236, %add3A_358 : vector<16xi32>
        %gather3A_360 = arith.constant 1 : i32
        %gather3A_361 = arith.constant 0 : i32
        %gather3A_362 = arith.constant 0 : i32
        %gather3A_363 = tpu.memref_slice %arg8[%gather3A_360, %gather3A_361, %gather3A_362] : memref<2x256x128xf32, #tpu.memory_space<vmem>> -> memref<1x256x128xf32, #tpu.memory_space<vmem>>
        %gather3A_364 = tpu.memref_squeeze %gather3A_363 : memref<1x256x128xf32, #tpu.memory_space<vmem>> -> memref<256x128xf32, #tpu.memory_space<vmem>>
        %gather3A_365 = tpu.vector_load_idx %gather3A_364[%add3A_240, %add3A_359] : memref<256x128xf32, #tpu.memory_space<vmem>>[vector<16xi32>, vector<16xi32>], vector<16xf32>,
        %add3A_366 = arith.constant 14 : i32
        %add3A_367 = vector.broadcast %add3A_366 : i32 to vector<16xi32>
        %add3A_368 = arith.addi %shift_left3A_236, %add3A_367 : vector<16xi32>
        %gather3A_369 = arith.constant 1 : i32
        %gather3A_370 = arith.constant 0 : i32
        %gather3A_371 = arith.constant 0 : i32
        %gather3A_372 = tpu.memref_slice %arg8[%gather3A_369, %gather3A_370, %gather3A_371] : memref<2x256x128xf32, #tpu.memory_space<vmem>> -> memref<1x256x128xf32, #tpu.memory_space<vmem>>
        %gather3A_373 = tpu.memref_squeeze %gather3A_372 : memref<1x256x128xf32, #tpu.memory_space<vmem>> -> memref<256x128xf32, #tpu.memory_space<vmem>>
        %gather3A_374 = tpu.vector_load_idx %gather3A_373[%add3A_240, %add3A_368] : memref<256x128xf32, #tpu.memory_space<vmem>>[vector<16xi32>, vector<16xi32>], vector<16xf32>,
        %add3A_375 = arith.constant 15 : i32
        %add3A_376 = vector.broadcast %add3A_375 : i32 to vector<16xi32>
        %add3A_377 = arith.addi %shift_left3A_236, %add3A_376 : vector<16xi32>
        %gather3A_378 = arith.constant 1 : i32
        %gather3A_379 = arith.constant 0 : i32
        %gather3A_380 = arith.constant 0 : i32
        %gather3A_381 = tpu.memref_slice %arg8[%gather3A_378, %gather3A_379, %gather3A_380] : memref<2x256x128xf32, #tpu.memory_space<vmem>> -> memref<1x256x128xf32, #tpu.memory_space<vmem>>
        %gather3A_382 = tpu.memref_squeeze %gather3A_381 : memref<1x256x128xf32, #tpu.memory_space<vmem>> -> memref<256x128xf32, #tpu.memory_space<vmem>>
        %gather3A_383 = tpu.vector_load_idx %gather3A_382[%add3A_240, %add3A_377] : memref<256x128xf32, #tpu.memory_space<vmem>>[vector<16xi32>, vector<16xi32>], vector<16xf32>,
        %mul3A_384 = arith.constant 1.250000e-01 : f32
        %mul3A_385 = vector.broadcast %mul3A_384 : f32 to vector<16xf32>
        %mul3A_386 = arith.mulf %gather3A_248, %mul3A_385 : vector<16xf32>
        %mul3A_387 = arith.constant 16 : i32
        %mul3A_388 = arith.muli %add3A_225, %mul3A_387 : i32
        %swap3A = arith.constant 1 : i32
        %swap3A_389 = arith.constant 0 : i32
        %swap3A_390 = arith.index_cast %swap3A : i32 to index
        %swap3A_391 = arith.index_cast %swap3A_389 : i32 to index
        %swap3A_392 = arith.index_cast %mul3A_388 : i32 to index
        %swap3A_393 = tpu.vector_load %arg9[%swap3A_390, %swap3A_391, %swap3A_392] {strides = array<i32>} : memref<2x64x256xf32, #tpu.memory_space<vmem>>, vector<16xf32>,
        tpu.vector_store %arg9[%swap3A_390, %swap3A_391, %swap3A_392], %mul3A_386 {strides = array<i32>} : memref<2x64x256xf32, #tpu.memory_space<vmem>>, vector<16xf32>,
        %mul3A_394 = arith.constant 1.250000e-01 : f32
        %mul3A_395 = vector.broadcast %mul3A_394 : f32 to vector<16xf32>
        %mul3A_396 = arith.mulf %gather3A_257, %mul3A_395 : vector<16xf32>
        %mul3A_397 = arith.constant 16 : i32
        %mul3A_398 = arith.muli %add3A_225, %mul3A_397 : i32
        %swap3A_399 = arith.constant 1 : i32
        %swap3A_400 = arith.constant 1 : i32
        %swap3A_401 = arith.index_cast %swap3A_399 : i32 to index
        %swap3A_402 = arith.index_cast %swap3A_400 : i32 to index
        %swap3A_403 = arith.index_cast %mul3A_398 : i32 to index
        %swap3A_404 = tpu.vector_load %arg9[%swap3A_401, %swap3A_402, %swap3A_403] {strides = array<i32>} : memref<2x64x256xf32, #tpu.memory_space<vmem>>, vector<16xf32>,
        tpu.vector_store %arg9[%swap3A_401, %swap3A_402, %swap3A_403], %mul3A_396 {strides = array<i32>} : memref<2x64x256xf32, #tpu.memory_space<vmem>>, vector<16xf32>,
        %mul3A_405 = arith.constant 1.250000e-01 : f32
        %mul3A_406 = vector.broadcast %mul3A_405 : f32 to vector<16xf32>
        %mul3A_407 = arith.mulf %gather3A_266, %mul3A_406 : vector<16xf32>
        %mul3A_408 = arith.constant 16 : i32
        %mul3A_409 = arith.muli %add3A_225, %mul3A_408 : i32
        %swap3A_410 = arith.constant 1 : i32
        %swap3A_411 = arith.constant 2 : i32
        %swap3A_412 = arith.index_cast %swap3A_410 : i32 to index
        %swap3A_413 = arith.index_cast %swap3A_411 : i32 to index
        %swap3A_414 = arith.index_cast %mul3A_409 : i32 to index
        %swap3A_415 = tpu.vector_load %arg9[%swap3A_412, %swap3A_413, %swap3A_414] {strides = array<i32>} : memref<2x64x256xf32, #tpu.memory_space<vmem>>, vector<16xf32>,
        tpu.vector_store %arg9[%swap3A_412, %swap3A_413, %swap3A_414], %mul3A_407 {strides = array<i32>} : memref<2x64x256xf32, #tpu.memory_space<vmem>>, vector<16xf32>,
        %mul3A_416 = arith.constant 1.250000e-01 : f32
        %mul3A_417 = vector.broadcast %mul3A_416 : f32 to vector<16xf32>
        %mul3A_418 = arith.mulf %gather3A_275, %mul3A_417 : vector<16xf32>
        %mul3A_419 = arith.constant 16 : i32
        %mul3A_420 = arith.muli %add3A_225, %mul3A_419 : i32
        %swap3A_421 = arith.constant 1 : i32
        %swap3A_422 = arith.constant 3 : i32
        %swap3A_423 = arith.index_cast %swap3A_421 : i32 to index
        %swap3A_424 = arith.index_cast %swap3A_422 : i32 to index
        %swap3A_425 = arith.index_cast %mul3A_420 : i32 to index
        %swap3A_426 = tpu.vector_load %arg9[%swap3A_423, %swap3A_424, %swap3A_425] {strides = array<i32>} : memref<2x64x256xf32, #tpu.memory_space<vmem>>, vector<16xf32>,
        tpu.vector_store %arg9[%swap3A_423, %swap3A_424, %swap3A_425], %mul3A_418 {strides = array<i32>} : memref<2x64x256xf32, #tpu.memory_space<vmem>>, vector<16xf32>,
        %mul3A_427 = arith.constant 1.250000e-01 : f32
        %mul3A_428 = vector.broadcast %mul3A_427 : f32 to vector<16xf32>
        %mul3A_429 = arith.mulf %gather3A_284, %mul3A_428 : vector<16xf32>
        %mul3A_430 = arith.constant 16 : i32
        %mul3A_431 = arith.muli %add3A_225, %mul3A_430 : i32
        %swap3A_432 = arith.constant 1 : i32
        %swap3A_433 = arith.constant 4 : i32
        %swap3A_434 = arith.index_cast %swap3A_432 : i32 to index
        %swap3A_435 = arith.index_cast %swap3A_433 : i32 to index
        %swap3A_436 = arith.index_cast %mul3A_431 : i32 to index
        %swap3A_437 = tpu.vector_load %arg9[%swap3A_434, %swap3A_435, %swap3A_436] {strides = array<i32>} : memref<2x64x256xf32, #tpu.memory_space<vmem>>, vector<16xf32>,
        tpu.vector_store %arg9[%swap3A_434, %swap3A_435, %swap3A_436], %mul3A_429 {strides = array<i32>} : memref<2x64x256xf32, #tpu.memory_space<vmem>>, vector<16xf32>,
        %mul3A_438 = arith.constant 1.250000e-01 : f32
        %mul3A_439 = vector.broadcast %mul3A_438 : f32 to vector<16xf32>
        %mul3A_440 = arith.mulf %gather3A_293, %mul3A_439 : vector<16xf32>
        %mul3A_441 = arith.constant 16 : i32
        %mul3A_442 = arith.muli %add3A_225, %mul3A_441 : i32
        %swap3A_443 = arith.constant 1 : i32
        %swap3A_444 = arith.constant 5 : i32
        %swap3A_445 = arith.index_cast %swap3A_443 : i32 to index
        %swap3A_446 = arith.index_cast %swap3A_444 : i32 to index
        %swap3A_447 = arith.index_cast %mul3A_442 : i32 to index
        %swap3A_448 = tpu.vector_load %arg9[%swap3A_445, %swap3A_446, %swap3A_447] {strides = array<i32>} : memref<2x64x256xf32, #tpu.memory_space<vmem>>, vector<16xf32>,
        tpu.vector_store %arg9[%swap3A_445, %swap3A_446, %swap3A_447], %mul3A_440 {strides = array<i32>} : memref<2x64x256xf32, #tpu.memory_space<vmem>>, vector<16xf32>,
        %mul3A_449 = arith.constant 1.250000e-01 : f32
        %mul3A_450 = vector.broadcast %mul3A_449 : f32 to vector<16xf32>
        %mul3A_451 = arith.mulf %gather3A_302, %mul3A_450 : vector<16xf32>
        %mul3A_452 = arith.constant 16 : i32
        %mul3A_453 = arith.muli %add3A_225, %mul3A_452 : i32
        %swap3A_454 = arith.constant 1 : i32
        %swap3A_455 = arith.constant 6 : i32
        %swap3A_456 = arith.index_cast %swap3A_454 : i32 to index
        %swap3A_457 = arith.index_cast %swap3A_455 : i32 to index
        %swap3A_458 = arith.index_cast %mul3A_453 : i32 to index
        %swap3A_459 = tpu.vector_load %arg9[%swap3A_456, %swap3A_457, %swap3A_458] {strides = array<i32>} : memref<2x64x256xf32, #tpu.memory_space<vmem>>, vector<16xf32>,
        tpu.vector_store %arg9[%swap3A_456, %swap3A_457, %swap3A_458], %mul3A_451 {strides = array<i32>} : memref<2x64x256xf32, #tpu.memory_space<vmem>>, vector<16xf32>,
        %mul3A_460 = arith.constant 1.250000e-01 : f32
        %mul3A_461 = vector.broadcast %mul3A_460 : f32 to vector<16xf32>
        %mul3A_462 = arith.mulf %gather3A_311, %mul3A_461 : vector<16xf32>
        %mul3A_463 = arith.constant 16 : i32
        %mul3A_464 = arith.muli %add3A_225, %mul3A_463 : i32
        %swap3A_465 = arith.constant 1 : i32
        %swap3A_466 = arith.constant 7 : i32
        %swap3A_467 = arith.index_cast %swap3A_465 : i32 to index
        %swap3A_468 = arith.index_cast %swap3A_466 : i32 to index
        %swap3A_469 = arith.index_cast %mul3A_464 : i32 to index
        %swap3A_470 = tpu.vector_load %arg9[%swap3A_467, %swap3A_468, %swap3A_469] {strides = array<i32>} : memref<2x64x256xf32, #tpu.memory_space<vmem>>, vector<16xf32>,
        tpu.vector_store %arg9[%swap3A_467, %swap3A_468, %swap3A_469], %mul3A_462 {strides = array<i32>} : memref<2x64x256xf32, #tpu.memory_space<vmem>>, vector<16xf32>,
        %mul3A_471 = arith.constant 1.250000e-01 : f32
        %mul3A_472 = vector.broadcast %mul3A_471 : f32 to vector<16xf32>
        %mul3A_473 = arith.mulf %gather3A_320, %mul3A_472 : vector<16xf32>
        %mul3A_474 = arith.constant 16 : i32
        %mul3A_475 = arith.muli %add3A_225, %mul3A_474 : i32
        %swap3A_476 = arith.constant 1 : i32
        %swap3A_477 = arith.constant 8 : i32
        %swap3A_478 = arith.index_cast %swap3A_476 : i32 to index
        %swap3A_479 = arith.index_cast %swap3A_477 : i32 to index
        %swap3A_480 = arith.index_cast %mul3A_475 : i32 to index
        %swap3A_481 = tpu.vector_load %arg9[%swap3A_478, %swap3A_479, %swap3A_480] {strides = array<i32>} : memref<2x64x256xf32, #tpu.memory_space<vmem>>, vector<16xf32>,
        tpu.vector_store %arg9[%swap3A_478, %swap3A_479, %swap3A_480], %mul3A_473 {strides = array<i32>} : memref<2x64x256xf32, #tpu.memory_space<vmem>>, vector<16xf32>,
        %mul3A_482 = arith.constant 1.250000e-01 : f32
        %mul3A_483 = vector.broadcast %mul3A_482 : f32 to vector<16xf32>
        %mul3A_484 = arith.mulf %gather3A_329, %mul3A_483 : vector<16xf32>
        %mul3A_485 = arith.constant 16 : i32
        %mul3A_486 = arith.muli %add3A_225, %mul3A_485 : i32
        %swap3A_487 = arith.constant 1 : i32
        %swap3A_488 = arith.constant 9 : i32
        %swap3A_489 = arith.index_cast %swap3A_487 : i32 to index
        %swap3A_490 = arith.index_cast %swap3A_488 : i32 to index
        %swap3A_491 = arith.index_cast %mul3A_486 : i32 to index
        %swap3A_492 = tpu.vector_load %arg9[%swap3A_489, %swap3A_490, %swap3A_491] {strides = array<i32>} : memref<2x64x256xf32, #tpu.memory_space<vmem>>, vector<16xf32>,
        tpu.vector_store %arg9[%swap3A_489, %swap3A_490, %swap3A_491], %mul3A_484 {strides = array<i32>} : memref<2x64x256xf32, #tpu.memory_space<vmem>>, vector<16xf32>,
        %mul3A_493 = arith.constant 1.250000e-01 : f32
        %mul3A_494 = vector.broadcast %mul3A_493 : f32 to vector<16xf32>
        %mul3A_495 = arith.mulf %gather3A_338, %mul3A_494 : vector<16xf32>
        %mul3A_496 = arith.constant 16 : i32
        %mul3A_497 = arith.muli %add3A_225, %mul3A_496 : i32
        %swap3A_498 = arith.constant 1 : i32
        %swap3A_499 = arith.constant 10 : i32
        %swap3A_500 = arith.index_cast %swap3A_498 : i32 to index
        %swap3A_501 = arith.index_cast %swap3A_499 : i32 to index
        %swap3A_502 = arith.index_cast %mul3A_497 : i32 to index
        %swap3A_503 = tpu.vector_load %arg9[%swap3A_500, %swap3A_501, %swap3A_502] {strides = array<i32>} : memref<2x64x256xf32, #tpu.memory_space<vmem>>, vector<16xf32>,
        tpu.vector_store %arg9[%swap3A_500, %swap3A_501, %swap3A_502], %mul3A_495 {strides = array<i32>} : memref<2x64x256xf32, #tpu.memory_space<vmem>>, vector<16xf32>,
        %mul3A_504 = arith.constant 1.250000e-01 : f32
        %mul3A_505 = vector.broadcast %mul3A_504 : f32 to vector<16xf32>
        %mul3A_506 = arith.mulf %gather3A_347, %mul3A_505 : vector<16xf32>
        %mul3A_507 = arith.constant 16 : i32
        %mul3A_508 = arith.muli %add3A_225, %mul3A_507 : i32
        %swap3A_509 = arith.constant 1 : i32
        %swap3A_510 = arith.constant 11 : i32
        %swap3A_511 = arith.index_cast %swap3A_509 : i32 to index
        %swap3A_512 = arith.index_cast %swap3A_510 : i32 to index
        %swap3A_513 = arith.index_cast %mul3A_508 : i32 to index
        %swap3A_514 = tpu.vector_load %arg9[%swap3A_511, %swap3A_512, %swap3A_513] {strides = array<i32>} : memref<2x64x256xf32, #tpu.memory_space<vmem>>, vector<16xf32>,
        tpu.vector_store %arg9[%swap3A_511, %swap3A_512, %swap3A_513], %mul3A_506 {strides = array<i32>} : memref<2x64x256xf32, #tpu.memory_space<vmem>>, vector<16xf32>,
        %mul3A_515 = arith.constant 1.250000e-01 : f32
        %mul3A_516 = vector.broadcast %mul3A_515 : f32 to vector<16xf32>
        %mul3A_517 = arith.mulf %gather3A_356, %mul3A_516 : vector<16xf32>
        %mul3A_518 = arith.constant 16 : i32
        %mul3A_519 = arith.muli %add3A_225, %mul3A_518 : i32
        %swap3A_520 = arith.constant 1 : i32
        %swap3A_521 = arith.constant 12 : i32
        %swap3A_522 = arith.index_cast %swap3A_520 : i32 to index
        %swap3A_523 = arith.index_cast %swap3A_521 : i32 to index
        %swap3A_524 = arith.index_cast %mul3A_519 : i32 to index
        %swap3A_525 = tpu.vector_load %arg9[%swap3A_522, %swap3A_523, %swap3A_524] {strides = array<i32>} : memref<2x64x256xf32, #tpu.memory_space<vmem>>, vector<16xf32>,
        tpu.vector_store %arg9[%swap3A_522, %swap3A_523, %swap3A_524], %mul3A_517 {strides = array<i32>} : memref<2x64x256xf32, #tpu.memory_space<vmem>>, vector<16xf32>,
        %mul3A_526 = arith.constant 1.250000e-01 : f32
        %mul3A_527 = vector.broadcast %mul3A_526 : f32 to vector<16xf32>
        %mul3A_528 = arith.mulf %gather3A_365, %mul3A_527 : vector<16xf32>
        %mul3A_529 = arith.constant 16 : i32
        %mul3A_530 = arith.muli %add3A_225, %mul3A_529 : i32
        %swap3A_531 = arith.constant 1 : i32
        %swap3A_532 = arith.constant 13 : i32
        %swap3A_533 = arith.index_cast %swap3A_531 : i32 to index
        %swap3A_534 = arith.index_cast %swap3A_532 : i32 to index
        %swap3A_535 = arith.index_cast %mul3A_530 : i32 to index
        %swap3A_536 = tpu.vector_load %arg9[%swap3A_533, %swap3A_534, %swap3A_535] {strides = array<i32>} : memref<2x64x256xf32, #tpu.memory_space<vmem>>, vector<16xf32>,
        tpu.vector_store %arg9[%swap3A_533, %swap3A_534, %swap3A_535], %mul3A_528 {strides = array<i32>} : memref<2x64x256xf32, #tpu.memory_space<vmem>>, vector<16xf32>,
        %mul3A_537 = arith.constant 1.250000e-01 : f32
        %mul3A_538 = vector.broadcast %mul3A_537 : f32 to vector<16xf32>
        %mul3A_539 = arith.mulf %gather3A_374, %mul3A_538 : vector<16xf32>
        %mul3A_540 = arith.constant 16 : i32
        %mul3A_541 = arith.muli %add3A_225, %mul3A_540 : i32
        %swap3A_542 = arith.constant 1 : i32
        %swap3A_543 = arith.constant 14 : i32
        %swap3A_544 = arith.index_cast %swap3A_542 : i32 to index
        %swap3A_545 = arith.index_cast %swap3A_543 : i32 to index
        %swap3A_546 = arith.index_cast %mul3A_541 : i32 to index
        %swap3A_547 = tpu.vector_load %arg9[%swap3A_544, %swap3A_545, %swap3A_546] {strides = array<i32>} : memref<2x64x256xf32, #tpu.memory_space<vmem>>, vector<16xf32>,
        tpu.vector_store %arg9[%swap3A_544, %swap3A_545, %swap3A_546], %mul3A_539 {strides = array<i32>} : memref<2x64x256xf32, #tpu.memory_space<vmem>>, vector<16xf32>,
        %mul3A_548 = arith.constant 1.250000e-01 : f32
        %mul3A_549 = vector.broadcast %mul3A_548 : f32 to vector<16xf32>
        %mul3A_550 = arith.mulf %gather3A_383, %mul3A_549 : vector<16xf32>
        %mul3A_551 = arith.constant 16 : i32
        %mul3A_552 = arith.muli %add3A_225, %mul3A_551 : i32
        %swap3A_553 = arith.constant 1 : i32
        %swap3A_554 = arith.constant 15 : i32
        %swap3A_555 = arith.index_cast %swap3A_553 : i32 to index
        %swap3A_556 = arith.index_cast %swap3A_554 : i32 to index
        %swap3A_557 = arith.index_cast %mul3A_552 : i32 to index
        %swap3A_558 = tpu.vector_load %arg9[%swap3A_555, %swap3A_556, %swap3A_557] {strides = array<i32>} : memref<2x64x256xf32, #tpu.memory_space<vmem>>, vector<16xf32>,
        tpu.vector_store %arg9[%swap3A_555, %swap3A_556, %swap3A_557], %mul3A_550 {strides = array<i32>} : memref<2x64x256xf32, #tpu.memory_space<vmem>>, vector<16xf32>,
        %add3A_559 = arith.constant 16 : i32
        %add3A_560 = vector.broadcast %add3A_559 : i32 to vector<16xi32>
        %add3A_561 = arith.addi %shift_left3A_236, %add3A_560 : vector<16xi32>
        %gather3A_562 = arith.constant 1 : i32
        %gather3A_563 = arith.constant 0 : i32
        %gather3A_564 = arith.constant 0 : i32
        %gather3A_565 = tpu.memref_slice %arg8[%gather3A_562, %gather3A_563, %gather3A_564] : memref<2x256x128xf32, #tpu.memory_space<vmem>> -> memref<1x256x128xf32, #tpu.memory_space<vmem>>
        %gather3A_566 = tpu.memref_squeeze %gather3A_565 : memref<1x256x128xf32, #tpu.memory_space<vmem>> -> memref<256x128xf32, #tpu.memory_space<vmem>>
        %gather3A_567 = tpu.vector_load_idx %gather3A_566[%add3A_240, %add3A_561] : memref<256x128xf32, #tpu.memory_space<vmem>>[vector<16xi32>, vector<16xi32>], vector<16xf32>,
        %add3A_568 = arith.constant 17 : i32
        %add3A_569 = vector.broadcast %add3A_568 : i32 to vector<16xi32>
        %add3A_570 = arith.addi %shift_left3A_236, %add3A_569 : vector<16xi32>
        %gather3A_571 = arith.constant 1 : i32
        %gather3A_572 = arith.constant 0 : i32
        %gather3A_573 = arith.constant 0 : i32
        %gather3A_574 = tpu.memref_slice %arg8[%gather3A_571, %gather3A_572, %gather3A_573] : memref<2x256x128xf32, #tpu.memory_space<vmem>> -> memref<1x256x128xf32, #tpu.memory_space<vmem>>
        %gather3A_575 = tpu.memref_squeeze %gather3A_574 : memref<1x256x128xf32, #tpu.memory_space<vmem>> -> memref<256x128xf32, #tpu.memory_space<vmem>>
        %gather3A_576 = tpu.vector_load_idx %gather3A_575[%add3A_240, %add3A_570] : memref<256x128xf32, #tpu.memory_space<vmem>>[vector<16xi32>, vector<16xi32>], vector<16xf32>,
        %add3A_577 = arith.constant 18 : i32
        %add3A_578 = vector.broadcast %add3A_577 : i32 to vector<16xi32>
        %add3A_579 = arith.addi %shift_left3A_236, %add3A_578 : vector<16xi32>
        %gather3A_580 = arith.constant 1 : i32
        %gather3A_581 = arith.constant 0 : i32
        %gather3A_582 = arith.constant 0 : i32
        %gather3A_583 = tpu.memref_slice %arg8[%gather3A_580, %gather3A_581, %gather3A_582] : memref<2x256x128xf32, #tpu.memory_space<vmem>> -> memref<1x256x128xf32, #tpu.memory_space<vmem>>
        %gather3A_584 = tpu.memref_squeeze %gather3A_583 : memref<1x256x128xf32, #tpu.memory_space<vmem>> -> memref<256x128xf32, #tpu.memory_space<vmem>>
        %gather3A_585 = tpu.vector_load_idx %gather3A_584[%add3A_240, %add3A_579] : memref<256x128xf32, #tpu.memory_space<vmem>>[vector<16xi32>, vector<16xi32>], vector<16xf32>,
        %add3A_586 = arith.constant 19 : i32
        %add3A_587 = vector.broadcast %add3A_586 : i32 to vector<16xi32>
        %add3A_588 = arith.addi %shift_left3A_236, %add3A_587 : vector<16xi32>
        %gather3A_589 = arith.constant 1 : i32
        %gather3A_590 = arith.constant 0 : i32
        %gather3A_591 = arith.constant 0 : i32
        %gather3A_592 = tpu.memref_slice %arg8[%gather3A_589, %gather3A_590, %gather3A_591] : memref<2x256x128xf32, #tpu.memory_space<vmem>> -> memref<1x256x128xf32, #tpu.memory_space<vmem>>
        %gather3A_593 = tpu.memref_squeeze %gather3A_592 : memref<1x256x128xf32, #tpu.memory_space<vmem>> -> memref<256x128xf32, #tpu.memory_space<vmem>>
        %gather3A_594 = tpu.vector_load_idx %gather3A_593[%add3A_240, %add3A_588] : memref<256x128xf32, #tpu.memory_space<vmem>>[vector<16xi32>, vector<16xi32>], vector<16xf32>,
        %add3A_595 = arith.constant 20 : i32
        %add3A_596 = vector.broadcast %add3A_595 : i32 to vector<16xi32>
        %add3A_597 = arith.addi %shift_left3A_236, %add3A_596 : vector<16xi32>
        %gather3A_598 = arith.constant 1 : i32
        %gather3A_599 = arith.constant 0 : i32
        %gather3A_600 = arith.constant 0 : i32
        %gather3A_601 = tpu.memref_slice %arg8[%gather3A_598, %gather3A_599, %gather3A_600] : memref<2x256x128xf32, #tpu.memory_space<vmem>> -> memref<1x256x128xf32, #tpu.memory_space<vmem>>
        %gather3A_602 = tpu.memref_squeeze %gather3A_601 : memref<1x256x128xf32, #tpu.memory_space<vmem>> -> memref<256x128xf32, #tpu.memory_space<vmem>>
        %gather3A_603 = tpu.vector_load_idx %gather3A_602[%add3A_240, %add3A_597] : memref<256x128xf32, #tpu.memory_space<vmem>>[vector<16xi32>, vector<16xi32>], vector<16xf32>,
        %add3A_604 = arith.constant 21 : i32
        %add3A_605 = vector.broadcast %add3A_604 : i32 to vector<16xi32>
        %add3A_606 = arith.addi %shift_left3A_236, %add3A_605 : vector<16xi32>
        %gather3A_607 = arith.constant 1 : i32
        %gather3A_608 = arith.constant 0 : i32
        %gather3A_609 = arith.constant 0 : i32
        %gather3A_610 = tpu.memref_slice %arg8[%gather3A_607, %gather3A_608, %gather3A_609] : memref<2x256x128xf32, #tpu.memory_space<vmem>> -> memref<1x256x128xf32, #tpu.memory_space<vmem>>
        %gather3A_611 = tpu.memref_squeeze %gather3A_610 : memref<1x256x128xf32, #tpu.memory_space<vmem>> -> memref<256x128xf32, #tpu.memory_space<vmem>>
        %gather3A_612 = tpu.vector_load_idx %gather3A_611[%add3A_240, %add3A_606] : memref<256x128xf32, #tpu.memory_space<vmem>>[vector<16xi32>, vector<16xi32>], vector<16xf32>,
        %add3A_613 = arith.constant 22 : i32
        %add3A_614 = vector.broadcast %add3A_613 : i32 to vector<16xi32>
        %add3A_615 = arith.addi %shift_left3A_236, %add3A_614 : vector<16xi32>
        %gather3A_616 = arith.constant 1 : i32
        %gather3A_617 = arith.constant 0 : i32
        %gather3A_618 = arith.constant 0 : i32
        %gather3A_619 = tpu.memref_slice %arg8[%gather3A_616, %gather3A_617, %gather3A_618] : memref<2x256x128xf32, #tpu.memory_space<vmem>> -> memref<1x256x128xf32, #tpu.memory_space<vmem>>
        %gather3A_620 = tpu.memref_squeeze %gather3A_619 : memref<1x256x128xf32, #tpu.memory_space<vmem>> -> memref<256x128xf32, #tpu.memory_space<vmem>>
        %gather3A_621 = tpu.vector_load_idx %gather3A_620[%add3A_240, %add3A_615] : memref<256x128xf32, #tpu.memory_space<vmem>>[vector<16xi32>, vector<16xi32>], vector<16xf32>,
        %add3A_622 = arith.constant 23 : i32
        %add3A_623 = vector.broadcast %add3A_622 : i32 to vector<16xi32>
        %add3A_624 = arith.addi %shift_left3A_236, %add3A_623 : vector<16xi32>
        %gather3A_625 = arith.constant 1 : i32
        %gather3A_626 = arith.constant 0 : i32
        %gather3A_627 = arith.constant 0 : i32
        %gather3A_628 = tpu.memref_slice %arg8[%gather3A_625, %gather3A_626, %gather3A_627] : memref<2x256x128xf32, #tpu.memory_space<vmem>> -> memref<1x256x128xf32, #tpu.memory_space<vmem>>
        %gather3A_629 = tpu.memref_squeeze %gather3A_628 : memref<1x256x128xf32, #tpu.memory_space<vmem>> -> memref<256x128xf32, #tpu.memory_space<vmem>>
        %gather3A_630 = tpu.vector_load_idx %gather3A_629[%add3A_240, %add3A_624] : memref<256x128xf32, #tpu.memory_space<vmem>>[vector<16xi32>, vector<16xi32>], vector<16xf32>,
        %add3A_631 = arith.constant 24 : i32
        %add3A_632 = vector.broadcast %add3A_631 : i32 to vector<16xi32>
        %add3A_633 = arith.addi %shift_left3A_236, %add3A_632 : vector<16xi32>
        %gather3A_634 = arith.constant 1 : i32
        %gather3A_635 = arith.constant 0 : i32
        %gather3A_636 = arith.constant 0 : i32
        %gather3A_637 = tpu.memref_slice %arg8[%gather3A_634, %gather3A_635, %gather3A_636] : memref<2x256x128xf32, #tpu.memory_space<vmem>> -> memref<1x256x128xf32, #tpu.memory_space<vmem>>
        %gather3A_638 = tpu.memref_squeeze %gather3A_637 : memref<1x256x128xf32, #tpu.memory_space<vmem>> -> memref<256x128xf32, #tpu.memory_space<vmem>>
        %gather3A_639 = tpu.vector_load_idx %gather3A_638[%add3A_240, %add3A_633] : memref<256x128xf32, #tpu.memory_space<vmem>>[vector<16xi32>, vector<16xi32>], vector<16xf32>,
        %add3A_640 = arith.constant 25 : i32
        %add3A_641 = vector.broadcast %add3A_640 : i32 to vector<16xi32>
        %add3A_642 = arith.addi %shift_left3A_236, %add3A_641 : vector<16xi32>
        %gather3A_643 = arith.constant 1 : i32
        %gather3A_644 = arith.constant 0 : i32
        %gather3A_645 = arith.constant 0 : i32
        %gather3A_646 = tpu.memref_slice %arg8[%gather3A_643, %gather3A_644, %gather3A_645] : memref<2x256x128xf32, #tpu.memory_space<vmem>> -> memref<1x256x128xf32, #tpu.memory_space<vmem>>
        %gather3A_647 = tpu.memref_squeeze %gather3A_646 : memref<1x256x128xf32, #tpu.memory_space<vmem>> -> memref<256x128xf32, #tpu.memory_space<vmem>>
        %gather3A_648 = tpu.vector_load_idx %gather3A_647[%add3A_240, %add3A_642] : memref<256x128xf32, #tpu.memory_space<vmem>>[vector<16xi32>, vector<16xi32>], vector<16xf32>,
        %add3A_649 = arith.constant 26 : i32
        %add3A_650 = vector.broadcast %add3A_649 : i32 to vector<16xi32>
        %add3A_651 = arith.addi %shift_left3A_236, %add3A_650 : vector<16xi32>
        %gather3A_652 = arith.constant 1 : i32
        %gather3A_653 = arith.constant 0 : i32
        %gather3A_654 = arith.constant 0 : i32
        %gather3A_655 = tpu.memref_slice %arg8[%gather3A_652, %gather3A_653, %gather3A_654] : memref<2x256x128xf32, #tpu.memory_space<vmem>> -> memref<1x256x128xf32, #tpu.memory_space<vmem>>
        %gather3A_656 = tpu.memref_squeeze %gather3A_655 : memref<1x256x128xf32, #tpu.memory_space<vmem>> -> memref<256x128xf32, #tpu.memory_space<vmem>>
        %gather3A_657 = tpu.vector_load_idx %gather3A_656[%add3A_240, %add3A_651] : memref<256x128xf32, #tpu.memory_space<vmem>>[vector<16xi32>, vector<16xi32>], vector<16xf32>,
        %add3A_658 = arith.constant 27 : i32
        %add3A_659 = vector.broadcast %add3A_658 : i32 to vector<16xi32>
        %add3A_660 = arith.addi %shift_left3A_236, %add3A_659 : vector<16xi32>
        %gather3A_661 = arith.constant 1 : i32
        %gather3A_662 = arith.constant 0 : i32
        %gather3A_663 = arith.constant 0 : i32
        %gather3A_664 = tpu.memref_slice %arg8[%gather3A_661, %gather3A_662, %gather3A_663] : memref<2x256x128xf32, #tpu.memory_space<vmem>> -> memref<1x256x128xf32, #tpu.memory_space<vmem>>
        %gather3A_665 = tpu.memref_squeeze %gather3A_664 : memref<1x256x128xf32, #tpu.memory_space<vmem>> -> memref<256x128xf32, #tpu.memory_space<vmem>>
        %gather3A_666 = tpu.vector_load_idx %gather3A_665[%add3A_240, %add3A_660] : memref<256x128xf32, #tpu.memory_space<vmem>>[vector<16xi32>, vector<16xi32>], vector<16xf32>,
        %add3A_667 = arith.constant 28 : i32
        %add3A_668 = vector.broadcast %add3A_667 : i32 to vector<16xi32>
        %add3A_669 = arith.addi %shift_left3A_236, %add3A_668 : vector<16xi32>
        %gather3A_670 = arith.constant 1 : i32
        %gather3A_671 = arith.constant 0 : i32
        %gather3A_672 = arith.constant 0 : i32
        %gather3A_673 = tpu.memref_slice %arg8[%gather3A_670, %gather3A_671, %gather3A_672] : memref<2x256x128xf32, #tpu.memory_space<vmem>> -> memref<1x256x128xf32, #tpu.memory_space<vmem>>
        %gather3A_674 = tpu.memref_squeeze %gather3A_673 : memref<1x256x128xf32, #tpu.memory_space<vmem>> -> memref<256x128xf32, #tpu.memory_space<vmem>>
        %gather3A_675 = tpu.vector_load_idx %gather3A_674[%add3A_240, %add3A_669] : memref<256x128xf32, #tpu.memory_space<vmem>>[vector<16xi32>, vector<16xi32>], vector<16xf32>,
        %add3A_676 = arith.constant 29 : i32
        %add3A_677 = vector.broadcast %add3A_676 : i32 to vector<16xi32>
        %add3A_678 = arith.addi %shift_left3A_236, %add3A_677 : vector<16xi32>
        %gather3A_679 = arith.constant 1 : i32
        %gather3A_680 = arith.constant 0 : i32
        %gather3A_681 = arith.constant 0 : i32
        %gather3A_682 = tpu.memref_slice %arg8[%gather3A_679, %gather3A_680, %gather3A_681] : memref<2x256x128xf32, #tpu.memory_space<vmem>> -> memref<1x256x128xf32, #tpu.memory_space<vmem>>
        %gather3A_683 = tpu.memref_squeeze %gather3A_682 : memref<1x256x128xf32, #tpu.memory_space<vmem>> -> memref<256x128xf32, #tpu.memory_space<vmem>>
        %gather3A_684 = tpu.vector_load_idx %gather3A_683[%add3A_240, %add3A_678] : memref<256x128xf32, #tpu.memory_space<vmem>>[vector<16xi32>, vector<16xi32>], vector<16xf32>,
        %add3A_685 = arith.constant 30 : i32
        %add3A_686 = vector.broadcast %add3A_685 : i32 to vector<16xi32>
        %add3A_687 = arith.addi %shift_left3A_236, %add3A_686 : vector<16xi32>
        %gather3A_688 = arith.constant 1 : i32
        %gather3A_689 = arith.constant 0 : i32
        %gather3A_690 = arith.constant 0 : i32
        %gather3A_691 = tpu.memref_slice %arg8[%gather3A_688, %gather3A_689, %gather3A_690] : memref<2x256x128xf32, #tpu.memory_space<vmem>> -> memref<1x256x128xf32, #tpu.memory_space<vmem>>
        %gather3A_692 = tpu.memref_squeeze %gather3A_691 : memref<1x256x128xf32, #tpu.memory_space<vmem>> -> memref<256x128xf32, #tpu.memory_space<vmem>>
        %gather3A_693 = tpu.vector_load_idx %gather3A_692[%add3A_240, %add3A_687] : memref<256x128xf32, #tpu.memory_space<vmem>>[vector<16xi32>, vector<16xi32>], vector<16xf32>,
        %add3A_694 = arith.constant 31 : i32
        %add3A_695 = vector.broadcast %add3A_694 : i32 to vector<16xi32>
        %add3A_696 = arith.addi %shift_left3A_236, %add3A_695 : vector<16xi32>
        %gather3A_697 = arith.constant 1 : i32
        %gather3A_698 = arith.constant 0 : i32
        %gather3A_699 = arith.constant 0 : i32
        %gather3A_700 = tpu.memref_slice %arg8[%gather3A_697, %gather3A_698, %gather3A_699] : memref<2x256x128xf32, #tpu.memory_space<vmem>> -> memref<1x256x128xf32, #tpu.memory_space<vmem>>
        %gather3A_701 = tpu.memref_squeeze %gather3A_700 : memref<1x256x128xf32, #tpu.memory_space<vmem>> -> memref<256x128xf32, #tpu.memory_space<vmem>>
        %gather3A_702 = tpu.vector_load_idx %gather3A_701[%add3A_240, %add3A_696] : memref<256x128xf32, #tpu.memory_space<vmem>>[vector<16xi32>, vector<16xi32>], vector<16xf32>,
        %mul3A_703 = arith.constant 1.250000e-01 : f32
        %mul3A_704 = vector.broadcast %mul3A_703 : f32 to vector<16xf32>
        %mul3A_705 = arith.mulf %gather3A_567, %mul3A_704 : vector<16xf32>
        %mul3A_706 = arith.constant 16 : i32
        %mul3A_707 = arith.muli %add3A_225, %mul3A_706 : i32
        %swap3A_708 = arith.constant 1 : i32
        %swap3A_709 = arith.constant 16 : i32
        %swap3A_710 = arith.index_cast %swap3A_708 : i32 to index
        %swap3A_711 = arith.index_cast %swap3A_709 : i32 to index
        %swap3A_712 = arith.index_cast %mul3A_707 : i32 to index
        %swap3A_713 = tpu.vector_load %arg9[%swap3A_710, %swap3A_711, %swap3A_712] {strides = array<i32>} : memref<2x64x256xf32, #tpu.memory_space<vmem>>, vector<16xf32>,
        tpu.vector_store %arg9[%swap3A_710, %swap3A_711, %swap3A_712], %mul3A_705 {strides = array<i32>} : memref<2x64x256xf32, #tpu.memory_space<vmem>>, vector<16xf32>,
        %mul3A_714 = arith.constant 1.250000e-01 : f32
        %mul3A_715 = vector.broadcast %mul3A_714 : f32 to vector<16xf32>
        %mul3A_716 = arith.mulf %gather3A_576, %mul3A_715 : vector<16xf32>
        %mul3A_717 = arith.constant 16 : i32
        %mul3A_718 = arith.muli %add3A_225, %mul3A_717 : i32
        %swap3A_719 = arith.constant 1 : i32
        %swap3A_720 = arith.constant 17 : i32
        %swap3A_721 = arith.index_cast %swap3A_719 : i32 to index
        %swap3A_722 = arith.index_cast %swap3A_720 : i32 to index
        %swap3A_723 = arith.index_cast %mul3A_718 : i32 to index
        %swap3A_724 = tpu.vector_load %arg9[%swap3A_721, %swap3A_722, %swap3A_723] {strides = array<i32>} : memref<2x64x256xf32, #tpu.memory_space<vmem>>, vector<16xf32>,
        tpu.vector_store %arg9[%swap3A_721, %swap3A_722, %swap3A_723], %mul3A_716 {strides = array<i32>} : memref<2x64x256xf32, #tpu.memory_space<vmem>>, vector<16xf32>,
        %mul3A_725 = arith.constant 1.250000e-01 : f32
        %mul3A_726 = vector.broadcast %mul3A_725 : f32 to vector<16xf32>
        %mul3A_727 = arith.mulf %gather3A_585, %mul3A_726 : vector<16xf32>
        %mul3A_728 = arith.constant 16 : i32
        %mul3A_729 = arith.muli %add3A_225, %mul3A_728 : i32
        %swap3A_730 = arith.constant 1 : i32
        %swap3A_731 = arith.constant 18 : i32
        %swap3A_732 = arith.index_cast %swap3A_730 : i32 to index
        %swap3A_733 = arith.index_cast %swap3A_731 : i32 to index
        %swap3A_734 = arith.index_cast %mul3A_729 : i32 to index
        %swap3A_735 = tpu.vector_load %arg9[%swap3A_732, %swap3A_733, %swap3A_734] {strides = array<i32>} : memref<2x64x256xf32, #tpu.memory_space<vmem>>, vector<16xf32>,
        tpu.vector_store %arg9[%swap3A_732, %swap3A_733, %swap3A_734], %mul3A_727 {strides = array<i32>} : memref<2x64x256xf32, #tpu.memory_space<vmem>>, vector<16xf32>,
        %mul3A_736 = arith.constant 1.250000e-01 : f32
        %mul3A_737 = vector.broadcast %mul3A_736 : f32 to vector<16xf32>
        %mul3A_738 = arith.mulf %gather3A_594, %mul3A_737 : vector<16xf32>
        %mul3A_739 = arith.constant 16 : i32
        %mul3A_740 = arith.muli %add3A_225, %mul3A_739 : i32
        %swap3A_741 = arith.constant 1 : i32
        %swap3A_742 = arith.constant 19 : i32
        %swap3A_743 = arith.index_cast %swap3A_741 : i32 to index
        %swap3A_744 = arith.index_cast %swap3A_742 : i32 to index
        %swap3A_745 = arith.index_cast %mul3A_740 : i32 to index
        %swap3A_746 = tpu.vector_load %arg9[%swap3A_743, %swap3A_744, %swap3A_745] {strides = array<i32>} : memref<2x64x256xf32, #tpu.memory_space<vmem>>, vector<16xf32>,
        tpu.vector_store %arg9[%swap3A_743, %swap3A_744, %swap3A_745], %mul3A_738 {strides = array<i32>} : memref<2x64x256xf32, #tpu.memory_space<vmem>>, vector<16xf32>,
        %mul3A_747 = arith.constant 1.250000e-01 : f32
        %mul3A_748 = vector.broadcast %mul3A_747 : f32 to vector<16xf32>
        %mul3A_749 = arith.mulf %gather3A_603, %mul3A_748 : vector<16xf32>
        %mul3A_750 = arith.constant 16 : i32
        %mul3A_751 = arith.muli %add3A_225, %mul3A_750 : i32
        %swap3A_752 = arith.constant 1 : i32
        %swap3A_753 = arith.constant 20 : i32
        %swap3A_754 = arith.index_cast %swap3A_752 : i32 to index
        %swap3A_755 = arith.index_cast %swap3A_753 : i32 to index
        %swap3A_756 = arith.index_cast %mul3A_751 : i32 to index
        %swap3A_757 = tpu.vector_load %arg9[%swap3A_754, %swap3A_755, %swap3A_756] {strides = array<i32>} : memref<2x64x256xf32, #tpu.memory_space<vmem>>, vector<16xf32>,
        tpu.vector_store %arg9[%swap3A_754, %swap3A_755, %swap3A_756], %mul3A_749 {strides = array<i32>} : memref<2x64x256xf32, #tpu.memory_space<vmem>>, vector<16xf32>,
        %mul3A_758 = arith.constant 1.250000e-01 : f32
        %mul3A_759 = vector.broadcast %mul3A_758 : f32 to vector<16xf32>
        %mul3A_760 = arith.mulf %gather3A_612, %mul3A_759 : vector<16xf32>
        %mul3A_761 = arith.constant 16 : i32
        %mul3A_762 = arith.muli %add3A_225, %mul3A_761 : i32
        %swap3A_763 = arith.constant 1 : i32
        %swap3A_764 = arith.constant 21 : i32
        %swap3A_765 = arith.index_cast %swap3A_763 : i32 to index
        %swap3A_766 = arith.index_cast %swap3A_764 : i32 to index
        %swap3A_767 = arith.index_cast %mul3A_762 : i32 to index
        %swap3A_768 = tpu.vector_load %arg9[%swap3A_765, %swap3A_766, %swap3A_767] {strides = array<i32>} : memref<2x64x256xf32, #tpu.memory_space<vmem>>, vector<16xf32>,
        tpu.vector_store %arg9[%swap3A_765, %swap3A_766, %swap3A_767], %mul3A_760 {strides = array<i32>} : memref<2x64x256xf32, #tpu.memory_space<vmem>>, vector<16xf32>,
        %mul3A_769 = arith.constant 1.250000e-01 : f32
        %mul3A_770 = vector.broadcast %mul3A_769 : f32 to vector<16xf32>
        %mul3A_771 = arith.mulf %gather3A_621, %mul3A_770 : vector<16xf32>
        %mul3A_772 = arith.constant 16 : i32
        %mul3A_773 = arith.muli %add3A_225, %mul3A_772 : i32
        %swap3A_774 = arith.constant 1 : i32
        %swap3A_775 = arith.constant 22 : i32
        %swap3A_776 = arith.index_cast %swap3A_774 : i32 to index
        %swap3A_777 = arith.index_cast %swap3A_775 : i32 to index
        %swap3A_778 = arith.index_cast %mul3A_773 : i32 to index
        %swap3A_779 = tpu.vector_load %arg9[%swap3A_776, %swap3A_777, %swap3A_778] {strides = array<i32>} : memref<2x64x256xf32, #tpu.memory_space<vmem>>, vector<16xf32>,
        tpu.vector_store %arg9[%swap3A_776, %swap3A_777, %swap3A_778], %mul3A_771 {strides = array<i32>} : memref<2x64x256xf32, #tpu.memory_space<vmem>>, vector<16xf32>,
        %mul3A_780 = arith.constant 1.250000e-01 : f32
        %mul3A_781 = vector.broadcast %mul3A_780 : f32 to vector<16xf32>
        %mul3A_782 = arith.mulf %gather3A_630, %mul3A_781 : vector<16xf32>
        %mul3A_783 = arith.constant 16 : i32
        %mul3A_784 = arith.muli %add3A_225, %mul3A_783 : i32
        %swap3A_785 = arith.constant 1 : i32
        %swap3A_786 = arith.constant 23 : i32
        %swap3A_787 = arith.index_cast %swap3A_785 : i32 to index
        %swap3A_788 = arith.index_cast %swap3A_786 : i32 to index
        %swap3A_789 = arith.index_cast %mul3A_784 : i32 to index
        %swap3A_790 = tpu.vector_load %arg9[%swap3A_787, %swap3A_788, %swap3A_789] {strides = array<i32>} : memref<2x64x256xf32, #tpu.memory_space<vmem>>, vector<16xf32>,
        tpu.vector_store %arg9[%swap3A_787, %swap3A_788, %swap3A_789], %mul3A_782 {strides = array<i32>} : memref<2x64x256xf32, #tpu.memory_space<vmem>>, vector<16xf32>,
        %mul3A_791 = arith.constant 1.250000e-01 : f32
        %mul3A_792 = vector.broadcast %mul3A_791 : f32 to vector<16xf32>
        %mul3A_793 = arith.mulf %gather3A_639, %mul3A_792 : vector<16xf32>
        %mul3A_794 = arith.constant 16 : i32
        %mul3A_795 = arith.muli %add3A_225, %mul3A_794 : i32
        %swap3A_796 = arith.constant 1 : i32
        %swap3A_797 = arith.constant 24 : i32
        %swap3A_798 = arith.index_cast %swap3A_796 : i32 to index
        %swap3A_799 = arith.index_cast %swap3A_797 : i32 to index
        %swap3A_800 = arith.index_cast %mul3A_795 : i32 to index
        %swap3A_801 = tpu.vector_load %arg9[%swap3A_798, %swap3A_799, %swap3A_800] {strides = array<i32>} : memref<2x64x256xf32, #tpu.memory_space<vmem>>, vector<16xf32>,
        tpu.vector_store %arg9[%swap3A_798, %swap3A_799, %swap3A_800], %mul3A_793 {strides = array<i32>} : memref<2x64x256xf32, #tpu.memory_space<vmem>>, vector<16xf32>,
        %mul3A_802 = arith.constant 1.250000e-01 : f32
        %mul3A_803 = vector.broadcast %mul3A_802 : f32 to vector<16xf32>
        %mul3A_804 = arith.mulf %gather3A_648, %mul3A_803 : vector<16xf32>
        %mul3A_805 = arith.constant 16 : i32
        %mul3A_806 = arith.muli %add3A_225, %mul3A_805 : i32
        %swap3A_807 = arith.constant 1 : i32
        %swap3A_808 = arith.constant 25 : i32
        %swap3A_809 = arith.index_cast %swap3A_807 : i32 to index
        %swap3A_810 = arith.index_cast %swap3A_808 : i32 to index
        %swap3A_811 = arith.index_cast %mul3A_806 : i32 to index
        %swap3A_812 = tpu.vector_load %arg9[%swap3A_809, %swap3A_810, %swap3A_811] {strides = array<i32>} : memref<2x64x256xf32, #tpu.memory_space<vmem>>, vector<16xf32>,
        tpu.vector_store %arg9[%swap3A_809, %swap3A_810, %swap3A_811], %mul3A_804 {strides = array<i32>} : memref<2x64x256xf32, #tpu.memory_space<vmem>>, vector<16xf32>,
        %mul3A_813 = arith.constant 1.250000e-01 : f32
        %mul3A_814 = vector.broadcast %mul3A_813 : f32 to vector<16xf32>
        %mul3A_815 = arith.mulf %gather3A_657, %mul3A_814 : vector<16xf32>
        %mul3A_816 = arith.constant 16 : i32
        %mul3A_817 = arith.muli %add3A_225, %mul3A_816 : i32
        %swap3A_818 = arith.constant 1 : i32
        %swap3A_819 = arith.constant 26 : i32
        %swap3A_820 = arith.index_cast %swap3A_818 : i32 to index
        %swap3A_821 = arith.index_cast %swap3A_819 : i32 to index
        %swap3A_822 = arith.index_cast %mul3A_817 : i32 to index
        %swap3A_823 = tpu.vector_load %arg9[%swap3A_820, %swap3A_821, %swap3A_822] {strides = array<i32>} : memref<2x64x256xf32, #tpu.memory_space<vmem>>, vector<16xf32>,
        tpu.vector_store %arg9[%swap3A_820, %swap3A_821, %swap3A_822], %mul3A_815 {strides = array<i32>} : memref<2x64x256xf32, #tpu.memory_space<vmem>>, vector<16xf32>,
        %mul3A_824 = arith.constant 1.250000e-01 : f32
        %mul3A_825 = vector.broadcast %mul3A_824 : f32 to vector<16xf32>
        %mul3A_826 = arith.mulf %gather3A_666, %mul3A_825 : vector<16xf32>
        %mul3A_827 = arith.constant 16 : i32
        %mul3A_828 = arith.muli %add3A_225, %mul3A_827 : i32
        %swap3A_829 = arith.constant 1 : i32
        %swap3A_830 = arith.constant 27 : i32
        %swap3A_831 = arith.index_cast %swap3A_829 : i32 to index
        %swap3A_832 = arith.index_cast %swap3A_830 : i32 to index
        %swap3A_833 = arith.index_cast %mul3A_828 : i32 to index
        %swap3A_834 = tpu.vector_load %arg9[%swap3A_831, %swap3A_832, %swap3A_833] {strides = array<i32>} : memref<2x64x256xf32, #tpu.memory_space<vmem>>, vector<16xf32>,
        tpu.vector_store %arg9[%swap3A_831, %swap3A_832, %swap3A_833], %mul3A_826 {strides = array<i32>} : memref<2x64x256xf32, #tpu.memory_space<vmem>>, vector<16xf32>,
        %mul3A_835 = arith.constant 1.250000e-01 : f32
        %mul3A_836 = vector.broadcast %mul3A_835 : f32 to vector<16xf32>
        %mul3A_837 = arith.mulf %gather3A_675, %mul3A_836 : vector<16xf32>
        %mul3A_838 = arith.constant 16 : i32
        %mul3A_839 = arith.muli %add3A_225, %mul3A_838 : i32
        %swap3A_840 = arith.constant 1 : i32
        %swap3A_841 = arith.constant 28 : i32
        %swap3A_842 = arith.index_cast %swap3A_840 : i32 to index
        %swap3A_843 = arith.index_cast %swap3A_841 : i32 to index
        %swap3A_844 = arith.index_cast %mul3A_839 : i32 to index
        %swap3A_845 = tpu.vector_load %arg9[%swap3A_842, %swap3A_843, %swap3A_844] {strides = array<i32>} : memref<2x64x256xf32, #tpu.memory_space<vmem>>, vector<16xf32>,
        tpu.vector_store %arg9[%swap3A_842, %swap3A_843, %swap3A_844], %mul3A_837 {strides = array<i32>} : memref<2x64x256xf32, #tpu.memory_space<vmem>>, vector<16xf32>,
        %mul3A_846 = arith.constant 1.250000e-01 : f32
        %mul3A_847 = vector.broadcast %mul3A_846 : f32 to vector<16xf32>
        %mul3A_848 = arith.mulf %gather3A_684, %mul3A_847 : vector<16xf32>
        %mul3A_849 = arith.constant 16 : i32
        %mul3A_850 = arith.muli %add3A_225, %mul3A_849 : i32
        %swap3A_851 = arith.constant 1 : i32
        %swap3A_852 = arith.constant 29 : i32
        %swap3A_853 = arith.index_cast %swap3A_851 : i32 to index
        %swap3A_854 = arith.index_cast %swap3A_852 : i32 to index
        %swap3A_855 = arith.index_cast %mul3A_850 : i32 to index
        %swap3A_856 = tpu.vector_load %arg9[%swap3A_853, %swap3A_854, %swap3A_855] {strides = array<i32>} : memref<2x64x256xf32, #tpu.memory_space<vmem>>, vector<16xf32>,
        tpu.vector_store %arg9[%swap3A_853, %swap3A_854, %swap3A_855], %mul3A_848 {strides = array<i32>} : memref<2x64x256xf32, #tpu.memory_space<vmem>>, vector<16xf32>,
        %mul3A_857 = arith.constant 1.250000e-01 : f32
        %mul3A_858 = vector.broadcast %mul3A_857 : f32 to vector<16xf32>
        %mul3A_859 = arith.mulf %gather3A_693, %mul3A_858 : vector<16xf32>
        %mul3A_860 = arith.constant 16 : i32
        %mul3A_861 = arith.muli %add3A_225, %mul3A_860 : i32
        %swap3A_862 = arith.constant 1 : i32
        %swap3A_863 = arith.constant 30 : i32
        %swap3A_864 = arith.index_cast %swap3A_862 : i32 to index
        %swap3A_865 = arith.index_cast %swap3A_863 : i32 to index
        %swap3A_866 = arith.index_cast %mul3A_861 : i32 to index
        %swap3A_867 = tpu.vector_load %arg9[%swap3A_864, %swap3A_865, %swap3A_866] {strides = array<i32>} : memref<2x64x256xf32, #tpu.memory_space<vmem>>, vector<16xf32>,
        tpu.vector_store %arg9[%swap3A_864, %swap3A_865, %swap3A_866], %mul3A_859 {strides = array<i32>} : memref<2x64x256xf32, #tpu.memory_space<vmem>>, vector<16xf32>,
        %mul3A_868 = arith.constant 1.250000e-01 : f32
        %mul3A_869 = vector.broadcast %mul3A_868 : f32 to vector<16xf32>
        %mul3A_870 = arith.mulf %gather3A_702, %mul3A_869 : vector<16xf32>
        %mul3A_871 = arith.constant 16 : i32
        %mul3A_872 = arith.muli %add3A_225, %mul3A_871 : i32
        %swap3A_873 = arith.constant 1 : i32
        %swap3A_874 = arith.constant 31 : i32
        %swap3A_875 = arith.index_cast %swap3A_873 : i32 to index
        %swap3A_876 = arith.index_cast %swap3A_874 : i32 to index
        %swap3A_877 = arith.index_cast %mul3A_872 : i32 to index
        %swap3A_878 = tpu.vector_load %arg9[%swap3A_875, %swap3A_876, %swap3A_877] {strides = array<i32>} : memref<2x64x256xf32, #tpu.memory_space<vmem>>, vector<16xf32>,
        tpu.vector_store %arg9[%swap3A_875, %swap3A_876, %swap3A_877], %mul3A_870 {strides = array<i32>} : memref<2x64x256xf32, #tpu.memory_space<vmem>>, vector<16xf32>,
        %add3A_879 = arith.constant 32 : i32
        %add3A_880 = vector.broadcast %add3A_879 : i32 to vector<16xi32>
        %add3A_881 = arith.addi %shift_left3A_236, %add3A_880 : vector<16xi32>
        %gather3A_882 = arith.constant 1 : i32
        %gather3A_883 = arith.constant 0 : i32
        %gather3A_884 = arith.constant 0 : i32
        %gather3A_885 = tpu.memref_slice %arg8[%gather3A_882, %gather3A_883, %gather3A_884] : memref<2x256x128xf32, #tpu.memory_space<vmem>> -> memref<1x256x128xf32, #tpu.memory_space<vmem>>
        %gather3A_886 = tpu.memref_squeeze %gather3A_885 : memref<1x256x128xf32, #tpu.memory_space<vmem>> -> memref<256x128xf32, #tpu.memory_space<vmem>>
        %gather3A_887 = tpu.vector_load_idx %gather3A_886[%add3A_240, %add3A_881] : memref<256x128xf32, #tpu.memory_space<vmem>>[vector<16xi32>, vector<16xi32>], vector<16xf32>,
        %add3A_888 = arith.constant 33 : i32
        %add3A_889 = vector.broadcast %add3A_888 : i32 to vector<16xi32>
        %add3A_890 = arith.addi %shift_left3A_236, %add3A_889 : vector<16xi32>
        %gather3A_891 = arith.constant 1 : i32
        %gather3A_892 = arith.constant 0 : i32
        %gather3A_893 = arith.constant 0 : i32
        %gather3A_894 = tpu.memref_slice %arg8[%gather3A_891, %gather3A_892, %gather3A_893] : memref<2x256x128xf32, #tpu.memory_space<vmem>> -> memref<1x256x128xf32, #tpu.memory_space<vmem>>
        %gather3A_895 = tpu.memref_squeeze %gather3A_894 : memref<1x256x128xf32, #tpu.memory_space<vmem>> -> memref<256x128xf32, #tpu.memory_space<vmem>>
        %gather3A_896 = tpu.vector_load_idx %gather3A_895[%add3A_240, %add3A_890] : memref<256x128xf32, #tpu.memory_space<vmem>>[vector<16xi32>, vector<16xi32>], vector<16xf32>,
        %add3A_897 = arith.constant 34 : i32
        %add3A_898 = vector.broadcast %add3A_897 : i32 to vector<16xi32>
        %add3A_899 = arith.addi %shift_left3A_236, %add3A_898 : vector<16xi32>
        %gather3A_900 = arith.constant 1 : i32
        %gather3A_901 = arith.constant 0 : i32
        %gather3A_902 = arith.constant 0 : i32
        %gather3A_903 = tpu.memref_slice %arg8[%gather3A_900, %gather3A_901, %gather3A_902] : memref<2x256x128xf32, #tpu.memory_space<vmem>> -> memref<1x256x128xf32, #tpu.memory_space<vmem>>
        %gather3A_904 = tpu.memref_squeeze %gather3A_903 : memref<1x256x128xf32, #tpu.memory_space<vmem>> -> memref<256x128xf32, #tpu.memory_space<vmem>>
        %gather3A_905 = tpu.vector_load_idx %gather3A_904[%add3A_240, %add3A_899] : memref<256x128xf32, #tpu.memory_space<vmem>>[vector<16xi32>, vector<16xi32>], vector<16xf32>,
        %add3A_906 = arith.constant 35 : i32
        %add3A_907 = vector.broadcast %add3A_906 : i32 to vector<16xi32>
        %add3A_908 = arith.addi %shift_left3A_236, %add3A_907 : vector<16xi32>
        %gather3A_909 = arith.constant 1 : i32
        %gather3A_910 = arith.constant 0 : i32
        %gather3A_911 = arith.constant 0 : i32
        %gather3A_912 = tpu.memref_slice %arg8[%gather3A_909, %gather3A_910, %gather3A_911] : memref<2x256x128xf32, #tpu.memory_space<vmem>> -> memref<1x256x128xf32, #tpu.memory_space<vmem>>
        %gather3A_913 = tpu.memref_squeeze %gather3A_912 : memref<1x256x128xf32, #tpu.memory_space<vmem>> -> memref<256x128xf32, #tpu.memory_space<vmem>>
        %gather3A_914 = tpu.vector_load_idx %gather3A_913[%add3A_240, %add3A_908] : memref<256x128xf32, #tpu.memory_space<vmem>>[vector<16xi32>, vector<16xi32>], vector<16xf32>,
        %add3A_915 = arith.constant 36 : i32
        %add3A_916 = vector.broadcast %add3A_915 : i32 to vector<16xi32>
        %add3A_917 = arith.addi %shift_left3A_236, %add3A_916 : vector<16xi32>
        %gather3A_918 = arith.constant 1 : i32
        %gather3A_919 = arith.constant 0 : i32
        %gather3A_920 = arith.constant 0 : i32
        %gather3A_921 = tpu.memref_slice %arg8[%gather3A_918, %gather3A_919, %gather3A_920] : memref<2x256x128xf32, #tpu.memory_space<vmem>> -> memref<1x256x128xf32, #tpu.memory_space<vmem>>
        %gather3A_922 = tpu.memref_squeeze %gather3A_921 : memref<1x256x128xf32, #tpu.memory_space<vmem>> -> memref<256x128xf32, #tpu.memory_space<vmem>>
        %gather3A_923 = tpu.vector_load_idx %gather3A_922[%add3A_240, %add3A_917] : memref<256x128xf32, #tpu.memory_space<vmem>>[vector<16xi32>, vector<16xi32>], vector<16xf32>,
        %add3A_924 = arith.constant 37 : i32
        %add3A_925 = vector.broadcast %add3A_924 : i32 to vector<16xi32>
        %add3A_926 = arith.addi %shift_left3A_236, %add3A_925 : vector<16xi32>
        %gather3A_927 = arith.constant 1 : i32
        %gather3A_928 = arith.constant 0 : i32
        %gather3A_929 = arith.constant 0 : i32
        %gather3A_930 = tpu.memref_slice %arg8[%gather3A_927, %gather3A_928, %gather3A_929] : memref<2x256x128xf32, #tpu.memory_space<vmem>> -> memref<1x256x128xf32, #tpu.memory_space<vmem>>
        %gather3A_931 = tpu.memref_squeeze %gather3A_930 : memref<1x256x128xf32, #tpu.memory_space<vmem>> -> memref<256x128xf32, #tpu.memory_space<vmem>>
        %gather3A_932 = tpu.vector_load_idx %gather3A_931[%add3A_240, %add3A_926] : memref<256x128xf32, #tpu.memory_space<vmem>>[vector<16xi32>, vector<16xi32>], vector<16xf32>,
        %add3A_933 = arith.constant 38 : i32
        %add3A_934 = vector.broadcast %add3A_933 : i32 to vector<16xi32>
        %add3A_935 = arith.addi %shift_left3A_236, %add3A_934 : vector<16xi32>
        %gather3A_936 = arith.constant 1 : i32
        %gather3A_937 = arith.constant 0 : i32
        %gather3A_938 = arith.constant 0 : i32
        %gather3A_939 = tpu.memref_slice %arg8[%gather3A_936, %gather3A_937, %gather3A_938] : memref<2x256x128xf32, #tpu.memory_space<vmem>> -> memref<1x256x128xf32, #tpu.memory_space<vmem>>
        %gather3A_940 = tpu.memref_squeeze %gather3A_939 : memref<1x256x128xf32, #tpu.memory_space<vmem>> -> memref<256x128xf32, #tpu.memory_space<vmem>>
        %gather3A_941 = tpu.vector_load_idx %gather3A_940[%add3A_240, %add3A_935] : memref<256x128xf32, #tpu.memory_space<vmem>>[vector<16xi32>, vector<16xi32>], vector<16xf32>,
        %add3A_942 = arith.constant 39 : i32
        %add3A_943 = vector.broadcast %add3A_942 : i32 to vector<16xi32>
        %add3A_944 = arith.addi %shift_left3A_236, %add3A_943 : vector<16xi32>
        %gather3A_945 = arith.constant 1 : i32
        %gather3A_946 = arith.constant 0 : i32
        %gather3A_947 = arith.constant 0 : i32
        %gather3A_948 = tpu.memref_slice %arg8[%gather3A_945, %gather3A_946, %gather3A_947] : memref<2x256x128xf32, #tpu.memory_space<vmem>> -> memref<1x256x128xf32, #tpu.memory_space<vmem>>
        %gather3A_949 = tpu.memref_squeeze %gather3A_948 : memref<1x256x128xf32, #tpu.memory_space<vmem>> -> memref<256x128xf32, #tpu.memory_space<vmem>>
        %gather3A_950 = tpu.vector_load_idx %gather3A_949[%add3A_240, %add3A_944] : memref<256x128xf32, #tpu.memory_space<vmem>>[vector<16xi32>, vector<16xi32>], vector<16xf32>,
        %add3A_951 = arith.constant 40 : i32
        %add3A_952 = vector.broadcast %add3A_951 : i32 to vector<16xi32>
        %add3A_953 = arith.addi %shift_left3A_236, %add3A_952 : vector<16xi32>
        %gather3A_954 = arith.constant 1 : i32
        %gather3A_955 = arith.constant 0 : i32
        %gather3A_956 = arith.constant 0 : i32
        %gather3A_957 = tpu.memref_slice %arg8[%gather3A_954, %gather3A_955, %gather3A_956] : memref<2x256x128xf32, #tpu.memory_space<vmem>> -> memref<1x256x128xf32, #tpu.memory_space<vmem>>
        %gather3A_958 = tpu.memref_squeeze %gather3A_957 : memref<1x256x128xf32, #tpu.memory_space<vmem>> -> memref<256x128xf32, #tpu.memory_space<vmem>>
        %gather3A_959 = tpu.vector_load_idx %gather3A_958[%add3A_240, %add3A_953] : memref<256x128xf32, #tpu.memory_space<vmem>>[vector<16xi32>, vector<16xi32>], vector<16xf32>,
        %add3A_960 = arith.constant 41 : i32
        %add3A_961 = vector.broadcast %add3A_960 : i32 to vector<16xi32>
        %add3A_962 = arith.addi %shift_left3A_236, %add3A_961 : vector<16xi32>
        %gather3A_963 = arith.constant 1 : i32
        %gather3A_964 = arith.constant 0 : i32
        %gather3A_965 = arith.constant 0 : i32
        %gather3A_966 = tpu.memref_slice %arg8[%gather3A_963, %gather3A_964, %gather3A_965] : memref<2x256x128xf32, #tpu.memory_space<vmem>> -> memref<1x256x128xf32, #tpu.memory_space<vmem>>
        %gather3A_967 = tpu.memref_squeeze %gather3A_966 : memref<1x256x128xf32, #tpu.memory_space<vmem>> -> memref<256x128xf32, #tpu.memory_space<vmem>>
        %gather3A_968 = tpu.vector_load_idx %gather3A_967[%add3A_240, %add3A_962] : memref<256x128xf32, #tpu.memory_space<vmem>>[vector<16xi32>, vector<16xi32>], vector<16xf32>,
        %add3A_969 = arith.constant 42 : i32
        %add3A_970 = vector.broadcast %add3A_969 : i32 to vector<16xi32>
        %add3A_971 = arith.addi %shift_left3A_236, %add3A_970 : vector<16xi32>
        %gather3A_972 = arith.constant 1 : i32
        %gather3A_973 = arith.constant 0 : i32
        %gather3A_974 = arith.constant 0 : i32
        %gather3A_975 = tpu.memref_slice %arg8[%gather3A_972, %gather3A_973, %gather3A_974] : memref<2x256x128xf32, #tpu.memory_space<vmem>> -> memref<1x256x128xf32, #tpu.memory_space<vmem>>
        %gather3A_976 = tpu.memref_squeeze %gather3A_975 : memref<1x256x128xf32, #tpu.memory_space<vmem>> -> memref<256x128xf32, #tpu.memory_space<vmem>>
        %gather3A_977 = tpu.vector_load_idx %gather3A_976[%add3A_240, %add3A_971] : memref<256x128xf32, #tpu.memory_space<vmem>>[vector<16xi32>, vector<16xi32>], vector<16xf32>,
        %add3A_978 = arith.constant 43 : i32
        %add3A_979 = vector.broadcast %add3A_978 : i32 to vector<16xi32>
        %add3A_980 = arith.addi %shift_left3A_236, %add3A_979 : vector<16xi32>
        %gather3A_981 = arith.constant 1 : i32
        %gather3A_982 = arith.constant 0 : i32
        %gather3A_983 = arith.constant 0 : i32
        %gather3A_984 = tpu.memref_slice %arg8[%gather3A_981, %gather3A_982, %gather3A_983] : memref<2x256x128xf32, #tpu.memory_space<vmem>> -> memref<1x256x128xf32, #tpu.memory_space<vmem>>
        %gather3A_985 = tpu.memref_squeeze %gather3A_984 : memref<1x256x128xf32, #tpu.memory_space<vmem>> -> memref<256x128xf32, #tpu.memory_space<vmem>>
        %gather3A_986 = tpu.vector_load_idx %gather3A_985[%add3A_240, %add3A_980] : memref<256x128xf32, #tpu.memory_space<vmem>>[vector<16xi32>, vector<16xi32>], vector<16xf32>,
        %add3A_987 = arith.constant 44 : i32
        %add3A_988 = vector.broadcast %add3A_987 : i32 to vector<16xi32>
        %add3A_989 = arith.addi %shift_left3A_236, %add3A_988 : vector<16xi32>
        %gather3A_990 = arith.constant 1 : i32
        %gather3A_991 = arith.constant 0 : i32
        %gather3A_992 = arith.constant 0 : i32
        %gather3A_993 = tpu.memref_slice %arg8[%gather3A_990, %gather3A_991, %gather3A_992] : memref<2x256x128xf32, #tpu.memory_space<vmem>> -> memref<1x256x128xf32, #tpu.memory_space<vmem>>
        %gather3A_994 = tpu.memref_squeeze %gather3A_993 : memref<1x256x128xf32, #tpu.memory_space<vmem>> -> memref<256x128xf32, #tpu.memory_space<vmem>>
        %gather3A_995 = tpu.vector_load_idx %gather3A_994[%add3A_240, %add3A_989] : memref<256x128xf32, #tpu.memory_space<vmem>>[vector<16xi32>, vector<16xi32>], vector<16xf32>,
        %add3A_996 = arith.constant 45 : i32
        %add3A_997 = vector.broadcast %add3A_996 : i32 to vector<16xi32>
        %add3A_998 = arith.addi %shift_left3A_236, %add3A_997 : vector<16xi32>
        %gather3A_999 = arith.constant 1 : i32
        %gather3A_1000 = arith.constant 0 : i32
        %gather3A_1001 = arith.constant 0 : i32
        %gather3A_1002 = tpu.memref_slice %arg8[%gather3A_999, %gather3A_1000, %gather3A_1001] : memref<2x256x128xf32, #tpu.memory_space<vmem>> -> memref<1x256x128xf32, #tpu.memory_space<vmem>>
        %gather3A_1003 = tpu.memref_squeeze %gather3A_1002 : memref<1x256x128xf32, #tpu.memory_space<vmem>> -> memref<256x128xf32, #tpu.memory_space<vmem>>
        %gather3A_1004 = tpu.vector_load_idx %gather3A_1003[%add3A_240, %add3A_998] : memref<256x128xf32, #tpu.memory_space<vmem>>[vector<16xi32>, vector<16xi32>], vector<16xf32>,
        %add3A_1005 = arith.constant 46 : i32
        %add3A_1006 = vector.broadcast %add3A_1005 : i32 to vector<16xi32>
        %add3A_1007 = arith.addi %shift_left3A_236, %add3A_1006 : vector<16xi32>
        %gather3A_1008 = arith.constant 1 : i32
        %gather3A_1009 = arith.constant 0 : i32
        %gather3A_1010 = arith.constant 0 : i32
        %gather3A_1011 = tpu.memref_slice %arg8[%gather3A_1008, %gather3A_1009, %gather3A_1010] : memref<2x256x128xf32, #tpu.memory_space<vmem>> -> memref<1x256x128xf32, #tpu.memory_space<vmem>>
        %gather3A_1012 = tpu.memref_squeeze %gather3A_1011 : memref<1x256x128xf32, #tpu.memory_space<vmem>> -> memref<256x128xf32, #tpu.memory_space<vmem>>
        %gather3A_1013 = tpu.vector_load_idx %gather3A_1012[%add3A_240, %add3A_1007] : memref<256x128xf32, #tpu.memory_space<vmem>>[vector<16xi32>, vector<16xi32>], vector<16xf32>,
        %add3A_1014 = arith.constant 47 : i32
        %add3A_1015 = vector.broadcast %add3A_1014 : i32 to vector<16xi32>
        %add3A_1016 = arith.addi %shift_left3A_236, %add3A_1015 : vector<16xi32>
        %gather3A_1017 = arith.constant 1 : i32
        %gather3A_1018 = arith.constant 0 : i32
        %gather3A_1019 = arith.constant 0 : i32
        %gather3A_1020 = tpu.memref_slice %arg8[%gather3A_1017, %gather3A_1018, %gather3A_1019] : memref<2x256x128xf32, #tpu.memory_space<vmem>> -> memref<1x256x128xf32, #tpu.memory_space<vmem>>
        %gather3A_1021 = tpu.memref_squeeze %gather3A_1020 : memref<1x256x128xf32, #tpu.memory_space<vmem>> -> memref<256x128xf32, #tpu.memory_space<vmem>>
        %gather3A_1022 = tpu.vector_load_idx %gather3A_1021[%add3A_240, %add3A_1016] : memref<256x128xf32, #tpu.memory_space<vmem>>[vector<16xi32>, vector<16xi32>], vector<16xf32>,
        %mul3A_1023 = arith.constant 1.250000e-01 : f32
        %mul3A_1024 = vector.broadcast %mul3A_1023 : f32 to vector<16xf32>
        %mul3A_1025 = arith.mulf %gather3A_887, %mul3A_1024 : vector<16xf32>
        %mul3A_1026 = arith.constant 16 : i32
        %mul3A_1027 = arith.muli %add3A_225, %mul3A_1026 : i32
        %swap3A_1028 = arith.constant 1 : i32
        %swap3A_1029 = arith.constant 32 : i32
        %swap3A_1030 = arith.index_cast %swap3A_1028 : i32 to index
        %swap3A_1031 = arith.index_cast %swap3A_1029 : i32 to index
        %swap3A_1032 = arith.index_cast %mul3A_1027 : i32 to index
        %swap3A_1033 = tpu.vector_load %arg9[%swap3A_1030, %swap3A_1031, %swap3A_1032] {strides = array<i32>} : memref<2x64x256xf32, #tpu.memory_space<vmem>>, vector<16xf32>,
        tpu.vector_store %arg9[%swap3A_1030, %swap3A_1031, %swap3A_1032], %mul3A_1025 {strides = array<i32>} : memref<2x64x256xf32, #tpu.memory_space<vmem>>, vector<16xf32>,
        %mul3A_1034 = arith.constant 1.250000e-01 : f32
        %mul3A_1035 = vector.broadcast %mul3A_1034 : f32 to vector<16xf32>
        %mul3A_1036 = arith.mulf %gather3A_896, %mul3A_1035 : vector<16xf32>
        %mul3A_1037 = arith.constant 16 : i32
        %mul3A_1038 = arith.muli %add3A_225, %mul3A_1037 : i32
        %swap3A_1039 = arith.constant 1 : i32
        %swap3A_1040 = arith.constant 33 : i32
        %swap3A_1041 = arith.index_cast %swap3A_1039 : i32 to index
        %swap3A_1042 = arith.index_cast %swap3A_1040 : i32 to index
        %swap3A_1043 = arith.index_cast %mul3A_1038 : i32 to index
        %swap3A_1044 = tpu.vector_load %arg9[%swap3A_1041, %swap3A_1042, %swap3A_1043] {strides = array<i32>} : memref<2x64x256xf32, #tpu.memory_space<vmem>>, vector<16xf32>,
        tpu.vector_store %arg9[%swap3A_1041, %swap3A_1042, %swap3A_1043], %mul3A_1036 {strides = array<i32>} : memref<2x64x256xf32, #tpu.memory_space<vmem>>, vector<16xf32>,
        %mul3A_1045 = arith.constant 1.250000e-01 : f32
        %mul3A_1046 = vector.broadcast %mul3A_1045 : f32 to vector<16xf32>
        %mul3A_1047 = arith.mulf %gather3A_905, %mul3A_1046 : vector<16xf32>
        %mul3A_1048 = arith.constant 16 : i32
        %mul3A_1049 = arith.muli %add3A_225, %mul3A_1048 : i32
        %swap3A_1050 = arith.constant 1 : i32
        %swap3A_1051 = arith.constant 34 : i32
        %swap3A_1052 = arith.index_cast %swap3A_1050 : i32 to index
        %swap3A_1053 = arith.index_cast %swap3A_1051 : i32 to index
        %swap3A_1054 = arith.index_cast %mul3A_1049 : i32 to index
        %swap3A_1055 = tpu.vector_load %arg9[%swap3A_1052, %swap3A_1053, %swap3A_1054] {strides = array<i32>} : memref<2x64x256xf32, #tpu.memory_space<vmem>>, vector<16xf32>,
        tpu.vector_store %arg9[%swap3A_1052, %swap3A_1053, %swap3A_1054], %mul3A_1047 {strides = array<i32>} : memref<2x64x256xf32, #tpu.memory_space<vmem>>, vector<16xf32>,
        %mul3A_1056 = arith.constant 1.250000e-01 : f32
        %mul3A_1057 = vector.broadcast %mul3A_1056 : f32 to vector<16xf32>
        %mul3A_1058 = arith.mulf %gather3A_914, %mul3A_1057 : vector<16xf32>
        %mul3A_1059 = arith.constant 16 : i32
        %mul3A_1060 = arith.muli %add3A_225, %mul3A_1059 : i32
        %swap3A_1061 = arith.constant 1 : i32
        %swap3A_1062 = arith.constant 35 : i32
        %swap3A_1063 = arith.index_cast %swap3A_1061 : i32 to index
        %swap3A_1064 = arith.index_cast %swap3A_1062 : i32 to index
        %swap3A_1065 = arith.index_cast %mul3A_1060 : i32 to index
        %swap3A_1066 = tpu.vector_load %arg9[%swap3A_1063, %swap3A_1064, %swap3A_1065] {strides = array<i32>} : memref<2x64x256xf32, #tpu.memory_space<vmem>>, vector<16xf32>,
        tpu.vector_store %arg9[%swap3A_1063, %swap3A_1064, %swap3A_1065], %mul3A_1058 {strides = array<i32>} : memref<2x64x256xf32, #tpu.memory_space<vmem>>, vector<16xf32>,
        %mul3A_1067 = arith.constant 1.250000e-01 : f32
        %mul3A_1068 = vector.broadcast %mul3A_1067 : f32 to vector<16xf32>
        %mul3A_1069 = arith.mulf %gather3A_923, %mul3A_1068 : vector<16xf32>
        %mul3A_1070 = arith.constant 16 : i32
        %mul3A_1071 = arith.muli %add3A_225, %mul3A_1070 : i32
        %swap3A_1072 = arith.constant 1 : i32
        %swap3A_1073 = arith.constant 36 : i32
        %swap3A_1074 = arith.index_cast %swap3A_1072 : i32 to index
        %swap3A_1075 = arith.index_cast %swap3A_1073 : i32 to index
        %swap3A_1076 = arith.index_cast %mul3A_1071 : i32 to index
        %swap3A_1077 = tpu.vector_load %arg9[%swap3A_1074, %swap3A_1075, %swap3A_1076] {strides = array<i32>} : memref<2x64x256xf32, #tpu.memory_space<vmem>>, vector<16xf32>,
        tpu.vector_store %arg9[%swap3A_1074, %swap3A_1075, %swap3A_1076], %mul3A_1069 {strides = array<i32>} : memref<2x64x256xf32, #tpu.memory_space<vmem>>, vector<16xf32>,
        %mul3A_1078 = arith.constant 1.250000e-01 : f32
        %mul3A_1079 = vector.broadcast %mul3A_1078 : f32 to vector<16xf32>
        %mul3A_1080 = arith.mulf %gather3A_932, %mul3A_1079 : vector<16xf32>
        %mul3A_1081 = arith.constant 16 : i32
        %mul3A_1082 = arith.muli %add3A_225, %mul3A_1081 : i32
        %swap3A_1083 = arith.constant 1 : i32
        %swap3A_1084 = arith.constant 37 : i32
        %swap3A_1085 = arith.index_cast %swap3A_1083 : i32 to index
        %swap3A_1086 = arith.index_cast %swap3A_1084 : i32 to index
        %swap3A_1087 = arith.index_cast %mul3A_1082 : i32 to index
        %swap3A_1088 = tpu.vector_load %arg9[%swap3A_1085, %swap3A_1086, %swap3A_1087] {strides = array<i32>} : memref<2x64x256xf32, #tpu.memory_space<vmem>>, vector<16xf32>,
        tpu.vector_store %arg9[%swap3A_1085, %swap3A_1086, %swap3A_1087], %mul3A_1080 {strides = array<i32>} : memref<2x64x256xf32, #tpu.memory_space<vmem>>, vector<16xf32>,
        %mul3A_1089 = arith.constant 1.250000e-01 : f32
        %mul3A_1090 = vector.broadcast %mul3A_1089 : f32 to vector<16xf32>
        %mul3A_1091 = arith.mulf %gather3A_941, %mul3A_1090 : vector<16xf32>
        %mul3A_1092 = arith.constant 16 : i32
        %mul3A_1093 = arith.muli %add3A_225, %mul3A_1092 : i32
        %swap3A_1094 = arith.constant 1 : i32
        %swap3A_1095 = arith.constant 38 : i32
        %swap3A_1096 = arith.index_cast %swap3A_1094 : i32 to index
        %swap3A_1097 = arith.index_cast %swap3A_1095 : i32 to index
        %swap3A_1098 = arith.index_cast %mul3A_1093 : i32 to index
        %swap3A_1099 = tpu.vector_load %arg9[%swap3A_1096, %swap3A_1097, %swap3A_1098] {strides = array<i32>} : memref<2x64x256xf32, #tpu.memory_space<vmem>>, vector<16xf32>,
        tpu.vector_store %arg9[%swap3A_1096, %swap3A_1097, %swap3A_1098], %mul3A_1091 {strides = array<i32>} : memref<2x64x256xf32, #tpu.memory_space<vmem>>, vector<16xf32>,
        %mul3A_1100 = arith.constant 1.250000e-01 : f32
        %mul3A_1101 = vector.broadcast %mul3A_1100 : f32 to vector<16xf32>
        %mul3A_1102 = arith.mulf %gather3A_950, %mul3A_1101 : vector<16xf32>
        %mul3A_1103 = arith.constant 16 : i32
        %mul3A_1104 = arith.muli %add3A_225, %mul3A_1103 : i32
        %swap3A_1105 = arith.constant 1 : i32
        %swap3A_1106 = arith.constant 39 : i32
        %swap3A_1107 = arith.index_cast %swap3A_1105 : i32 to index
        %swap3A_1108 = arith.index_cast %swap3A_1106 : i32 to index
        %swap3A_1109 = arith.index_cast %mul3A_1104 : i32 to index
        %swap3A_1110 = tpu.vector_load %arg9[%swap3A_1107, %swap3A_1108, %swap3A_1109] {strides = array<i32>} : memref<2x64x256xf32, #tpu.memory_space<vmem>>, vector<16xf32>,
        tpu.vector_store %arg9[%swap3A_1107, %swap3A_1108, %swap3A_1109], %mul3A_1102 {strides = array<i32>} : memref<2x64x256xf32, #tpu.memory_space<vmem>>, vector<16xf32>,
        %mul3A_1111 = arith.constant 1.250000e-01 : f32
        %mul3A_1112 = vector.broadcast %mul3A_1111 : f32 to vector<16xf32>
        %mul3A_1113 = arith.mulf %gather3A_959, %mul3A_1112 : vector<16xf32>
        %mul3A_1114 = arith.constant 16 : i32
        %mul3A_1115 = arith.muli %add3A_225, %mul3A_1114 : i32
        %swap3A_1116 = arith.constant 1 : i32
        %swap3A_1117 = arith.constant 40 : i32
        %swap3A_1118 = arith.index_cast %swap3A_1116 : i32 to index
        %swap3A_1119 = arith.index_cast %swap3A_1117 : i32 to index
        %swap3A_1120 = arith.index_cast %mul3A_1115 : i32 to index
        %swap3A_1121 = tpu.vector_load %arg9[%swap3A_1118, %swap3A_1119, %swap3A_1120] {strides = array<i32>} : memref<2x64x256xf32, #tpu.memory_space<vmem>>, vector<16xf32>,
        tpu.vector_store %arg9[%swap3A_1118, %swap3A_1119, %swap3A_1120], %mul3A_1113 {strides = array<i32>} : memref<2x64x256xf32, #tpu.memory_space<vmem>>, vector<16xf32>,
        %mul3A_1122 = arith.constant 1.250000e-01 : f32
        %mul3A_1123 = vector.broadcast %mul3A_1122 : f32 to vector<16xf32>
        %mul3A_1124 = arith.mulf %gather3A_968, %mul3A_1123 : vector<16xf32>
        %mul3A_1125 = arith.constant 16 : i32
        %mul3A_1126 = arith.muli %add3A_225, %mul3A_1125 : i32
        %swap3A_1127 = arith.constant 1 : i32
        %swap3A_1128 = arith.constant 41 : i32
        %swap3A_1129 = arith.index_cast %swap3A_1127 : i32 to index
        %swap3A_1130 = arith.index_cast %swap3A_1128 : i32 to index
        %swap3A_1131 = arith.index_cast %mul3A_1126 : i32 to index
        %swap3A_1132 = tpu.vector_load %arg9[%swap3A_1129, %swap3A_1130, %swap3A_1131] {strides = array<i32>} : memref<2x64x256xf32, #tpu.memory_space<vmem>>, vector<16xf32>,
        tpu.vector_store %arg9[%swap3A_1129, %swap3A_1130, %swap3A_1131], %mul3A_1124 {strides = array<i32>} : memref<2x64x256xf32, #tpu.memory_space<vmem>>, vector<16xf32>,
        %mul3A_1133 = arith.constant 1.250000e-01 : f32
        %mul3A_1134 = vector.broadcast %mul3A_1133 : f32 to vector<16xf32>
        %mul3A_1135 = arith.mulf %gather3A_977, %mul3A_1134 : vector<16xf32>
        %mul3A_1136 = arith.constant 16 : i32
        %mul3A_1137 = arith.muli %add3A_225, %mul3A_1136 : i32
        %swap3A_1138 = arith.constant 1 : i32
        %swap3A_1139 = arith.constant 42 : i32
        %swap3A_1140 = arith.index_cast %swap3A_1138 : i32 to index
        %swap3A_1141 = arith.index_cast %swap3A_1139 : i32 to index
        %swap3A_1142 = arith.index_cast %mul3A_1137 : i32 to index
        %swap3A_1143 = tpu.vector_load %arg9[%swap3A_1140, %swap3A_1141, %swap3A_1142] {strides = array<i32>} : memref<2x64x256xf32, #tpu.memory_space<vmem>>, vector<16xf32>,
        tpu.vector_store %arg9[%swap3A_1140, %swap3A_1141, %swap3A_1142], %mul3A_1135 {strides = array<i32>} : memref<2x64x256xf32, #tpu.memory_space<vmem>>, vector<16xf32>,
        %mul3A_1144 = arith.constant 1.250000e-01 : f32
        %mul3A_1145 = vector.broadcast %mul3A_1144 : f32 to vector<16xf32>
        %mul3A_1146 = arith.mulf %gather3A_986, %mul3A_1145 : vector<16xf32>
        %mul3A_1147 = arith.constant 16 : i32
        %mul3A_1148 = arith.muli %add3A_225, %mul3A_1147 : i32
        %swap3A_1149 = arith.constant 1 : i32
        %swap3A_1150 = arith.constant 43 : i32
        %swap3A_1151 = arith.index_cast %swap3A_1149 : i32 to index
        %swap3A_1152 = arith.index_cast %swap3A_1150 : i32 to index
        %swap3A_1153 = arith.index_cast %mul3A_1148 : i32 to index
        %swap3A_1154 = tpu.vector_load %arg9[%swap3A_1151, %swap3A_1152, %swap3A_1153] {strides = array<i32>} : memref<2x64x256xf32, #tpu.memory_space<vmem>>, vector<16xf32>,
        tpu.vector_store %arg9[%swap3A_1151, %swap3A_1152, %swap3A_1153], %mul3A_1146 {strides = array<i32>} : memref<2x64x256xf32, #tpu.memory_space<vmem>>, vector<16xf32>,
        %mul3A_1155 = arith.constant 1.250000e-01 : f32
        %mul3A_1156 = vector.broadcast %mul3A_1155 : f32 to vector<16xf32>
        %mul3A_1157 = arith.mulf %gather3A_995, %mul3A_1156 : vector<16xf32>
        %mul3A_1158 = arith.constant 16 : i32
        %mul3A_1159 = arith.muli %add3A_225, %mul3A_1158 : i32
        %swap3A_1160 = arith.constant 1 : i32
        %swap3A_1161 = arith.constant 44 : i32
        %swap3A_1162 = arith.index_cast %swap3A_1160 : i32 to index
        %swap3A_1163 = arith.index_cast %swap3A_1161 : i32 to index
        %swap3A_1164 = arith.index_cast %mul3A_1159 : i32 to index
        %swap3A_1165 = tpu.vector_load %arg9[%swap3A_1162, %swap3A_1163, %swap3A_1164] {strides = array<i32>} : memref<2x64x256xf32, #tpu.memory_space<vmem>>, vector<16xf32>,
        tpu.vector_store %arg9[%swap3A_1162, %swap3A_1163, %swap3A_1164], %mul3A_1157 {strides = array<i32>} : memref<2x64x256xf32, #tpu.memory_space<vmem>>, vector<16xf32>,
        %mul3A_1166 = arith.constant 1.250000e-01 : f32
        %mul3A_1167 = vector.broadcast %mul3A_1166 : f32 to vector<16xf32>
        %mul3A_1168 = arith.mulf %gather3A_1004, %mul3A_1167 : vector<16xf32>
        %mul3A_1169 = arith.constant 16 : i32
        %mul3A_1170 = arith.muli %add3A_225, %mul3A_1169 : i32
        %swap3A_1171 = arith.constant 1 : i32
        %swap3A_1172 = arith.constant 45 : i32
        %swap3A_1173 = arith.index_cast %swap3A_1171 : i32 to index
        %swap3A_1174 = arith.index_cast %swap3A_1172 : i32 to index
        %swap3A_1175 = arith.index_cast %mul3A_1170 : i32 to index
        %swap3A_1176 = tpu.vector_load %arg9[%swap3A_1173, %swap3A_1174, %swap3A_1175] {strides = array<i32>} : memref<2x64x256xf32, #tpu.memory_space<vmem>>, vector<16xf32>,
        tpu.vector_store %arg9[%swap3A_1173, %swap3A_1174, %swap3A_1175], %mul3A_1168 {strides = array<i32>} : memref<2x64x256xf32, #tpu.memory_space<vmem>>, vector<16xf32>,
        %mul3A_1177 = arith.constant 1.250000e-01 : f32
        %mul3A_1178 = vector.broadcast %mul3A_1177 : f32 to vector<16xf32>
        %mul3A_1179 = arith.mulf %gather3A_1013, %mul3A_1178 : vector<16xf32>
        %mul3A_1180 = arith.constant 16 : i32
        %mul3A_1181 = arith.muli %add3A_225, %mul3A_1180 : i32
        %swap3A_1182 = arith.constant 1 : i32
        %swap3A_1183 = arith.constant 46 : i32
        %swap3A_1184 = arith.index_cast %swap3A_1182 : i32 to index
        %swap3A_1185 = arith.index_cast %swap3A_1183 : i32 to index
        %swap3A_1186 = arith.index_cast %mul3A_1181 : i32 to index
        %swap3A_1187 = tpu.vector_load %arg9[%swap3A_1184, %swap3A_1185, %swap3A_1186] {strides = array<i32>} : memref<2x64x256xf32, #tpu.memory_space<vmem>>, vector<16xf32>,
        tpu.vector_store %arg9[%swap3A_1184, %swap3A_1185, %swap3A_1186], %mul3A_1179 {strides = array<i32>} : memref<2x64x256xf32, #tpu.memory_space<vmem>>, vector<16xf32>,
        %mul3A_1188 = arith.constant 1.250000e-01 : f32
        %mul3A_1189 = vector.broadcast %mul3A_1188 : f32 to vector<16xf32>
        %mul3A_1190 = arith.mulf %gather3A_1022, %mul3A_1189 : vector<16xf32>
        %mul3A_1191 = arith.constant 16 : i32
        %mul3A_1192 = arith.muli %add3A_225, %mul3A_1191 : i32
        %swap3A_1193 = arith.constant 1 : i32
        %swap3A_1194 = arith.constant 47 : i32
        %swap3A_1195 = arith.index_cast %swap3A_1193 : i32 to index
        %swap3A_1196 = arith.index_cast %swap3A_1194 : i32 to index
        %swap3A_1197 = arith.index_cast %mul3A_1192 : i32 to index
        %swap3A_1198 = tpu.vector_load %arg9[%swap3A_1195, %swap3A_1196, %swap3A_1197] {strides = array<i32>} : memref<2x64x256xf32, #tpu.memory_space<vmem>>, vector<16xf32>,
        tpu.vector_store %arg9[%swap3A_1195, %swap3A_1196, %swap3A_1197], %mul3A_1190 {strides = array<i32>} : memref<2x64x256xf32, #tpu.memory_space<vmem>>, vector<16xf32>,
        %add3A_1199 = arith.constant 48 : i32
        %add3A_1200 = vector.broadcast %add3A_1199 : i32 to vector<16xi32>
        %add3A_1201 = arith.addi %shift_left3A_236, %add3A_1200 : vector<16xi32>
        %gather3A_1202 = arith.constant 1 : i32
        %gather3A_1203 = arith.constant 0 : i32
        %gather3A_1204 = arith.constant 0 : i32
        %gather3A_1205 = tpu.memref_slice %arg8[%gather3A_1202, %gather3A_1203, %gather3A_1204] : memref<2x256x128xf32, #tpu.memory_space<vmem>> -> memref<1x256x128xf32, #tpu.memory_space<vmem>>
        %gather3A_1206 = tpu.memref_squeeze %gather3A_1205 : memref<1x256x128xf32, #tpu.memory_space<vmem>> -> memref<256x128xf32, #tpu.memory_space<vmem>>
        %gather3A_1207 = tpu.vector_load_idx %gather3A_1206[%add3A_240, %add3A_1201] : memref<256x128xf32, #tpu.memory_space<vmem>>[vector<16xi32>, vector<16xi32>], vector<16xf32>,
        %add3A_1208 = arith.constant 49 : i32
        %add3A_1209 = vector.broadcast %add3A_1208 : i32 to vector<16xi32>
        %add3A_1210 = arith.addi %shift_left3A_236, %add3A_1209 : vector<16xi32>
        %gather3A_1211 = arith.constant 1 : i32
        %gather3A_1212 = arith.constant 0 : i32
        %gather3A_1213 = arith.constant 0 : i32
        %gather3A_1214 = tpu.memref_slice %arg8[%gather3A_1211, %gather3A_1212, %gather3A_1213] : memref<2x256x128xf32, #tpu.memory_space<vmem>> -> memref<1x256x128xf32, #tpu.memory_space<vmem>>
        %gather3A_1215 = tpu.memref_squeeze %gather3A_1214 : memref<1x256x128xf32, #tpu.memory_space<vmem>> -> memref<256x128xf32, #tpu.memory_space<vmem>>
        %gather3A_1216 = tpu.vector_load_idx %gather3A_1215[%add3A_240, %add3A_1210] : memref<256x128xf32, #tpu.memory_space<vmem>>[vector<16xi32>, vector<16xi32>], vector<16xf32>,
        %add3A_1217 = arith.constant 50 : i32
        %add3A_1218 = vector.broadcast %add3A_1217 : i32 to vector<16xi32>
        %add3A_1219 = arith.addi %shift_left3A_236, %add3A_1218 : vector<16xi32>
        %gather3A_1220 = arith.constant 1 : i32
        %gather3A_1221 = arith.constant 0 : i32
        %gather3A_1222 = arith.constant 0 : i32
        %gather3A_1223 = tpu.memref_slice %arg8[%gather3A_1220, %gather3A_1221, %gather3A_1222] : memref<2x256x128xf32, #tpu.memory_space<vmem>> -> memref<1x256x128xf32, #tpu.memory_space<vmem>>
        %gather3A_1224 = tpu.memref_squeeze %gather3A_1223 : memref<1x256x128xf32, #tpu.memory_space<vmem>> -> memref<256x128xf32, #tpu.memory_space<vmem>>
        %gather3A_1225 = tpu.vector_load_idx %gather3A_1224[%add3A_240, %add3A_1219] : memref<256x128xf32, #tpu.memory_space<vmem>>[vector<16xi32>, vector<16xi32>], vector<16xf32>,
        %add3A_1226 = arith.constant 51 : i32
        %add3A_1227 = vector.broadcast %add3A_1226 : i32 to vector<16xi32>
        %add3A_1228 = arith.addi %shift_left3A_236, %add3A_1227 : vector<16xi32>
        %gather3A_1229 = arith.constant 1 : i32
        %gather3A_1230 = arith.constant 0 : i32
        %gather3A_1231 = arith.constant 0 : i32
        %gather3A_1232 = tpu.memref_slice %arg8[%gather3A_1229, %gather3A_1230, %gather3A_1231] : memref<2x256x128xf32, #tpu.memory_space<vmem>> -> memref<1x256x128xf32, #tpu.memory_space<vmem>>
        %gather3A_1233 = tpu.memref_squeeze %gather3A_1232 : memref<1x256x128xf32, #tpu.memory_space<vmem>> -> memref<256x128xf32, #tpu.memory_space<vmem>>
        %gather3A_1234 = tpu.vector_load_idx %gather3A_1233[%add3A_240, %add3A_1228] : memref<256x128xf32, #tpu.memory_space<vmem>>[vector<16xi32>, vector<16xi32>], vector<16xf32>,
        %add3A_1235 = arith.constant 52 : i32
        %add3A_1236 = vector.broadcast %add3A_1235 : i32 to vector<16xi32>
        %add3A_1237 = arith.addi %shift_left3A_236, %add3A_1236 : vector<16xi32>
        %gather3A_1238 = arith.constant 1 : i32
        %gather3A_1239 = arith.constant 0 : i32
        %gather3A_1240 = arith.constant 0 : i32
        %gather3A_1241 = tpu.memref_slice %arg8[%gather3A_1238, %gather3A_1239, %gather3A_1240] : memref<2x256x128xf32, #tpu.memory_space<vmem>> -> memref<1x256x128xf32, #tpu.memory_space<vmem>>
        %gather3A_1242 = tpu.memref_squeeze %gather3A_1241 : memref<1x256x128xf32, #tpu.memory_space<vmem>> -> memref<256x128xf32, #tpu.memory_space<vmem>>
        %gather3A_1243 = tpu.vector_load_idx %gather3A_1242[%add3A_240, %add3A_1237] : memref<256x128xf32, #tpu.memory_space<vmem>>[vector<16xi32>, vector<16xi32>], vector<16xf32>,
        %add3A_1244 = arith.constant 53 : i32
        %add3A_1245 = vector.broadcast %add3A_1244 : i32 to vector<16xi32>
        %add3A_1246 = arith.addi %shift_left3A_236, %add3A_1245 : vector<16xi32>
        %gather3A_1247 = arith.constant 1 : i32
        %gather3A_1248 = arith.constant 0 : i32
        %gather3A_1249 = arith.constant 0 : i32
        %gather3A_1250 = tpu.memref_slice %arg8[%gather3A_1247, %gather3A_1248, %gather3A_1249] : memref<2x256x128xf32, #tpu.memory_space<vmem>> -> memref<1x256x128xf32, #tpu.memory_space<vmem>>
        %gather3A_1251 = tpu.memref_squeeze %gather3A_1250 : memref<1x256x128xf32, #tpu.memory_space<vmem>> -> memref<256x128xf32, #tpu.memory_space<vmem>>
        %gather3A_1252 = tpu.vector_load_idx %gather3A_1251[%add3A_240, %add3A_1246] : memref<256x128xf32, #tpu.memory_space<vmem>>[vector<16xi32>, vector<16xi32>], vector<16xf32>,
        %add3A_1253 = arith.constant 54 : i32
        %add3A_1254 = vector.broadcast %add3A_1253 : i32 to vector<16xi32>
        %add3A_1255 = arith.addi %shift_left3A_236, %add3A_1254 : vector<16xi32>
        %gather3A_1256 = arith.constant 1 : i32
        %gather3A_1257 = arith.constant 0 : i32
        %gather3A_1258 = arith.constant 0 : i32
        %gather3A_1259 = tpu.memref_slice %arg8[%gather3A_1256, %gather3A_1257, %gather3A_1258] : memref<2x256x128xf32, #tpu.memory_space<vmem>> -> memref<1x256x128xf32, #tpu.memory_space<vmem>>
        %gather3A_1260 = tpu.memref_squeeze %gather3A_1259 : memref<1x256x128xf32, #tpu.memory_space<vmem>> -> memref<256x128xf32, #tpu.memory_space<vmem>>
        %gather3A_1261 = tpu.vector_load_idx %gather3A_1260[%add3A_240, %add3A_1255] : memref<256x128xf32, #tpu.memory_space<vmem>>[vector<16xi32>, vector<16xi32>], vector<16xf32>,
        %add3A_1262 = arith.constant 55 : i32
        %add3A_1263 = vector.broadcast %add3A_1262 : i32 to vector<16xi32>
        %add3A_1264 = arith.addi %shift_left3A_236, %add3A_1263 : vector<16xi32>
        %gather3A_1265 = arith.constant 1 : i32
        %gather3A_1266 = arith.constant 0 : i32
        %gather3A_1267 = arith.constant 0 : i32
        %gather3A_1268 = tpu.memref_slice %arg8[%gather3A_1265, %gather3A_1266, %gather3A_1267] : memref<2x256x128xf32, #tpu.memory_space<vmem>> -> memref<1x256x128xf32, #tpu.memory_space<vmem>>
        %gather3A_1269 = tpu.memref_squeeze %gather3A_1268 : memref<1x256x128xf32, #tpu.memory_space<vmem>> -> memref<256x128xf32, #tpu.memory_space<vmem>>
        %gather3A_1270 = tpu.vector_load_idx %gather3A_1269[%add3A_240, %add3A_1264] : memref<256x128xf32, #tpu.memory_space<vmem>>[vector<16xi32>, vector<16xi32>], vector<16xf32>,
        %add3A_1271 = arith.constant 56 : i32
        %add3A_1272 = vector.broadcast %add3A_1271 : i32 to vector<16xi32>
        %add3A_1273 = arith.addi %shift_left3A_236, %add3A_1272 : vector<16xi32>
        %gather3A_1274 = arith.constant 1 : i32
        %gather3A_1275 = arith.constant 0 : i32
        %gather3A_1276 = arith.constant 0 : i32
        %gather3A_1277 = tpu.memref_slice %arg8[%gather3A_1274, %gather3A_1275, %gather3A_1276] : memref<2x256x128xf32, #tpu.memory_space<vmem>> -> memref<1x256x128xf32, #tpu.memory_space<vmem>>
        %gather3A_1278 = tpu.memref_squeeze %gather3A_1277 : memref<1x256x128xf32, #tpu.memory_space<vmem>> -> memref<256x128xf32, #tpu.memory_space<vmem>>
        %gather3A_1279 = tpu.vector_load_idx %gather3A_1278[%add3A_240, %add3A_1273] : memref<256x128xf32, #tpu.memory_space<vmem>>[vector<16xi32>, vector<16xi32>], vector<16xf32>,
        %add3A_1280 = arith.constant 57 : i32
        %add3A_1281 = vector.broadcast %add3A_1280 : i32 to vector<16xi32>
        %add3A_1282 = arith.addi %shift_left3A_236, %add3A_1281 : vector<16xi32>
        %gather3A_1283 = arith.constant 1 : i32
        %gather3A_1284 = arith.constant 0 : i32
        %gather3A_1285 = arith.constant 0 : i32
        %gather3A_1286 = tpu.memref_slice %arg8[%gather3A_1283, %gather3A_1284, %gather3A_1285] : memref<2x256x128xf32, #tpu.memory_space<vmem>> -> memref<1x256x128xf32, #tpu.memory_space<vmem>>
        %gather3A_1287 = tpu.memref_squeeze %gather3A_1286 : memref<1x256x128xf32, #tpu.memory_space<vmem>> -> memref<256x128xf32, #tpu.memory_space<vmem>>
        %gather3A_1288 = tpu.vector_load_idx %gather3A_1287[%add3A_240, %add3A_1282] : memref<256x128xf32, #tpu.memory_space<vmem>>[vector<16xi32>, vector<16xi32>], vector<16xf32>,
        %add3A_1289 = arith.constant 58 : i32
        %add3A_1290 = vector.broadcast %add3A_1289 : i32 to vector<16xi32>
        %add3A_1291 = arith.addi %shift_left3A_236, %add3A_1290 : vector<16xi32>
        %gather3A_1292 = arith.constant 1 : i32
        %gather3A_1293 = arith.constant 0 : i32
        %gather3A_1294 = arith.constant 0 : i32
        %gather3A_1295 = tpu.memref_slice %arg8[%gather3A_1292, %gather3A_1293, %gather3A_1294] : memref<2x256x128xf32, #tpu.memory_space<vmem>> -> memref<1x256x128xf32, #tpu.memory_space<vmem>>
        %gather3A_1296 = tpu.memref_squeeze %gather3A_1295 : memref<1x256x128xf32, #tpu.memory_space<vmem>> -> memref<256x128xf32, #tpu.memory_space<vmem>>
        %gather3A_1297 = tpu.vector_load_idx %gather3A_1296[%add3A_240, %add3A_1291] : memref<256x128xf32, #tpu.memory_space<vmem>>[vector<16xi32>, vector<16xi32>], vector<16xf32>,
        %add3A_1298 = arith.constant 59 : i32
        %add3A_1299 = vector.broadcast %add3A_1298 : i32 to vector<16xi32>
        %add3A_1300 = arith.addi %shift_left3A_236, %add3A_1299 : vector<16xi32>
        %gather3A_1301 = arith.constant 1 : i32
        %gather3A_1302 = arith.constant 0 : i32
        %gather3A_1303 = arith.constant 0 : i32
        %gather3A_1304 = tpu.memref_slice %arg8[%gather3A_1301, %gather3A_1302, %gather3A_1303] : memref<2x256x128xf32, #tpu.memory_space<vmem>> -> memref<1x256x128xf32, #tpu.memory_space<vmem>>
        %gather3A_1305 = tpu.memref_squeeze %gather3A_1304 : memref<1x256x128xf32, #tpu.memory_space<vmem>> -> memref<256x128xf32, #tpu.memory_space<vmem>>
        %gather3A_1306 = tpu.vector_load_idx %gather3A_1305[%add3A_240, %add3A_1300] : memref<256x128xf32, #tpu.memory_space<vmem>>[vector<16xi32>, vector<16xi32>], vector<16xf32>,
        %add3A_1307 = arith.constant 60 : i32
        %add3A_1308 = vector.broadcast %add3A_1307 : i32 to vector<16xi32>
        %add3A_1309 = arith.addi %shift_left3A_236, %add3A_1308 : vector<16xi32>
        %gather3A_1310 = arith.constant 1 : i32
        %gather3A_1311 = arith.constant 0 : i32
        %gather3A_1312 = arith.constant 0 : i32
        %gather3A_1313 = tpu.memref_slice %arg8[%gather3A_1310, %gather3A_1311, %gather3A_1312] : memref<2x256x128xf32, #tpu.memory_space<vmem>> -> memref<1x256x128xf32, #tpu.memory_space<vmem>>
        %gather3A_1314 = tpu.memref_squeeze %gather3A_1313 : memref<1x256x128xf32, #tpu.memory_space<vmem>> -> memref<256x128xf32, #tpu.memory_space<vmem>>
        %gather3A_1315 = tpu.vector_load_idx %gather3A_1314[%add3A_240, %add3A_1309] : memref<256x128xf32, #tpu.memory_space<vmem>>[vector<16xi32>, vector<16xi32>], vector<16xf32>,
        %add3A_1316 = arith.constant 61 : i32
        %add3A_1317 = vector.broadcast %add3A_1316 : i32 to vector<16xi32>
        %add3A_1318 = arith.addi %shift_left3A_236, %add3A_1317 : vector<16xi32>
        %gather3A_1319 = arith.constant 1 : i32
        %gather3A_1320 = arith.constant 0 : i32
        %gather3A_1321 = arith.constant 0 : i32
        %gather3A_1322 = tpu.memref_slice %arg8[%gather3A_1319, %gather3A_1320, %gather3A_1321] : memref<2x256x128xf32, #tpu.memory_space<vmem>> -> memref<1x256x128xf32, #tpu.memory_space<vmem>>
        %gather3A_1323 = tpu.memref_squeeze %gather3A_1322 : memref<1x256x128xf32, #tpu.memory_space<vmem>> -> memref<256x128xf32, #tpu.memory_space<vmem>>
        %gather3A_1324 = tpu.vector_load_idx %gather3A_1323[%add3A_240, %add3A_1318] : memref<256x128xf32, #tpu.memory_space<vmem>>[vector<16xi32>, vector<16xi32>], vector<16xf32>,
        %add3A_1325 = arith.constant 62 : i32
        %add3A_1326 = vector.broadcast %add3A_1325 : i32 to vector<16xi32>
        %add3A_1327 = arith.addi %shift_left3A_236, %add3A_1326 : vector<16xi32>
        %gather3A_1328 = arith.constant 1 : i32
        %gather3A_1329 = arith.constant 0 : i32
        %gather3A_1330 = arith.constant 0 : i32
        %gather3A_1331 = tpu.memref_slice %arg8[%gather3A_1328, %gather3A_1329, %gather3A_1330] : memref<2x256x128xf32, #tpu.memory_space<vmem>> -> memref<1x256x128xf32, #tpu.memory_space<vmem>>
        %gather3A_1332 = tpu.memref_squeeze %gather3A_1331 : memref<1x256x128xf32, #tpu.memory_space<vmem>> -> memref<256x128xf32, #tpu.memory_space<vmem>>
        %gather3A_1333 = tpu.vector_load_idx %gather3A_1332[%add3A_240, %add3A_1327] : memref<256x128xf32, #tpu.memory_space<vmem>>[vector<16xi32>, vector<16xi32>], vector<16xf32>,
        %add3A_1334 = arith.constant 63 : i32
        %add3A_1335 = vector.broadcast %add3A_1334 : i32 to vector<16xi32>
        %add3A_1336 = arith.addi %shift_left3A_236, %add3A_1335 : vector<16xi32>
        %gather3A_1337 = arith.constant 1 : i32
        %gather3A_1338 = arith.constant 0 : i32
        %gather3A_1339 = arith.constant 0 : i32
        %gather3A_1340 = tpu.memref_slice %arg8[%gather3A_1337, %gather3A_1338, %gather3A_1339] : memref<2x256x128xf32, #tpu.memory_space<vmem>> -> memref<1x256x128xf32, #tpu.memory_space<vmem>>
        %gather3A_1341 = tpu.memref_squeeze %gather3A_1340 : memref<1x256x128xf32, #tpu.memory_space<vmem>> -> memref<256x128xf32, #tpu.memory_space<vmem>>
        %gather3A_1342 = tpu.vector_load_idx %gather3A_1341[%add3A_240, %add3A_1336] : memref<256x128xf32, #tpu.memory_space<vmem>>[vector<16xi32>, vector<16xi32>], vector<16xf32>,
        %mul3A_1343 = arith.constant 1.250000e-01 : f32
        %mul3A_1344 = vector.broadcast %mul3A_1343 : f32 to vector<16xf32>
        %mul3A_1345 = arith.mulf %gather3A_1207, %mul3A_1344 : vector<16xf32>
        %mul3A_1346 = arith.constant 16 : i32
        %mul3A_1347 = arith.muli %add3A_225, %mul3A_1346 : i32
        %swap3A_1348 = arith.constant 1 : i32
        %swap3A_1349 = arith.constant 48 : i32
        %swap3A_1350 = arith.index_cast %swap3A_1348 : i32 to index
        %swap3A_1351 = arith.index_cast %swap3A_1349 : i32 to index
        %swap3A_1352 = arith.index_cast %mul3A_1347 : i32 to index
        %swap3A_1353 = tpu.vector_load %arg9[%swap3A_1350, %swap3A_1351, %swap3A_1352] {strides = array<i32>} : memref<2x64x256xf32, #tpu.memory_space<vmem>>, vector<16xf32>,
        tpu.vector_store %arg9[%swap3A_1350, %swap3A_1351, %swap3A_1352], %mul3A_1345 {strides = array<i32>} : memref<2x64x256xf32, #tpu.memory_space<vmem>>, vector<16xf32>,
        %mul3A_1354 = arith.constant 1.250000e-01 : f32
        %mul3A_1355 = vector.broadcast %mul3A_1354 : f32 to vector<16xf32>
        %mul3A_1356 = arith.mulf %gather3A_1216, %mul3A_1355 : vector<16xf32>
        %mul3A_1357 = arith.constant 16 : i32
        %mul3A_1358 = arith.muli %add3A_225, %mul3A_1357 : i32
        %swap3A_1359 = arith.constant 1 : i32
        %swap3A_1360 = arith.constant 49 : i32
        %swap3A_1361 = arith.index_cast %swap3A_1359 : i32 to index
        %swap3A_1362 = arith.index_cast %swap3A_1360 : i32 to index
        %swap3A_1363 = arith.index_cast %mul3A_1358 : i32 to index
        %swap3A_1364 = tpu.vector_load %arg9[%swap3A_1361, %swap3A_1362, %swap3A_1363] {strides = array<i32>} : memref<2x64x256xf32, #tpu.memory_space<vmem>>, vector<16xf32>,
        tpu.vector_store %arg9[%swap3A_1361, %swap3A_1362, %swap3A_1363], %mul3A_1356 {strides = array<i32>} : memref<2x64x256xf32, #tpu.memory_space<vmem>>, vector<16xf32>,
        %mul3A_1365 = arith.constant 1.250000e-01 : f32
        %mul3A_1366 = vector.broadcast %mul3A_1365 : f32 to vector<16xf32>
        %mul3A_1367 = arith.mulf %gather3A_1225, %mul3A_1366 : vector<16xf32>
        %mul3A_1368 = arith.constant 16 : i32
        %mul3A_1369 = arith.muli %add3A_225, %mul3A_1368 : i32
        %swap3A_1370 = arith.constant 1 : i32
        %swap3A_1371 = arith.constant 50 : i32
        %swap3A_1372 = arith.index_cast %swap3A_1370 : i32 to index
        %swap3A_1373 = arith.index_cast %swap3A_1371 : i32 to index
        %swap3A_1374 = arith.index_cast %mul3A_1369 : i32 to index
        %swap3A_1375 = tpu.vector_load %arg9[%swap3A_1372, %swap3A_1373, %swap3A_1374] {strides = array<i32>} : memref<2x64x256xf32, #tpu.memory_space<vmem>>, vector<16xf32>,
        tpu.vector_store %arg9[%swap3A_1372, %swap3A_1373, %swap3A_1374], %mul3A_1367 {strides = array<i32>} : memref<2x64x256xf32, #tpu.memory_space<vmem>>, vector<16xf32>,
        %mul3A_1376 = arith.constant 1.250000e-01 : f32
        %mul3A_1377 = vector.broadcast %mul3A_1376 : f32 to vector<16xf32>
        %mul3A_1378 = arith.mulf %gather3A_1234, %mul3A_1377 : vector<16xf32>
        %mul3A_1379 = arith.constant 16 : i32
        %mul3A_1380 = arith.muli %add3A_225, %mul3A_1379 : i32
        %swap3A_1381 = arith.constant 1 : i32
        %swap3A_1382 = arith.constant 51 : i32
        %swap3A_1383 = arith.index_cast %swap3A_1381 : i32 to index
        %swap3A_1384 = arith.index_cast %swap3A_1382 : i32 to index
        %swap3A_1385 = arith.index_cast %mul3A_1380 : i32 to index
        %swap3A_1386 = tpu.vector_load %arg9[%swap3A_1383, %swap3A_1384, %swap3A_1385] {strides = array<i32>} : memref<2x64x256xf32, #tpu.memory_space<vmem>>, vector<16xf32>,
        tpu.vector_store %arg9[%swap3A_1383, %swap3A_1384, %swap3A_1385], %mul3A_1378 {strides = array<i32>} : memref<2x64x256xf32, #tpu.memory_space<vmem>>, vector<16xf32>,
        %mul3A_1387 = arith.constant 1.250000e-01 : f32
        %mul3A_1388 = vector.broadcast %mul3A_1387 : f32 to vector<16xf32>
        %mul3A_1389 = arith.mulf %gather3A_1243, %mul3A_1388 : vector<16xf32>
        %mul3A_1390 = arith.constant 16 : i32
        %mul3A_1391 = arith.muli %add3A_225, %mul3A_1390 : i32
        %swap3A_1392 = arith.constant 1 : i32
        %swap3A_1393 = arith.constant 52 : i32
        %swap3A_1394 = arith.index_cast %swap3A_1392 : i32 to index
        %swap3A_1395 = arith.index_cast %swap3A_1393 : i32 to index
        %swap3A_1396 = arith.index_cast %mul3A_1391 : i32 to index
        %swap3A_1397 = tpu.vector_load %arg9[%swap3A_1394, %swap3A_1395, %swap3A_1396] {strides = array<i32>} : memref<2x64x256xf32, #tpu.memory_space<vmem>>, vector<16xf32>,
        tpu.vector_store %arg9[%swap3A_1394, %swap3A_1395, %swap3A_1396], %mul3A_1389 {strides = array<i32>} : memref<2x64x256xf32, #tpu.memory_space<vmem>>, vector<16xf32>,
        %mul3A_1398 = arith.constant 1.250000e-01 : f32
        %mul3A_1399 = vector.broadcast %mul3A_1398 : f32 to vector<16xf32>
        %mul3A_1400 = arith.mulf %gather3A_1252, %mul3A_1399 : vector<16xf32>
        %mul3A_1401 = arith.constant 16 : i32
        %mul3A_1402 = arith.muli %add3A_225, %mul3A_1401 : i32
        %swap3A_1403 = arith.constant 1 : i32
        %swap3A_1404 = arith.constant 53 : i32
        %swap3A_1405 = arith.index_cast %swap3A_1403 : i32 to index
        %swap3A_1406 = arith.index_cast %swap3A_1404 : i32 to index
        %swap3A_1407 = arith.index_cast %mul3A_1402 : i32 to index
        %swap3A_1408 = tpu.vector_load %arg9[%swap3A_1405, %swap3A_1406, %swap3A_1407] {strides = array<i32>} : memref<2x64x256xf32, #tpu.memory_space<vmem>>, vector<16xf32>,
        tpu.vector_store %arg9[%swap3A_1405, %swap3A_1406, %swap3A_1407], %mul3A_1400 {strides = array<i32>} : memref<2x64x256xf32, #tpu.memory_space<vmem>>, vector<16xf32>,
        %mul3A_1409 = arith.constant 1.250000e-01 : f32
        %mul3A_1410 = vector.broadcast %mul3A_1409 : f32 to vector<16xf32>
        %mul3A_1411 = arith.mulf %gather3A_1261, %mul3A_1410 : vector<16xf32>
        %mul3A_1412 = arith.constant 16 : i32
        %mul3A_1413 = arith.muli %add3A_225, %mul3A_1412 : i32
        %swap3A_1414 = arith.constant 1 : i32
        %swap3A_1415 = arith.constant 54 : i32
        %swap3A_1416 = arith.index_cast %swap3A_1414 : i32 to index
        %swap3A_1417 = arith.index_cast %swap3A_1415 : i32 to index
        %swap3A_1418 = arith.index_cast %mul3A_1413 : i32 to index
        %swap3A_1419 = tpu.vector_load %arg9[%swap3A_1416, %swap3A_1417, %swap3A_1418] {strides = array<i32>} : memref<2x64x256xf32, #tpu.memory_space<vmem>>, vector<16xf32>,
        tpu.vector_store %arg9[%swap3A_1416, %swap3A_1417, %swap3A_1418], %mul3A_1411 {strides = array<i32>} : memref<2x64x256xf32, #tpu.memory_space<vmem>>, vector<16xf32>,
        %mul3A_1420 = arith.constant 1.250000e-01 : f32
        %mul3A_1421 = vector.broadcast %mul3A_1420 : f32 to vector<16xf32>
        %mul3A_1422 = arith.mulf %gather3A_1270, %mul3A_1421 : vector<16xf32>
        %mul3A_1423 = arith.constant 16 : i32
        %mul3A_1424 = arith.muli %add3A_225, %mul3A_1423 : i32
        %swap3A_1425 = arith.constant 1 : i32
        %swap3A_1426 = arith.constant 55 : i32
        %swap3A_1427 = arith.index_cast %swap3A_1425 : i32 to index
        %swap3A_1428 = arith.index_cast %swap3A_1426 : i32 to index
        %swap3A_1429 = arith.index_cast %mul3A_1424 : i32 to index
        %swap3A_1430 = tpu.vector_load %arg9[%swap3A_1427, %swap3A_1428, %swap3A_1429] {strides = array<i32>} : memref<2x64x256xf32, #tpu.memory_space<vmem>>, vector<16xf32>,
        tpu.vector_store %arg9[%swap3A_1427, %swap3A_1428, %swap3A_1429], %mul3A_1422 {strides = array<i32>} : memref<2x64x256xf32, #tpu.memory_space<vmem>>, vector<16xf32>,
        %mul3A_1431 = arith.constant 1.250000e-01 : f32
        %mul3A_1432 = vector.broadcast %mul3A_1431 : f32 to vector<16xf32>
        %mul3A_1433 = arith.mulf %gather3A_1279, %mul3A_1432 : vector<16xf32>
        %mul3A_1434 = arith.constant 16 : i32
        %mul3A_1435 = arith.muli %add3A_225, %mul3A_1434 : i32
        %swap3A_1436 = arith.constant 1 : i32
        %swap3A_1437 = arith.constant 56 : i32
        %swap3A_1438 = arith.index_cast %swap3A_1436 : i32 to index
        %swap3A_1439 = arith.index_cast %swap3A_1437 : i32 to index
        %swap3A_1440 = arith.index_cast %mul3A_1435 : i32 to index
        %swap3A_1441 = tpu.vector_load %arg9[%swap3A_1438, %swap3A_1439, %swap3A_1440] {strides = array<i32>} : memref<2x64x256xf32, #tpu.memory_space<vmem>>, vector<16xf32>,
        tpu.vector_store %arg9[%swap3A_1438, %swap3A_1439, %swap3A_1440], %mul3A_1433 {strides = array<i32>} : memref<2x64x256xf32, #tpu.memory_space<vmem>>, vector<16xf32>,
        %mul3A_1442 = arith.constant 1.250000e-01 : f32
        %mul3A_1443 = vector.broadcast %mul3A_1442 : f32 to vector<16xf32>
        %mul3A_1444 = arith.mulf %gather3A_1288, %mul3A_1443 : vector<16xf32>
        %mul3A_1445 = arith.constant 16 : i32
        %mul3A_1446 = arith.muli %add3A_225, %mul3A_1445 : i32
        %swap3A_1447 = arith.constant 1 : i32
        %swap3A_1448 = arith.constant 57 : i32
        %swap3A_1449 = arith.index_cast %swap3A_1447 : i32 to index
        %swap3A_1450 = arith.index_cast %swap3A_1448 : i32 to index
        %swap3A_1451 = arith.index_cast %mul3A_1446 : i32 to index
        %swap3A_1452 = tpu.vector_load %arg9[%swap3A_1449, %swap3A_1450, %swap3A_1451] {strides = array<i32>} : memref<2x64x256xf32, #tpu.memory_space<vmem>>, vector<16xf32>,
        tpu.vector_store %arg9[%swap3A_1449, %swap3A_1450, %swap3A_1451], %mul3A_1444 {strides = array<i32>} : memref<2x64x256xf32, #tpu.memory_space<vmem>>, vector<16xf32>,
        %mul3A_1453 = arith.constant 1.250000e-01 : f32
        %mul3A_1454 = vector.broadcast %mul3A_1453 : f32 to vector<16xf32>
        %mul3A_1455 = arith.mulf %gather3A_1297, %mul3A_1454 : vector<16xf32>
        %mul3A_1456 = arith.constant 16 : i32
        %mul3A_1457 = arith.muli %add3A_225, %mul3A_1456 : i32
        %swap3A_1458 = arith.constant 1 : i32
        %swap3A_1459 = arith.constant 58 : i32
        %swap3A_1460 = arith.index_cast %swap3A_1458 : i32 to index
        %swap3A_1461 = arith.index_cast %swap3A_1459 : i32 to index
        %swap3A_1462 = arith.index_cast %mul3A_1457 : i32 to index
        %swap3A_1463 = tpu.vector_load %arg9[%swap3A_1460, %swap3A_1461, %swap3A_1462] {strides = array<i32>} : memref<2x64x256xf32, #tpu.memory_space<vmem>>, vector<16xf32>,
        tpu.vector_store %arg9[%swap3A_1460, %swap3A_1461, %swap3A_1462], %mul3A_1455 {strides = array<i32>} : memref<2x64x256xf32, #tpu.memory_space<vmem>>, vector<16xf32>,
        %mul3A_1464 = arith.constant 1.250000e-01 : f32
        %mul3A_1465 = vector.broadcast %mul3A_1464 : f32 to vector<16xf32>
        %mul3A_1466 = arith.mulf %gather3A_1306, %mul3A_1465 : vector<16xf32>
        %mul3A_1467 = arith.constant 16 : i32
        %mul3A_1468 = arith.muli %add3A_225, %mul3A_1467 : i32
        %swap3A_1469 = arith.constant 1 : i32
        %swap3A_1470 = arith.constant 59 : i32
        %swap3A_1471 = arith.index_cast %swap3A_1469 : i32 to index
        %swap3A_1472 = arith.index_cast %swap3A_1470 : i32 to index
        %swap3A_1473 = arith.index_cast %mul3A_1468 : i32 to index
        %swap3A_1474 = tpu.vector_load %arg9[%swap3A_1471, %swap3A_1472, %swap3A_1473] {strides = array<i32>} : memref<2x64x256xf32, #tpu.memory_space<vmem>>, vector<16xf32>,
        tpu.vector_store %arg9[%swap3A_1471, %swap3A_1472, %swap3A_1473], %mul3A_1466 {strides = array<i32>} : memref<2x64x256xf32, #tpu.memory_space<vmem>>, vector<16xf32>,
        %mul3A_1475 = arith.constant 1.250000e-01 : f32
        %mul3A_1476 = vector.broadcast %mul3A_1475 : f32 to vector<16xf32>
        %mul3A_1477 = arith.mulf %gather3A_1315, %mul3A_1476 : vector<16xf32>
        %mul3A_1478 = arith.constant 16 : i32
        %mul3A_1479 = arith.muli %add3A_225, %mul3A_1478 : i32
        %swap3A_1480 = arith.constant 1 : i32
        %swap3A_1481 = arith.constant 60 : i32
        %swap3A_1482 = arith.index_cast %swap3A_1480 : i32 to index
        %swap3A_1483 = arith.index_cast %swap3A_1481 : i32 to index
        %swap3A_1484 = arith.index_cast %mul3A_1479 : i32 to index
        %swap3A_1485 = tpu.vector_load %arg9[%swap3A_1482, %swap3A_1483, %swap3A_1484] {strides = array<i32>} : memref<2x64x256xf32, #tpu.memory_space<vmem>>, vector<16xf32>,
        tpu.vector_store %arg9[%swap3A_1482, %swap3A_1483, %swap3A_1484], %mul3A_1477 {strides = array<i32>} : memref<2x64x256xf32, #tpu.memory_space<vmem>>, vector<16xf32>,
        %mul3A_1486 = arith.constant 1.250000e-01 : f32
        %mul3A_1487 = vector.broadcast %mul3A_1486 : f32 to vector<16xf32>
        %mul3A_1488 = arith.mulf %gather3A_1324, %mul3A_1487 : vector<16xf32>
        %mul3A_1489 = arith.constant 16 : i32
        %mul3A_1490 = arith.muli %add3A_225, %mul3A_1489 : i32
        %swap3A_1491 = arith.constant 1 : i32
        %swap3A_1492 = arith.constant 61 : i32
        %swap3A_1493 = arith.index_cast %swap3A_1491 : i32 to index
        %swap3A_1494 = arith.index_cast %swap3A_1492 : i32 to index
        %swap3A_1495 = arith.index_cast %mul3A_1490 : i32 to index
        %swap3A_1496 = tpu.vector_load %arg9[%swap3A_1493, %swap3A_1494, %swap3A_1495] {strides = array<i32>} : memref<2x64x256xf32, #tpu.memory_space<vmem>>, vector<16xf32>,
        tpu.vector_store %arg9[%swap3A_1493, %swap3A_1494, %swap3A_1495], %mul3A_1488 {strides = array<i32>} : memref<2x64x256xf32, #tpu.memory_space<vmem>>, vector<16xf32>,
        %mul3A_1497 = arith.constant 1.250000e-01 : f32
        %mul3A_1498 = vector.broadcast %mul3A_1497 : f32 to vector<16xf32>
        %mul3A_1499 = arith.mulf %gather3A_1333, %mul3A_1498 : vector<16xf32>
        %mul3A_1500 = arith.constant 16 : i32
        %mul3A_1501 = arith.muli %add3A_225, %mul3A_1500 : i32
        %swap3A_1502 = arith.constant 1 : i32
        %swap3A_1503 = arith.constant 62 : i32
        %swap3A_1504 = arith.index_cast %swap3A_1502 : i32 to index
        %swap3A_1505 = arith.index_cast %swap3A_1503 : i32 to index
        %swap3A_1506 = arith.index_cast %mul3A_1501 : i32 to index
        %swap3A_1507 = tpu.vector_load %arg9[%swap3A_1504, %swap3A_1505, %swap3A_1506] {strides = array<i32>} : memref<2x64x256xf32, #tpu.memory_space<vmem>>, vector<16xf32>,
        tpu.vector_store %arg9[%swap3A_1504, %swap3A_1505, %swap3A_1506], %mul3A_1499 {strides = array<i32>} : memref<2x64x256xf32, #tpu.memory_space<vmem>>, vector<16xf32>,
        %mul3A_1508 = arith.constant 1.250000e-01 : f32
        %mul3A_1509 = vector.broadcast %mul3A_1508 : f32 to vector<16xf32>
        %mul3A_1510 = arith.mulf %gather3A_1342, %mul3A_1509 : vector<16xf32>
        %mul3A_1511 = arith.constant 16 : i32
        %mul3A_1512 = arith.muli %add3A_225, %mul3A_1511 : i32
        %swap3A_1513 = arith.constant 1 : i32
        %swap3A_1514 = arith.constant 63 : i32
        %swap3A_1515 = arith.index_cast %swap3A_1513 : i32 to index
        %swap3A_1516 = arith.index_cast %swap3A_1514 : i32 to index
        %swap3A_1517 = arith.index_cast %mul3A_1512 : i32 to index
        %swap3A_1518 = tpu.vector_load %arg9[%swap3A_1515, %swap3A_1516, %swap3A_1517] {strides = array<i32>} : memref<2x64x256xf32, #tpu.memory_space<vmem>>, vector<16xf32>,
        tpu.vector_store %arg9[%swap3A_1515, %swap3A_1516, %swap3A_1517], %mul3A_1510 {strides = array<i32>} : memref<2x64x256xf32, #tpu.memory_space<vmem>>, vector<16xf32>,
      }
      %scan3A_160 = arith.constant 16 : i32
      %add3A_161 = arith.constant 1 : i32
      %add3A_162 = arith.addi %add3A_60, %add3A_161 : i32
      %add3A_163 = arith.addi %mul3A_4, %add3A_162 : i32
      %jit3A_164 = arith.constant 16 : i32
      %div3A_165 = arith.divsi %add3A_163, %jit3A_164 : i32
      %sign3A_166 = arith.constant 0 : i32
      %sign3A_167 = arith.cmpi sgt, %add3A_163, %sign3A_166 : i32
      %sign3A_168 = arith.extui %sign3A_167 : i1 to i32
      %sign3A_169 = arith.constant 0 : i32
      %sign3A_170 = arith.cmpi slt, %add3A_163, %sign3A_169 : i32
      %sign3A_171 = arith.extui %sign3A_170 : i1 to i32
      %sign3A_172 = arith.subi %sign3A_168, %sign3A_171 : i32
      %sign3A_173 = arith.constant 0 : i32
      %sign3A_174 = arith.cmpi sgt, %jit3A_164, %sign3A_173 : i32
      %sign3A_175 = arith.extui %sign3A_174 : i1 to i32
      %sign3A_176 = arith.constant 0 : i32
      %sign3A_177 = arith.cmpi slt, %jit3A_164, %sign3A_176 : i32
      %sign3A_178 = arith.extui %sign3A_177 : i1 to i32
      %sign3A_179 = arith.subi %sign3A_175, %sign3A_178 : i32
      %ne3A_180 = arith.cmpi ne, %sign3A_172, %sign3A_179 : i32
      %rem3A_181 = arith.remsi %add3A_163, %jit3A_164 : i32
      %ne3A_182 = arith.constant 0 : i32
      %ne3A_183 = arith.cmpi ne, %rem3A_181, %ne3A_182 : i32
      %and3A_184 = arith.andi %ne3A_180, %ne3A_183 : i1
      %sub3A_185 = arith.constant 1 : i32
      %sub3A_186 = arith.subi %div3A_165, %sub3A_185 : i32
      %select_n3A_187 = arith.select %and3A_184, %sub3A_186, %div3A_165 : i32
      %jit3A_188 = arith.constant 16 : i32
      %eq3A_189 = arith.constant 0 : i32
      %eq3A_190 = arith.cmpi eq, %jit3A_188, %eq3A_189 : i32
      %jit3A_191 = arith.constant 1 : i32
      %select_n3A_192 = arith.select %eq3A_190, %jit3A_191, %jit3A_188 : i32
      %rem3A_193 = arith.remsi %add3A_163, %select_n3A_192 : i32
      %ne3A_194 = arith.constant 0 : i32
      %ne3A_195 = arith.cmpi ne, %rem3A_193, %ne3A_194 : i32
      %lt3A_196 = arith.constant 0 : i32
      %lt3A_197 = arith.cmpi slt, %rem3A_193, %lt3A_196 : i32
      %lt3A_198 = arith.constant 0 : i32
      %lt3A_199 = arith.cmpi slt, %select_n3A_192, %lt3A_198 : i32
      %ne3A_200 = arith.xori %lt3A_197, %lt3A_199 : i1
      %and3A_201 = arith.andi %ne3A_200, %ne3A_195 : i1
      %add3A_202 = arith.addi %rem3A_193, %select_n3A_192 : i32
      %select_n3A_203 = arith.select %and3A_201, %add3A_202, %rem3A_193 : i32
      %mul3A_204 = arith.constant 256 : i32
      %mul3A_205 = arith.muli %select_n3A_203, %mul3A_204 : i32
      %dma_start3A_206 = arith.constant 1 : i32
      %dma_start3A_207 = arith.constant 0 : i32
      %dma_start3A_208 = arith.constant 0 : i32
      %dma_start3A_209 = tpu.memref_slice %arg9[%dma_start3A_206, %dma_start3A_207, %dma_start3A_208] : memref<2x64x256xf32, #tpu.memory_space<vmem>> -> memref<1x64x256xf32, #tpu.memory_space<vmem>>
      %dma_start3A_210 = tpu.memref_squeeze %dma_start3A_209 : memref<1x64x256xf32, #tpu.memory_space<vmem>> -> memref<64x256xf32, #tpu.memory_space<vmem>>
      %dma_start3A_211 = arith.constant 0 : i32
      %dma_start3A_212 = tpu.memref_slice %arg4[%select_n3A_187, %dma_start3A_211, %mul3A_205] : memref<200x64x4096xf32, #tpu.memory_space<hbm>> -> memref<1x64x256xf32, #tpu.memory_space<hbm>>
      %dma_start3A_213 = tpu.memref_squeeze %dma_start3A_212 : memref<1x64x256xf32, #tpu.memory_space<hbm>> -> memref<64x256xf32, #tpu.memory_space<hbm>>
      %dma_start3A_214 = arith.constant 0 : i32
      %dma_start3A_215 = tpu.memref_slice %arg4[%select_n3A_187, %dma_start3A_214, %mul3A_205] : memref<200x64x4096xf32, #tpu.memory_space<hbm>> -> memref<1x64x256xf32, #tpu.memory_space<hbm>>
      %dma_start3A_216 = tpu.memref_squeeze %dma_start3A_215 : memref<1x64x256xf32, #tpu.memory_space<hbm>> -> memref<64x256xf32, #tpu.memory_space<hbm>>
      %dma_start3A_217 = arith.constant 0 : i32
      %dma_start3A_218 = arith.constant 0 : i32
      %dma_start3A_219 = tpu.memref_slice %arg9[%dma_start3A_206, %dma_start3A_217, %dma_start3A_218] : memref<2x64x256xf32, #tpu.memory_space<vmem>> -> memref<1x64x256xf32, #tpu.memory_space<vmem>>
      %dma_start3A_220 = tpu.memref_squeeze %dma_start3A_219 : memref<1x64x256xf32, #tpu.memory_space<vmem>> -> memref<64x256xf32, #tpu.memory_space<vmem>>
      tpu.enqueue_dma source(%dma_start3A_220 : memref<64x256xf32, #tpu.memory_space<vmem>>) target(%dma_start3A_216 : memref<64x256xf32, #tpu.memory_space<hbm>>) target_semaphore(%arg13 : memref<!tpu.dma_semaphore, #tpu.memory_space<semaphore_mem>>)
    }
    %scan3A_20 = arith.constant 50 : i32
    %dma_wait3A = arith.constant 0 : i32
    %dma_wait3A_21 = arith.constant 0 : i32
    %dma_wait3A_22 = arith.constant 0 : i32
    %dma_wait3A_23 = arith.constant 0 : i32
    %dma_wait3A_24 = tpu.memref_slice %arg9[%dma_wait3A, %dma_wait3A_22, %dma_wait3A_23] : memref<2x64x256xf32, #tpu.memory_space<vmem>> -> memref<1x64x256xf32, #tpu.memory_space<vmem>>
    %dma_wait3A_25 = tpu.memref_squeeze %dma_wait3A_24 : memref<1x64x256xf32, #tpu.memory_space<vmem>> -> memref<64x256xf32, #tpu.memory_space<vmem>>
    %dma_wait3A_26 = arith.constant 0 : i32
    %dma_wait3A_27 = arith.constant 0 : i32
    %dma_wait3A_28 = tpu.memref_slice %arg4[%dma_wait3A_21, %dma_wait3A_26, %dma_wait3A_27] : memref<200x64x4096xf32, #tpu.memory_space<hbm>> -> memref<1x64x256xf32, #tpu.memory_space<hbm>>
    %dma_wait3A_29 = tpu.memref_squeeze %dma_wait3A_28 : memref<1x64x256xf32, #tpu.memory_space<hbm>> -> memref<64x256xf32, #tpu.memory_space<hbm>>
    %dma_wait3A_30 = arith.constant 0 : i32
    %dma_wait3A_31 = arith.constant 0 : i32
    %dma_wait3A_32 = tpu.memref_slice %arg4[%dma_wait3A_21, %dma_wait3A_30, %dma_wait3A_31] : memref<200x64x4096xf32, #tpu.memory_space<hbm>> -> memref<1x64x256xf32, #tpu.memory_space<hbm>>
    %dma_wait3A_33 = tpu.memref_squeeze %dma_wait3A_32 : memref<1x64x256xf32, #tpu.memory_space<hbm>> -> memref<64x256xf32, #tpu.memory_space<hbm>>
    %dma_wait3A_34 = arith.constant 0 : i32
    %dma_wait3A_35 = arith.constant 0 : i32
    %dma_wait3A_36 = tpu.memref_slice %arg9[%dma_wait3A, %dma_wait3A_34, %dma_wait3A_35] : memref<2x64x256xf32, #tpu.memory_space<vmem>> -> memref<1x64x256xf32, #tpu.memory_space<vmem>>
    %dma_wait3A_37 = tpu.memref_squeeze %dma_wait3A_36 : memref<1x64x256xf32, #tpu.memory_space<vmem>> -> memref<64x256xf32, #tpu.memory_space<vmem>>
    tpu.wait_dma2 semaphore(%arg12 : memref<!tpu.dma_semaphore, #tpu.memory_space<semaphore_mem>>) src(%dma_wait3A_37 : memref<64x256xf32, #tpu.memory_space<vmem>>) dst(%dma_wait3A_33 : memref<64x256xf32, #tpu.memory_space<hbm>>)
    %dma_wait3A_38 = arith.constant 1 : i32
    %dma_wait3A_39 = arith.constant 0 : i32
    %dma_wait3A_40 = arith.constant 0 : i32
    %dma_wait3A_41 = arith.constant 0 : i32
    %dma_wait3A_42 = tpu.memref_slice %arg9[%dma_wait3A_38, %dma_wait3A_40, %dma_wait3A_41] : memref<2x64x256xf32, #tpu.memory_space<vmem>> -> memref<1x64x256xf32, #tpu.memory_space<vmem>>
    %dma_wait3A_43 = tpu.memref_squeeze %dma_wait3A_42 : memref<1x64x256xf32, #tpu.memory_space<vmem>> -> memref<64x256xf32, #tpu.memory_space<vmem>>
    %dma_wait3A_44 = arith.constant 0 : i32
    %dma_wait3A_45 = arith.constant 0 : i32
    %dma_wait3A_46 = tpu.memref_slice %arg4[%dma_wait3A_39, %dma_wait3A_44, %dma_wait3A_45] : memref<200x64x4096xf32, #tpu.memory_space<hbm>> -> memref<1x64x256xf32, #tpu.memory_space<hbm>>
    %dma_wait3A_47 = tpu.memref_squeeze %dma_wait3A_46 : memref<1x64x256xf32, #tpu.memory_space<hbm>> -> memref<64x256xf32, #tpu.memory_space<hbm>>
    %dma_wait3A_48 = arith.constant 0 : i32
    %dma_wait3A_49 = arith.constant 0 : i32
    %dma_wait3A_50 = tpu.memref_slice %arg4[%dma_wait3A_39, %dma_wait3A_48, %dma_wait3A_49] : memref<200x64x4096xf32, #tpu.memory_space<hbm>> -> memref<1x64x256xf32, #tpu.memory_space<hbm>>
    %dma_wait3A_51 = tpu.memref_squeeze %dma_wait3A_50 : memref<1x64x256xf32, #tpu.memory_space<hbm>> -> memref<64x256xf32, #tpu.memory_space<hbm>>
    %dma_wait3A_52 = arith.constant 0 : i32
    %dma_wait3A_53 = arith.constant 0 : i32
    %dma_wait3A_54 = tpu.memref_slice %arg9[%dma_wait3A_38, %dma_wait3A_52, %dma_wait3A_53] : memref<2x64x256xf32, #tpu.memory_space<vmem>> -> memref<1x64x256xf32, #tpu.memory_space<vmem>>
    %dma_wait3A_55 = tpu.memref_squeeze %dma_wait3A_54 : memref<1x64x256xf32, #tpu.memory_space<vmem>> -> memref<64x256xf32, #tpu.memory_space<vmem>>
    tpu.wait_dma2 semaphore(%arg13 : memref<!tpu.dma_semaphore, #tpu.memory_space<semaphore_mem>>) src(%dma_wait3A_55 : memref<64x256xf32, #tpu.memory_space<vmem>>) dst(%dma_wait3A_51 : memref<64x256xf32, #tpu.memory_space<hbm>>)
    return
  }
}

module attributes {stable_mosaic.version = 14 : i64} {
  func.func @body(%arg0: i32, %arg1: memref<64x2048xf32, #tpu.memory_space<vmem>>, %arg2: memref<64x2048xf32, #tpu.memory_space<vmem>>, %arg3: memref<2048x128xf32, #tpu.memory_space<vmem>>) attributes {dimension_semantics = [#tpu.dimension_semantics<arbitrary>], iteration_bounds = array<i64: 256>, scalar_prefetch = 0 : i64, scratch_operands = 0 : i64, tpu.core_type = #tpu.core_type<tc>, window_params = [{transform_indices = @transform_0, window_bounds = array<i64: 64, 2048>}, {transform_indices = @transform_1, window_bounds = array<i64: 64, 2048>}, {transform_indices = @transform_2, window_bounds = array<i64: 2048, 128>}]} {
    %get3A = arith.constant 0 : index
    %get3A_0 = arith.constant 0 : index
    %get3A_1 = vector.load %arg1[%get3A, %get3A_0] : memref<64x2048xf32, #tpu.memory_space<vmem>>, vector<64x2048xf32>
    %transpose3A = tpu.transpose %get3A_1, [1, 0] : vector<64x2048xf32> -> vector<2048x64xf32>
    %swap3A = arith.constant 0 : index
    %swap3A_2 = arith.constant 0 : index
    %swap3A_3 = vector.load %arg3[%swap3A, %swap3A_2] : memref<2048x128xf32, #tpu.memory_space<vmem>>, vector<2048x64xf32>
    tpu.vector_store %arg3[%swap3A, %swap3A_2], %transpose3A {strides = array<i32>} : memref<2048x128xf32, #tpu.memory_space<vmem>>, vector<2048x64xf32>,
    %get3A_4 = arith.constant 0 : index
    %get3A_5 = arith.constant 0 : index
    %get3A_6 = vector.load %arg2[%get3A_4, %get3A_5] : memref<64x2048xf32, #tpu.memory_space<vmem>>, vector<64x2048xf32>
    %transpose3A_7 = tpu.transpose %get3A_6, [1, 0] : vector<64x2048xf32> -> vector<2048x64xf32>
    %swap3A_8 = arith.constant 0 : index
    %swap3A_9 = arith.constant 64 : index
    %swap3A_10 = vector.load %arg3[%swap3A_8, %swap3A_9] : memref<2048x128xf32, #tpu.memory_space<vmem>>, vector<2048x64xf32>
    tpu.vector_store %arg3[%swap3A_8, %swap3A_9], %transpose3A_7 {strides = array<i32>} : memref<2048x128xf32, #tpu.memory_space<vmem>>, vector<2048x64xf32>,
    return
  }
  func.func @transform_0(%arg0: i32) -> (i32, i32) {
    %c0_i32 = arith.constant 0 : i32
    %c0_i32_0 = arith.constant 0 : i32
    return %c0_i32, %arg0 : i32, i32
  }
  func.func @transform_1(%arg0: i32) -> (i32, i32) {
    %add3A = arith.constant 256 : i32
    %add3A_0 = arith.addi %arg0, %add3A : i32
    %min3A = arith.constant 488 : i32
    %min3A_1 = arith.minsi %add3A_0, %min3A : i32
    %c0_i32 = arith.constant 0 : i32
    %c0_i32_2 = arith.constant 0 : i32
    return %c0_i32, %min3A_1 : i32, i32
  }
  func.func @transform_2(%arg0: i32) -> (i32, i32) {
    %c0_i32 = arith.constant 0 : i32
    %c0_i32_0 = arith.constant 0 : i32
    return %arg0, %c0_i32 : i32, i32
  }
}

</mosaic_0001>

<sc_bundles>
// kernel: kernel.4.cloned.1.call-start
scs
__scs_entry_jumppad:
0x0: {  	(pc) =	sbr.rel $0x88, $3  }
0x1: {  	(tag) =	ssettag $0x0;
	lr =	simm.s32 $0x1  }
0x2: {  	[smem:$0x3F9F] =	sst lr;
	_ =	strace $0xD0000000  }
0x3: {  	_ = 	snop  }
0x4: {  	_ = 	snop  }
0x5: {  	_ = 	snop  }
0x6: {  	_ = 	snop  }
0x7: {  	_ = 	snop  }
__scs_overlays_trampoline_lowered:
0x8: {  	[smem:$0x3FAE] =	sst s0  }
0x9: {  	[smem:$0x3FAF] =	sst s1  }
0xa: {  	[smem:$0x3FB0] =	sst s2  }
0xb: {  	[smem:$0x3FB1] =	sst s3  }
0xc: {  	[smem:$0x3FB2] =	sst s4  }
0xd: {  	[smem:$0x3FB3] =	sst s5  }
0xe: {  	[smem:$0x3FB4] =	sst s6  }
0xf: {  	[smem:$0x3FB5] =	sst s7  }
0x10: {  	[smem:$0x3FB6] =	sst s8  }
0x11: {  	[smem:$0x3FB7] =	sst s9;
	s0 =	simm.s32 @!p0 $0x0  }
0x12: {  	s1 =	sld [smem:$0x3F9D];
	s0 =	simm.s32 @p0 $0x1  }
0x13: {  	[smem:$0x3FB8] =	sst s0;
	s0 =	simm.s32 @!p1 $0x0  }
0x14: {  	s2 =	sld [smem:$0x3F9C];
	s0 =	simm.s32 @p1 $0x1  }
0x15: {  	[smem:$0x3FB9] =	sst s0;
	s0 =	simm.s32 @!p2 $0x0  }
0x16: {  	s3 =	sld [smem:$0x3FDB];
	s0 =	simm.s32 @p2 $0x1  }
0x17: {  	s4 =	simm.s32 $0x1BF5;
	[smem:$0x3FBB] =	sst s0  }
0x18: {  	s0 =	sld [smem:$0x3F9E];
	_ =	swait.ge [sflag:s4], $0x0  }
0x19: {  	s7 =	sld [smem:$0x3F9F]  }
0x1a: {  	s8 =	sadd.s32 $0xFFFFE003, lr  }
0x1b: {  	s9 =	sadd.s32 $0xFFFFFEF7, lr;
	s5 =	simm.s32 $0xFFFFFFFF;
	p2 =	slt.u32 s8, $0xFFFFF086  }
0x1c: {  	p1 =	slt.u32 s9, $0xF7A;
	s5 =	simm.s32 @!p2 $0x0  }
0x1d: {  	s5 =	simm.s32 @p1 $0x1;
	p0 =	seq.s32 s7, s2  }
0x1e: {  	s7 =	smul.u32 @!p0 $0xF7A, s2;
	p2 =	seq.s32 @!p0 s5, $0x0  }
0x1f: {  	s9 =	smul.u32 $0xF7A, s1;
	s8 =	simm.s32 @!p0 $0x1BF5;
	p2 =	por !p2, p0  }
0x20: {  	[sflag:s8] =	ssyncset.s32 @!p0 $0xFFFFF086;
	s6 =	sadd.s32 @!p0 s3, s7;
	s7 =	simm.s32 @!p0 $0x108  }
0x21: {  	s3 =	sadd.s32 s3, s9;
	s6 =	sadd.s32 @!p0 $0x88, s6;
	s7 =	simm.s32 @p2 $0x1082  }
0x22: {  	[simem:s7], [sflag:s8] =	dma.local @!p0 [hbm:s6], $0xF7A  }
0x23: {  	s9 =	sor.u32 $0xD0000000, s2;
	s6 =	simm.s32 $0x108;
	_ =	swait.ge @!p0 [sflag:s8], $0x0  }
0x24: {  	s3 =	sadd.s32 $0x88, s3;
	s6 =	simm.s32 @!p1 $0x1082;
	[sflag:s4] =	ssyncset.s32 $0xFFFFF086  }
0x25: {  	[simem:s6], [sflag:s4] =	dma.local [hbm:s3], $0xF7A  }
0x26: {  	[smem:$0x3F9F] =	sst s1;
	(tag) =	ssettag s2;
	_ =	strace s9  }
0x27: {  	s1 =	sld [smem:$0x3FAF]  }
0x28: {  	s2 =	sld [smem:$0x3FB0]  }
0x29: {  	s4 =	sld [smem:$0x3FB2]  }
0x2a: {  	p0 =	seq.s32 s5, $0x0;
	s5 =	sld [smem:$0x3FB3]  }
0x2b: {  	s6 =	sld [smem:$0x3FB4]  }
0x2c: {  	s7 =	sld [smem:$0x3FB5]  }
0x2d: {  	s3 =	simm.s32 $0x108;
	s8 =	sld [smem:$0x3FB6]  }
0x2e: {  	s3 =	simm.s32 @!p0 $0x1082;
	s9 =	sld [smem:$0x3FB7]  }
0x2f: {  	lr =	sadd.s32 s0, s3;
	s0 =	sld [smem:$0x3FAE]  }
0x30: {  	s3 =	sld [smem:$0x3FB1]  }
0x31: {  	[smem:$0x3FBA] =	sst s10  }
0x32: {  	s10 =	sld [smem:$0x3FB8];
	_ =	sdelay $0x3  }
0x33: {  	p0 =	seq.s32 s10, $0x1;
	s10 =	sld [smem:$0x3FBA];
	_ =	sdelay $0x3  }
0x34: {  	[smem:$0x3FBA] =	sst s10  }
0x35: {  	s10 =	sld [smem:$0x3FB9];
	_ =	sdelay $0x3  }
0x36: {  	p1 =	seq.s32 s10, $0x1;
	s10 =	sld [smem:$0x3FBA];
	_ =	sdelay $0x3  }
0x37: {  	[smem:$0x3FBA] =	sst s10  }
0x38: {  	s10 =	sld [smem:$0x3FBB]  }
0x39: {  	_ = 	snop;
	(pc) =	sbr.ind lr, $3  }
0x3a: {  	_ = 	snop  }
0x3b: {  	_ = 	snop  }
0x3c: {  	p2 =	seq.s32 s10, $0x1;
	s10 =	sld [smem:$0x3FBA]  }
0x3d: {  	_ =	shalt  }
0x3e: {  	_ =	shalt  }
0x3f: {  	_ =	shalt  }
0x40: {  	_ =	shalt  }
0x41: {  	_ =	shalt  }
0x42: {  	_ =	shalt  }
0x43: {  	_ =	shalt  }
0x44: {  	_ =	shalt  }
0x45: {  	_ =	shalt  }
0x46: {  	_ =	shalt  }
0x47: {  	_ =	shalt  }
0x48: {  	_ =	shalt  }
0x49: {  	_ =	shalt  }
0x4a: {  	_ =	shalt  }
0x4b: {  	_ =	shalt  }
0x4c: {  	_ =	shalt  }
0x4d: {  	_ =	shalt  }
0x4e: {  	_ =	shalt  }
0x4f: {  	_ =	shalt  }
0x50: {  	_ =	shalt  }
0x51: {  	_ =	shalt  }
0x52: {  	_ =	shalt  }
0x53: {  	_ =	shalt  }
0x54: {  	_ =	shalt  }
0x55: {  	_ =	shalt  }
0x56: {  	_ =	shalt  }
0x57: {  	_ =	shalt  }
0x58: {  	_ =	shalt  }
0x59: {  	_ =	shalt  }
0x5a: {  	_ =	shalt  }
0x5b: {  	_ =	shalt  }
0x5c: {  	_ =	shalt  }
0x5d: {  	_ =	shalt  }
0x5e: {  	_ =	shalt  }
0x5f: {  	_ =	shalt  }
0x60: {  	_ =	shalt  }
0x61: {  	_ =	shalt  }
0x62: {  	_ =	shalt  }
0x63: {  	_ =	shalt  }
0x64: {  	_ =	shalt  }
0x65: {  	_ =	shalt  }
0x66: {  	_ =	shalt  }
0x67: {  	_ =	shalt  }
0x68: {  	_ =	shalt  }
0x69: {  	_ =	shalt  }
0x6a: {  	_ =	shalt  }
0x6b: {  	_ =	shalt  }
0x6c: {  	_ =	shalt  }
0x6d: {  	_ =	shalt  }
0x6e: {  	_ =	shalt  }
0x6f: {  	_ =	shalt  }
0x70: {  	_ =	shalt  }
0x71: {  	_ =	shalt  }
0x72: {  	_ =	shalt  }
0x73: {  	_ =	shalt  }
0x74: {  	_ =	shalt  }
0x75: {  	_ =	shalt  }
0x76: {  	_ =	shalt  }
0x77: {  	_ =	shalt  }
0x78: {  	_ =	shalt  }
0x79: {  	_ =	shalt  }
0x7a: {  	_ =	shalt  }
0x7b: {  	_ =	shalt  }
0x7c: {  	_ =	shalt  }
0x7d: {  	_ =	shalt  }
0x7e: {  	_ =	shalt  }
0x7f: {  	_ =	shalt  }
0x80: {  	_ =	shalt  }
0x81: {  	_ =	shalt  }
0x82: {  	_ =	shalt  }
0x83: {  	_ =	shalt  }
0x84: {  	_ =	shalt  }
0x85: {  	_ =	shalt  }
0x86: {  	_ =	shalt  }
0x87: {  	_ =	shalt  }
.Lfunc_end0:
.L_simem_size_0:
called_computation_lowered:
.L_overlay_start_0:
0x88: {  	s2 =	sld [smem:$0x3FD9]  }
0x89: {  	s3 =	sld [smem:$0x3FFE];
	_ =	sdelay $0x1  }
0x8a: {  	s1 =	srdreg.scid  }
0x8b: {  	s0 =	sand.u32 $0x1, s1  }
0x8c: {  	s17 =	sshll.u32 s0, $0xA;
	s2 =	sadd.s32 s3, s2  }
0x8d: {  	s2 =	sadd.s32 s2, s17  }
0x8e: {  	[smem:$0x3FC6] =	sst s2  }
0x8f: {  	_ = 	snop  }
0x90: {  	s2 =	sld [smem:$0x3FD0];
	(tm) =	ssettm $0x1  }
0x91: {  	s18 =	sld [smem:$0x3FFB];
	_ =	sdelay $0x3  }
0x92: {  	_ =	strace s18  }
0x93: {  	s3 =	sld [smem:$0x3FFC];
	_ =	sdelay $0x3  }
0x94: {  	_ =	strace s3  }
0x95: {  	s3 =	sld [smem:$0x3FFD];
	_ =	sdelay $0x3  }
0x96: {  	_ =	strace s3  }
0x97: {  	_ =	strace $0x8FFFFFFF  }
0x98: {  	s19 =	sld [smem:$0x3FDB];
	_ =	sdelay $0x1  }
0x99: {  	s4 =	simm.s32 $_scs_section_size  }
0x9a: {  	s5 =	simm.s32 $_size__tile_overlayer_lowered;
	s6 =	simm.s32 $_tile_overlayer_lowered  }
0x9b: {  	s22 =	simm.s32 $0x1BFF;
	s21 =	sshll.u32 s6, $0x1;
	s3 =	sadd.s32 s4, s19  }
0x9c: {  	s7 =	simm.s32 $0x0;
	s20 =	sshll.u32 s5, $0x1;
	s5 =	sadd.s32 s21, s3  }
0x9d: {  	[timem:s7], [sflag:s22] =	dma.local [hbm:s5], s20  }
0x9e: {  	_ =	swait.ge [sflag:s22], s20  }
0x9f: {  	s4 =	ssub.s32 $0x0, s20;
	[sflag:s22] =	ssyncset.done $0x0  }
0xa0: {  	[sflag:s22] =	ssyncadd.s32 s4;
	_ =	sdelay $0x1  }
0xa1: {  	s23 =	simm.s32 $0x1B8B  }
0xa2: {  	_ =	swait.ge [sflag:s23], $0x1  }
0xa3: {  	[sflag:s23] =	ssyncset.done $0x0  }
0xa4: {  	s25 =	simm.s32 $0x1B8E;
	s24 =	sld [smem:$0x3FFE];
	[sflag:s23] =	ssyncadd.s32 $0xFFFFFFFF  }
0xa5: {  	s26 =	simm.s32 $execute0_lowered;
	[smem:$0x3FD2] =	sst s25  }
0xa6: {  	s5 =	sshll.u32 s26, $0x1;
	_ =	strace $0x80000046;
	[dreg:$0x1] =	wrdreg $0xFFFFFFFF  }
0xa7: {  	s28 =	simm.s32 $_size_execute0_lowered;
	s3 =	sadd.s32 s3, s5;
	[dreg:$0x0] =	wrdreg $0x0  }
0xa8: {  	s5 =	sshll.u32 s28, $0x1;
	[dreg:$0x2] =	wrdreg s3  }
0xa9: {  	[dreg:$0x3] =	wrdreg s5  }
0xaa: {  	[dreg:$0x4] =	wrdreg $0xC0  }
0xab: {  	_ =	task [dreg:s7], $0x5FFFF  }
0xac: {  	[dreg:$0x1] =	wrdreg $0xFFFFFFFF  }
0xad: {  	[dreg:$0x0] =	wrdreg $0x60  }
0xae: {  	[dreg:$0x2] =	wrdreg s24  }
0xaf: {  	[dreg:$0x3] =	wrdreg s2  }
0xb0: {  	[dreg:$0x4] =	wrdreg $0x9  }
0xb1: {  	_ =	task.clear_ibuf [dreg:s7], $0x5FFFF;
	_ =	strace $0x90000046  }
0xb2: {  	s29 =	simm.s32 $0x9;
	_ =	strace $0x80000048  }
0xb3: {  	_ =	swait.ge [sflag:s29], $0x1  }
0xb4: {  	[sflag:s29] =	ssyncadd.s32 $0xFFFFFFFF  }
0xb5: {  	_ =	strace $0x90000048  }
0xb6: {  	_ =	sfence  }
0xb7: {  	s30 =	sld [smem:$0x0];
	_ =	sdelay $0x2  }
0xb8: {  	s31 =	sshll.u32 s1, $0xD;
	s1 =	sshrl.u32 s1, $0x2  }
0xb9: {  	s3 =	sand.u32 $0x4000, s31;
	s1 =	sadd.s32 s1, s30  }
0xba: {  	s0 =	sor.u32 s3, s0;
	s1 =	sshll.u32 s1, $0x11  }
0xbb: {  	s0 =	sor.u32 s1, s0  }
0xbc: {  	s0 =	sadd.s32 $0x8F2B, s0  }
0xbd: {  	[sflag:s0] =	ssyncadd.remote.s32 $0x1  }
0xbe: {  	_ =	sfence.sel $0xFFFF  }
0xbf: {  	[dreg:$0x0] =	wrdreg $0xFFFFFFFF;
	(pc) =	sbr.abs _section_cstart, $3  }
0xc0: {  	[dreg:$0x1] =	wrdreg $0xFFFFFFFF  }
0xc1: {  	_ =	task.clear_ibuf [dreg:s7], $0x2FFFF;
	_ =	strace $0x9FFFFFFF  }
0xc2: {  	(tm) =	ssettm $0x7FFFFFFF  }
0xc3: {  	_ =	shalt  }
tec
execute0_lowered:
.L_overlay_start_1:
0x0: {  	(tag) =	ssettag $0x1  }
0x1: {  	s4 =	rddreg [dreg:$0x0];
	s1 =	srdreg.scid  }
0x2: {  	s0 =	stileid.u32;
	s2 =	rddreg [dreg:$0x1]  }
0x3: {  	s3 =	simm.s32 $0x0;
	s9 =	simm.s32 $0x100;
	s10 =	simm.s32 $0x6400  }
0x4: {  	s11 =	simm.s32 $0x6600;
	s12 =	simm.s32 $0x6500;
	s13 =	simm.s32 $0xE600  }
0x5: {  	s14 =	simm.s32 $0x1;
	s15 =	simm.s32 $0x800;
	s16 =	simm.s32 $0x8000  }
0x6: {  	s17 =	simm.s32 $0x16600;
	s18 =	simm.s32 $0x2;
	s19 =	simm.s32 $0x1A600  }
0x7: {  	s20 =	simm.s32 $0x3;
	s5 =	sand.u32 $0x1, s1;
	s6 =	sshll.u32 s0, $0x1  }
0x8: {  	s21 =	simm.s32 $0x4;
	s6 =	sor.u32 s5, s6;
	s5 =	ssub.s32 $0x2, s5  }
0x9: {  	[smem:$0x7FF] =	sst s3;
	s7 =	smul.u32 $0xC80, s6;
	s8 =	sshrl.u32 s5, $0x1  }
0xa: {  	s22 =	simm.s32 $0x0;
	_ =	strace $0x80000047;
	s8 =	ssub.s32 s5, s8  }
0xb: {  	v1 =	vlaneseq.u32;
	s5 =	smul.u32 $0x64, s6;
	s7 =	sadd.s32 s7, s4;
	s4 =	sadd.s32 $0x19400, s4  }
0xc: {  	v0 =	vimm.s32 $0x0;
	v1 =	vmul.u32 $0x80, v1;
	s6 =	sadd.s32 $0x400, s7;
	s7 =	smax.u32 s8, $0x1;
	s8 =	simm.s32 $0x5  }
.LBB2_1:
0xd: {  	[tilespmem:s3], [sflag:$0x5] =	stream.linear.gather [hbm4b:s6+s3], $0x6400, $0x38;
	[tilespmem:$0x1E600] =	vst v63  }
0xe: {  	_ =	swait.ge [sflag:s8], $0x6400  }
0xf: {  	[sflag:s8] =	ssyncset.done $0x0  }
0x10: {  	[sflag:s8] =	ssyncadd.s32 $0xFFFF9C00  }
0x11: {  	v2 =	vld [tilespmem:$0x0]  }
0x12: {  	v3 =	vld [tilespmem:$0x10]  }
0x13: {  	v4 =	vld [tilespmem:$0x20]  }
0x14: {  	v5 =	vld [tilespmem:$0x30]  }
0x15: {  	v6 =	vld [tilespmem:$0x40]  }
0x16: {  	v8 =	vld [tilespmem:$0x50];
	vm0 =	vgt.s32 v2, $0x7FFFF;
	v7 =	vadd.s32 $0xFFF80000, v2  }
0x17: {  	v9 =	vld [tilespmem:$0x60];
	vm13 =	vgt.s32 v3, $0x7FFFF;
	v54 =	vadd.s32 $0xFFF80000, v3;
	v2 =	vsel vm0, v7, v2  }
0x18: {  	v55 =	vld [tilespmem:$0x70];
	vm14 =	vgt.s32 v4, $0x7FFFF;
	[tilespmem:$0x6400] =	vst v2;
	v2 =	vsel vm13, v54, v3;
	v3 =	vadd.s32 $0xFFF80000, v4  }
0x19: {  	v56 =	vld [tilespmem:$0x80];
	vm15 =	vgt.s32 v5, $0x7FFFF;
	[tilespmem:$0x6410] =	vst v2;
	v2 =	vsel vm14, v3, v4;
	v3 =	vadd.s32 $0xFFF80000, v5  }
0x1a: {  	v57 =	vld [tilespmem:$0x90];
	vm4 =	vgt.s32 v6, $0x7FFFF;
	[tilespmem:$0x6420] =	vst v2;
	v2 =	vsel vm15, v3, v5;
	v3 =	vadd.s32 $0xFFF80000, v6  }
0x1b: {  	v58 =	vld [tilespmem:$0xA0];
	vm5 =	vgt.s32 v8, $0x7FFFF;
	[tilespmem:$0x6430] =	vst v2;
	v2 =	vsel vm4, v3, v6;
	v3 =	vadd.s32 $0xFFF80000, v8  }
0x1c: {  	v59 =	vld [tilespmem:$0xB0];
	vm6 =	vgt.s32 v9, $0x7FFFF;
	[tilespmem:$0x6440] =	vst v2;
	v2 =	vsel vm5, v3, v8;
	v3 =	vadd.s32 $0xFFF80000, v9  }
0x1d: {  	v60 =	vld [tilespmem:$0xC0];
	vm7 =	vgt.s32 v55, $0x7FFFF;
	[tilespmem:$0x6450] =	vst v2;
	v2 =	vsel vm6, v3, v9;
	v3 =	vadd.s32 $0xFFF80000, v55  }
0x1e: {  	v61 =	vld [tilespmem:$0xD0];
	vm8 =	vgt.s32 v56, $0x7FFFF;
	[tilespmem:$0x6460] =	vst v2;
	v2 =	vsel vm7, v3, v55;
	v3 =	vadd.s32 $0xFFF80000, v56  }
0x1f: {  	v62 =	vld [tilespmem:$0xE0];
	vm9 =	vgt.s32 v57, $0x7FFFF;
	[tilespmem:$0x6470] =	vst v2;
	v2 =	vsel vm8, v3, v56;
	v3 =	vadd.s32 $0xFFF80000, v57  }
0x20: {  	v63 =	vld [tilespmem:$0xF0];
	vm10 =	vgt.s32 v58, $0x7FFFF;
	[tilespmem:$0x6480] =	vst v2;
	v2 =	vsel vm9, v3, v57;
	v3 =	vadd.s32 $0xFFF80000, v58  }
0x21: {  	vm11 =	vgt.s32 v59, $0x7FFFF;
	[tilespmem:$0x6490] =	vst v2;
	v2 =	vsel vm10, v3, v58;
	v3 =	vadd.s32 $0xFFF80000, v59  }
0x22: {  	vm12 =	vgt.s32 v60, $0x7FFFF;
	[tilespmem:$0x64A0] =	vst v2;
	v2 =	vsel vm11, v3, v59;
	v3 =	vadd.s32 $0xFFF80000, v60  }
0x23: {  	vm13 =	vgt.s32 v61, $0x7FFFF;
	[tilespmem:$0x64B0] =	vst v2;
	v2 =	vsel vm12, v3, v60;
	v3 =	vadd.s32 $0xFFF80000, v61  }
0x24: {  	vm14 =	vgt.s32 v62, $0x7FFFF;
	[tilespmem:$0x64C0] =	vst v2;
	v2 =	vsel vm13, v3, v61;
	v3 =	vadd.s32 $0xFFF80000, v62  }
0x25: {  	vm15 =	vgt.s32 v63, $0x7FFFF;
	[tilespmem:$0x64D0] =	vst v2;
	v2 =	vsel vm14, v3, v62;
	v3 =	vadd.s32 $0xFFF80000, v63  }
0x26: {  	[tilespmem:$0x64E0] =	vst v2;
	v2 =	vsel vm15, v3, v63  }
0x27: {  	s23 =	simm.s32 $0x0;
	[tilespmem:$0x64F0] =	vst v2  }
0x28: {  	[tilespmem:s11], [sflag:$0x1] =	stream.indirect.gather [hbm4b:s4+s9], $0x80, s10, s9, $0xb8;
	[tilespmem:$0x1E600] =	vst v63  }
.LBB2_2:
0x29: {  	s26 =	sshll.u32 s23, $0x1  }
0x2a: {  	p0 =	seq.s32 s23, $0x0;
	s24 =	sor.u32 $0x1, s26  }
0x2b: {  	s29 =	simm.s32 $0x0;
	s28 =	simm.s32 @!p0 $0x4;
	s25 =	sshll.u32 s24, $0x8  }
0x2c: {  	s30 =	sand.u32 $0x80, s29;
	_ =	swait.ge @!p0 [sflag:s28], $0x4000;
	s25 =	sand.u32 $0x3FFFFF00, s25  }
0x2d: {  	s29 =	sand.u32 $0x70, s29;
	[sflag:s28] =	ssyncset.done @!p0 $0x0;
	s30 =	sadd.s32 s30, s25  }
0x2e: {  	[sflag:s28] =	ssyncadd.s32 @!p0 $0xFFFFC000;
	s28 =	sadd.s32 s29, s30  }
0x2f: {  	v2 =	vld [tilespmem:s28+$0x0];
	_ =	sdelay $0x3  }
0x30: {  	s30 =	simm.s32 $0x10  }
0x31: {  	s29 =	simm.s32 $0x20;
	s28 =	simm.s32 $0x6500;
	s31 =	sand.u32 $0x80, s30;
	vm0 =	vgt.s32 v2, $0x7FFFF;
	v3 =	vadd.s32 $0xFFF80000, v2  }
.LBB2_3:
0x32: {  	p0 =	sne.s32 s29, $0xF0;
	s30 =	sand.u32 $0x70, s30;
	s31 =	sadd.s32 s31, s25;
	v2 =	vsel vm0, v3, v2  }
0x33: {  	s31 =	sadd.s32 s30, s31;
	[tilespmem:s28+$0x0] =	vst v2;
	s30 =	smov.u32 s29  }
0x34: {  	v2 =	vld [tilespmem:s31+$0x0]  }
.Ltmp0:
0x35: {  	(pc) =	sbr.rel @p0 .LBB2_3-.Ltmp0, $2  }
0x36: {  	_ =	sdelay $0x2  }
0x37: {  	s29 =	sadd.s32 $0x10, s29;
	s28 =	sadd.s32 $0x10, s28;
	s31 =	sand.u32 $0x80, s30;
	vm0 =	vgt.s32 v2, $0x7FFFF;
	v3 =	vadd.s32 $0xFFF80000, v2  }
0x38: {  	s29 =	sand.u32 $0x70, s30;
	s30 =	sadd.s32 s31, s25;
	v2 =	vsel vm0, v3, v2  }
0x39: {  	s29 =	sadd.s32 s29, s30;
	[tilespmem:s28+$0x0] =	vst v2  }
0x3a: {  	v2 =	vld [tilespmem:s29+$0x0];
	_ =	sdelay $0x4  }
0x3b: {  	vm15 =	vgt.s32 v2, $0x7FFFF;
	v3 =	vadd.s32 $0xFFF80000, v2  }
0x3c: {  	s28 =	sadd.s32 $0x10, s28;
	v2 =	vsel vm15, v3, v2  }
0x3d: {  	[tilespmem:s28+$0x0] =	vst v2  }
0x3e: {  	[tilespmem:s13], [sflag:$0x2] =	stream.indirect.gather [hbm4b:s4+s9], $0x80, s12, s9, $0xb8;
	[tilespmem:$0x1E600] =	vst v63  }
0x3f: {  	_ =	swait.ge [sflag:s14], $0x8000  }
0x40: {  	s30 =	simm.s32 $0x0;
	s28 =	sshll.u32 s23, $0x9;
	[sflag:s14] =	ssyncset.done $0x0  }
0x41: {  	s29 =	simm.s32 $0x0;
	s28 =	sand.u32 $0x3FFFFE00, s28;
	[sflag:s14] =	ssyncadd.s32 $0xFFFF8000  }
.LBB2_5:
0x42: {  	s31 =	sand.u32 $0x80, s30  }
0x43: {  	s1 =	sand.u32 $0x70, s30;
	s31 =	sadd.s32 s31, s28  }
0x44: {  	s31 =	sadd.s32 s1, s31  }
0x45: {  	v2 =	vld [tilespmem:s31+$0x0];
	_ =	sdelay $0x3  }
0x46: {  	v3 =	vmov s30  }
0x47: {  	vm0 =	vgt.s32 v2, $0x7FFFF;
	v2 =	vshll.u32 v3, $0x7  }
0x48: {  	v3 =	vsel vm0, $0x40, v0;
	v2 =	vor.u32 v1, v2  }
0x49: {  	v2 =	vor.u32 v2, v3  }
0x4a: {  	v3 =	vor.u32 $0x1, v2  }
0x4b: {  	v4 =	vor.u32 $0x2, v2  }
0x4c: {  	v5 =	vor.u32 $0x3, v2  }
0x4d: {  	v6 =	vor.u32 $0x4, v2  }
0x4e: {  	v8 =	vor.u32 $0x5, v2;
	v7 =	vld.idx.msk [tilespmem:v2+s11+$0x0], $0xffff  }
0x4f: {  	v9 =	vor.u32 $0x6, v2;
	v3 =	vld.idx.msk [tilespmem:v3+s11+$0x0], $0xffff  }
0x50: {  	v10 =	vor.u32 $0x7, v2;
	v4 =	vld.idx.msk [tilespmem:v4+s11+$0x0], $0xffff  }
0x51: {  	v11 =	vor.u32 $0x8, v2;
	v5 =	vld.idx.msk [tilespmem:v5+s11+$0x0], $0xffff  }
0x52: {  	v12 =	vor.u32 $0x9, v2;
	v6 =	vld.idx.msk [tilespmem:v6+s11+$0x0], $0xffff  }
0x53: {  	v13 =	vor.u32 $0xA, v2;
	v8 =	vld.idx.msk [tilespmem:v8+s11+$0x0], $0xffff  }
0x54: {  	v14 =	vor.u32 $0xB, v2;
	v9 =	vld.idx.msk [tilespmem:v9+s11+$0x0], $0xffff  }
0x55: {  	v15 =	vor.u32 $0xC, v2;
	v10 =	vld.idx.msk [tilespmem:v10+s11+$0x0], $0xffff  }
0x56: {  	v16 =	vor.u32 $0xD, v2;
	v11 =	vld.idx.msk [tilespmem:v11+s11+$0x0], $0xffff  }
0x57: {  	v17 =	vor.u32 $0xE, v2;
	v12 =	vld.idx.msk [tilespmem:v12+s11+$0x0], $0xffff  }
0x58: {  	v18 =	vor.u32 $0xF, v2;
	v13 =	vld.idx.msk [tilespmem:v13+s11+$0x0], $0xffff  }
0x59: {  	v14 =	vld.idx.msk [tilespmem:v14+s11+$0x0], $0xffff  }
0x5a: {  	s31 =	sand.u32 $0x400, s29;
	v15 =	vld.idx.msk [tilespmem:v15+s11+$0x0], $0xffff  }
0x5b: {  	s31 =	sor.u32 s1, s31;
	v16 =	vld.idx.msk [tilespmem:v16+s11+$0x0], $0xffff;
	v3 =	vmul.f32 $1.250000000e-01, v3  }
0x5c: {  	s1 =	sadd.s32 $0x16600, s31;
	v17 =	vld.idx.msk [tilespmem:v17+s11+$0x0], $0xffff;
	v4 =	vmul.f32 $1.250000000e-01, v4  }
0x5d: {  	v18 =	vld.idx.msk [tilespmem:v18+s11+$0x0], $0xffff;
	v41 =	vmul.f32 $1.250000000e-01, v6;
	[tilespmem:s1+$0x80] =	vst v3  }
0x5e: {  	v3 =	vmul.f32 $1.250000000e-01, v5;
	[tilespmem:s1+$0x100] =	vst v4  }
0x5f: {  	v42 =	vmul.f32 $1.250000000e-01, v9;
	[tilespmem:s1+$0x200] =	vst v41  }
0x60: {  	[tilespmem:s1+$0x180] =	vst v3;
	v3 =	vmul.f32 $1.250000000e-01, v8  }
0x61: {  	v43 =	vmul.f32 $1.250000000e-01, v7;
	[tilespmem:s1+$0x300] =	vst v42  }
0x62: {  	[tilespmem:s1+$0x280] =	vst v3;
	v3 =	vmul.f32 $1.250000000e-01, v10;
	s1 =	sor.u32 s29, s30  }
0x63: {  	v44 =	vmul.f32 $1.250000000e-01, v11;
	[tilespmem:s31+$0x16600] =	vst v43;
	s1 =	sor.u32 $0x380, s1  }
0x64: {  	[tilespmem:s1+$0x16600] =	vst v3;
	v3 =	vmul.f32 $1.250000000e-01, v12  }
0x65: {  	v45 =	vmul.f32 $1.250000000e-01, v13;
	[tilespmem:s31+$0x16E00] =	vst v44  }
0x66: {  	[tilespmem:s31+$0x16E80] =	vst v3;
	v3 =	vmul.f32 $1.250000000e-01, v14  }
0x67: {  	v46 =	vmul.f32 $1.250000000e-01, v15;
	[tilespmem:s31+$0x16F00] =	vst v45  }
0x68: {  	v47 =	vor.u32 $0x10, v2;
	[tilespmem:s31+$0x16F80] =	vst v3;
	v3 =	vmul.f32 $1.250000000e-01, v16  }
0x69: {  	v49 =	vor.u32 $0x11, v2;
	v48 =	vmul.f32 $1.250000000e-01, v17;
	[tilespmem:s31+$0x17000] =	vst v46  }
0x6a: {  	v50 =	vor.u32 $0x12, v2;
	[tilespmem:s31+$0x17080] =	vst v3;
	v3 =	vmul.f32 $1.250000000e-01, v18  }
0x6b: {  	v51 =	vor.u32 $0x13, v2;
	[tilespmem:s31+$0x17100] =	vst v48  }
0x6c: {  	v52 =	vor.u32 $0x15, v2;
	[tilespmem:s31+$0x17180] =	vst v3  }
0x6d: {  	v53 =	vor.u32 $0x16, v2;
	v5 =	vld.idx.msk [tilespmem:v47+s11+$0x0], $0xffff  }
0x6e: {  	v54 =	vor.u32 $0x17, v2;
	v6 =	vld.idx.msk [tilespmem:v49+s11+$0x0], $0xffff  }
0x6f: {  	v55 =	vor.u32 $0x18, v2;
	v7 =	vld.idx.msk [tilespmem:v50+s11+$0x0], $0xffff  }
0x70: {  	v56 =	vor.u32 $0x19, v2;
	v4 =	vld.idx.msk [tilespmem:v51+s11+$0x0], $0xffff  }
0x71: {  	v57 =	vor.u32 $0x1A, v2;
	v8 =	vld.idx.msk [tilespmem:v52+s11+$0x0], $0xffff  }
0x72: {  	v58 =	vor.u32 $0x1B, v2;
	v9 =	vld.idx.msk [tilespmem:v53+s11+$0x0], $0xffff  }
0x73: {  	v59 =	vor.u32 $0x1C, v2;
	v10 =	vld.idx.msk [tilespmem:v54+s11+$0x0], $0xffff  }
0x74: {  	v60 =	vor.u32 $0x1D, v2;
	v11 =	vld.idx.msk [tilespmem:v55+s11+$0x0], $0xffff  }
0x75: {  	v3 =	vor.u32 $0x14, v2;
	v12 =	vld.idx.msk [tilespmem:v56+s11+$0x0], $0xffff  }
0x76: {  	v61 =	vor.u32 $0x1E, v2;
	v13 =	vld.idx.msk [tilespmem:v57+s11+$0x0], $0xffff  }
0x77: {  	v62 =	vor.u32 $0x1F, v2;
	v14 =	vld.idx.msk [tilespmem:v58+s11+$0x0], $0xffff  }
0x78: {  	v15 =	vld.idx.msk [tilespmem:v59+s11+$0x0], $0xffff  }
0x79: {  	v16 =	vld.idx.msk [tilespmem:v60+s11+$0x0], $0xffff  }
0x7a: {  	v3 =	vld.idx.msk [tilespmem:v3+s11+$0x0], $0xffff;
	v5 =	vmul.f32 $1.250000000e-01, v5  }
0x7b: {  	v17 =	vld.idx.msk [tilespmem:v61+s11+$0x0], $0xffff;
	v6 =	vmul.f32 $1.250000000e-01, v6  }
0x7c: {  	v18 =	vld.idx.msk [tilespmem:v62+s11+$0x0], $0xffff;
	v63 =	vmul.f32 $1.250000000e-01, v7;
	[tilespmem:s31+$0x17600] =	vst v5  }
0x7d: {  	v4 =	vmul.f32 $1.250000000e-01, v4;
	[tilespmem:s31+$0x17680] =	vst v6  }
0x7e: {  	v8 =	vmul.f32 $1.250000000e-01, v8;
	[tilespmem:s31+$0x17700] =	vst v63  }
0x7f: {  	[tilespmem:s31+$0x17780] =	vst v4;
	v3 =	vmul.f32 $1.250000000e-01, v3  }
0x80: {  	v10 =	vmul.f32 $1.250000000e-01, v10;
	[tilespmem:s31+$0x17880] =	vst v8  }
0x81: {  	[tilespmem:s31+$0x17800] =	vst v3;
	v3 =	vmul.f32 $1.250000000e-01, v9  }
0x82: {  	v19 =	vmul.f32 $1.250000000e-01, v12;
	[tilespmem:s31+$0x17980] =	vst v10  }
0x83: {  	[tilespmem:s31+$0x17900] =	vst v3;
	v3 =	vmul.f32 $1.250000000e-01, v11  }
0x84: {  	v20 =	vmul.f32 $1.250000000e-01, v14;
	[tilespmem:s31+$0x17E80] =	vst v19  }
0x85: {  	[tilespmem:s31+$0x17E00] =	vst v3;
	v3 =	vmul.f32 $1.250000000e-01, v13  }
0x86: {  	v21 =	vmul.f32 $1.250000000e-01, v16;
	[tilespmem:s31+$0x17F80] =	vst v20  }
0x87: {  	v22 =	vor.u32 $0x20, v2;
	[tilespmem:s31+$0x17F00] =	vst v3;
	v3 =	vmul.f32 $1.250000000e-01, v15  }
0x88: {  	v23 =	vor.u32 $0x21, v2;
	v24 =	vmul.f32 $1.250000000e-01, v18;
	[tilespmem:s31+$0x18080] =	vst v21  }
0x89: {  	v25 =	vor.u32 $0x22, v2;
	[tilespmem:s31+$0x18000] =	vst v3;
	v3 =	vmul.f32 $1.250000000e-01, v17  }
0x8a: {  	v26 =	vor.u32 $0x24, v2;
	[tilespmem:s31+$0x18180] =	vst v24  }
0x8b: {  	v27 =	vor.u32 $0x25, v2;
	[tilespmem:s31+$0x18100] =	vst v3  }
0x8c: {  	v28 =	vor.u32 $0x26, v2;
	v5 =	vld.idx.msk [tilespmem:v22+s11+$0x0], $0xffff  }
0x8d: {  	v29 =	vor.u32 $0x27, v2;
	v6 =	vld.idx.msk [tilespmem:v23+s11+$0x0], $0xffff  }
0x8e: {  	v30 =	vor.u32 $0x28, v2;
	v7 =	vld.idx.msk [tilespmem:v25+s11+$0x0], $0xffff  }
0x8f: {  	v31 =	vor.u32 $0x29, v2;
	v4 =	vld.idx.msk [tilespmem:v26+s11+$0x0], $0xffff  }
0x90: {  	v32 =	vor.u32 $0x2A, v2;
	v8 =	vld.idx.msk [tilespmem:v27+s11+$0x0], $0xffff  }
0x91: {  	v33 =	vor.u32 $0x2B, v2;
	v9 =	vld.idx.msk [tilespmem:v28+s11+$0x0], $0xffff  }
0x92: {  	v3 =	vor.u32 $0x23, v2;
	v10 =	vld.idx.msk [tilespmem:v29+s11+$0x0], $0xffff  }
0x93: {  	v34 =	vor.u32 $0x2C, v2;
	v11 =	vld.idx.msk [tilespmem:v30+s11+$0x0], $0xffff  }
0x94: {  	v35 =	vor.u32 $0x2D, v2;
	v12 =	vld.idx.msk [tilespmem:v31+s11+$0x0], $0xffff  }
0x95: {  	v36 =	vor.u32 $0x2E, v2;
	v13 =	vld.idx.msk [tilespmem:v32+s11+$0x0], $0xffff  }
0x96: {  	v37 =	vor.u32 $0x2F, v2;
	v14 =	vld.idx.msk [tilespmem:v33+s11+$0x0], $0xffff  }
0x97: {  	v3 =	vld.idx.msk [tilespmem:v3+s11+$0x0], $0xffff  }
0x98: {  	v15 =	vld.idx.msk [tilespmem:v34+s11+$0x0], $0xffff  }
0x99: {  	v16 =	vld.idx.msk [tilespmem:v35+s11+$0x0], $0xffff;
	v5 =	vmul.f32 $1.250000000e-01, v5  }
0x9a: {  	v17 =	vld.idx.msk [tilespmem:v36+s11+$0x0], $0xffff;
	v6 =	vmul.f32 $1.250000000e-01, v6  }
0x9b: {  	v18 =	vld.idx.msk [tilespmem:v37+s11+$0x0], $0xffff;
	v38 =	vmul.f32 $1.250000000e-01, v7;
	[tilespmem:s31+$0x18600] =	vst v5  }
0x9c: {  	[tilespmem:s31+$0x18680] =	vst v6;
	v3 =	vmul.f32 $1.250000000e-01, v3  }
0x9d: {  	v4 =	vmul.f32 $1.250000000e-01, v4;
	[tilespmem:s31+$0x18700] =	vst v38  }
0x9e: {  	[tilespmem:s31+$0x18780] =	vst v3;
	v3 =	vmul.f32 $1.250000000e-01, v8  }
0x9f: {  	v39 =	vmul.f32 $1.250000000e-01, v9;
	[tilespmem:s31+$0x18800] =	vst v4  }
0xa0: {  	[tilespmem:s31+$0x18880] =	vst v3;
	v3 =	vmul.f32 $1.250000000e-01, v10  }
0xa1: {  	v40 =	vmul.f32 $1.250000000e-01, v11;
	[tilespmem:s31+$0x18900] =	vst v39  }
0xa2: {  	[tilespmem:s31+$0x18980] =	vst v3;
	v3 =	vmul.f32 $1.250000000e-01, v12  }
0xa3: {  	v41 =	vmul.f32 $1.250000000e-01, v13;
	[tilespmem:s31+$0x18E00] =	vst v40  }
0xa4: {  	[tilespmem:s31+$0x18E80] =	vst v3;
	v3 =	vmul.f32 $1.250000000e-01, v14  }
0xa5: {  	v42 =	vmul.f32 $1.250000000e-01, v15;
	[tilespmem:s31+$0x18F00] =	vst v41  }
0xa6: {  	v43 =	vor.u32 $0x30, v2;
	[tilespmem:s31+$0x18F80] =	vst v3;
	v3 =	vmul.f32 $1.250000000e-01, v16  }
0xa7: {  	v45 =	vor.u32 $0x31, v2;
	v44 =	vmul.f32 $1.250000000e-01, v17;
	[tilespmem:s31+$0x19000] =	vst v42  }
0xa8: {  	v46 =	vor.u32 $0x32, v2;
	[tilespmem:s31+$0x19080] =	vst v3;
	v3 =	vmul.f32 $1.250000000e-01, v18  }
0xa9: {  	v47 =	vor.u32 $0x33, v2;
	[tilespmem:s31+$0x19100] =	vst v44  }
0xaa: {  	v48 =	vor.u32 $0x35, v2;
	[tilespmem:s31+$0x19180] =	vst v3  }
0xab: {  	v49 =	vor.u32 $0x36, v2;
	v5 =	vld.idx.msk [tilespmem:v43+s11+$0x0], $0xffff  }
0xac: {  	v50 =	vor.u32 $0x37, v2;
	v6 =	vld.idx.msk [tilespmem:v45+s11+$0x0], $0xffff  }
0xad: {  	v51 =	vor.u32 $0x38, v2;
	v7 =	vld.idx.msk [tilespmem:v46+s11+$0x0], $0xffff  }
0xae: {  	v52 =	vor.u32 $0x39, v2;
	v4 =	vld.idx.msk [tilespmem:v47+s11+$0x0], $0xffff  }
0xaf: {  	v53 =	vor.u32 $0x3A, v2;
	v8 =	vld.idx.msk [tilespmem:v48+s11+$0x0], $0xffff  }
0xb0: {  	v54 =	vor.u32 $0x3B, v2;
	v9 =	vld.idx.msk [tilespmem:v49+s11+$0x0], $0xffff  }
0xb1: {  	v55 =	vor.u32 $0x3C, v2;
	v10 =	vld.idx.msk [tilespmem:v50+s11+$0x0], $0xffff  }
0xb2: {  	v56 =	vor.u32 $0x3D, v2;
	v11 =	vld.idx.msk [tilespmem:v51+s11+$0x0], $0xffff  }
0xb3: {  	v3 =	vor.u32 $0x34, v2;
	v12 =	vld.idx.msk [tilespmem:v52+s11+$0x0], $0xffff  }
0xb4: {  	v57 =	vor.u32 $0x3E, v2;
	v13 =	vld.idx.msk [tilespmem:v53+s11+$0x0], $0xffff  }
0xb5: {  	v2 =	vor.u32 $0x3F, v2;
	v14 =	vld.idx.msk [tilespmem:v54+s11+$0x0], $0xffff  }
0xb6: {  	v15 =	vld.idx.msk [tilespmem:v55+s11+$0x0], $0xffff  }
0xb7: {  	v16 =	vld.idx.msk [tilespmem:v56+s11+$0x0], $0xffff  }
0xb8: {  	v3 =	vld.idx.msk [tilespmem:v3+s11+$0x0], $0xffff;
	v5 =	vmul.f32 $1.250000000e-01, v5  }
0xb9: {  	v17 =	vld.idx.msk [tilespmem:v57+s11+$0x0], $0xffff;
	v6 =	vmul.f32 $1.250000000e-01, v6  }
0xba: {  	v2 =	vld.idx.msk [tilespmem:v2+s11+$0x0], $0xffff;
	v58 =	vmul.f32 $1.250000000e-01, v7;
	[tilespmem:s31+$0x19600] =	vst v5  }
0xbb: {  	v4 =	vmul.f32 $1.250000000e-01, v4;
	[tilespmem:s31+$0x19680] =	vst v6  }
0xbc: {  	v59 =	vmul.f32 $1.250000000e-01, v8;
	[tilespmem:s31+$0x19700] =	vst v58  }
0xbd: {  	[tilespmem:s31+$0x19780] =	vst v4;
	v3 =	vmul.f32 $1.250000000e-01, v3  }
0xbe: {  	v60 =	vmul.f32 $1.250000000e-01, v10;
	[tilespmem:s31+$0x19880] =	vst v59  }
0xbf: {  	[tilespmem:s31+$0x19800] =	vst v3;
	v3 =	vmul.f32 $1.250000000e-01, v9  }
0xc0: {  	v61 =	vmul.f32 $1.250000000e-01, v12;
	[tilespmem:s31+$0x19980] =	vst v60  }
0xc1: {  	[tilespmem:s31+$0x19900] =	vst v3;
	v3 =	vmul.f32 $1.250000000e-01, v11  }
0xc2: {  	v62 =	vmul.f32 $1.250000000e-01, v14;
	[tilespmem:s31+$0x19E80] =	vst v61  }
0xc3: {  	[tilespmem:s31+$0x19E00] =	vst v3;
	v3 =	vmul.f32 $1.250000000e-01, v13  }
0xc4: {  	p0 =	sne.s32 s30, $0xF0;
	v63 =	vmul.f32 $1.250000000e-01, v16;
	[tilespmem:s31+$0x19F80] =	vst v62  }
.Ltmp1:
0xc5: {  	[tilespmem:s31+$0x19F00] =	vst v3;
	v3 =	vmul.f32 $1.250000000e-01, v15;
	(pc) =	sbr.rel @p0 .LBB2_5-.Ltmp1, $4  }
0xc6: {  	[tilespmem:s31+$0x1A080] =	vst v63;
	v2 =	vmul.f32 $1.250000000e-01, v2  }
0xc7: {  	[tilespmem:s31+$0x1A000] =	vst v3;
	v3 =	vmul.f32 $1.250000000e-01, v17  }
0xc8: {  	[tilespmem:s31+$0x1A180] =	vst v2  }
0xc9: {  	s29 =	sadd.s32 $0x80, s29;
	s30 =	sadd.s32 $0x10, s30;
	[tilespmem:s31+$0x1A100] =	vst v3  }
0xca: {  	s1 =	sadd.s32 s5, s26;
	p0 =	seq.s32 s23, $0x31  }
.Ltmp2:
0xcb: {  	s26 =	sshll.u32 s1, $0x8;
	(pc) =	sbr.rel @p0 .LBB2_10-.Ltmp2, $4  }
0xcc: {  	s1 =	sshll.u32 s1, $0xB;
	s26 =	sand.u32 $0xE00, s26  }
0xcd: {  	s1 =	sand.u32 $0xFFF8000, s1;
	s26 =	sadd.s32 s2, s26  }
0xce: {  	s1 =	sadd.s32 s1, s26  }
0xcf: {  	[hbm4b:s1+s15] =	stream.strided.scatter [tilespmem:s17], [sflag:$0x3], $0x4000, s16, s15, $0x38;
	[tilespmem:$0x1E600] =	vst v63  }
0xd0: {  	s1 =	simm.s32 $0x0  }
0xd1: {  	_ =	swait.ge [sflag:s20], $0x4000;
	s26 =	sadd.s32 $0x200, s28;
	s28 =	sand.u32 $0x80, s1  }
0xd2: {  	[sflag:s20] =	ssyncset.done $0x0;
	s1 =	sand.u32 $0x70, s1;
	s28 =	sadd.s32 s28, s26  }
0xd3: {  	[sflag:s20] =	ssyncadd.s32 $0xFFFFC000;
	s1 =	sadd.s32 s1, s28  }
0xd4: {  	v2 =	vld [tilespmem:s1+$0x0];
	_ =	sdelay $0x3  }
0xd5: {  	s30 =	simm.s32 $0x10  }
0xd6: {  	s29 =	simm.s32 $0x20;
	s31 =	sand.u32 $0x80, s30;
	s28 =	simm.s32 $0x6400;
	vm0 =	vgt.s32 v2, $0x7FFFF;
	v3 =	vadd.s32 $0xFFF80000, v2  }
.LBB2_8:
0xd7: {  	p0 =	sne.s32 s29, $0xF0;
	s1 =	sand.u32 $0x70, s30;
	s30 =	sadd.s32 s31, s26;
	v2 =	vsel vm0, v3, v2  }
0xd8: {  	s1 =	sadd.s32 s1, s30;
	[tilespmem:s28+$0x0] =	vst v2;
	s30 =	smov.u32 s29  }
0xd9: {  	v2 =	vld [tilespmem:s1+$0x0]  }
.Ltmp3:
0xda: {  	(pc) =	sbr.rel @p0 .LBB2_8-.Ltmp3, $2  }
0xdb: {  	_ =	sdelay $0x2  }
0xdc: {  	s29 =	sadd.s32 $0x10, s29;
	s28 =	sadd.s32 $0x10, s28;
	s31 =	sand.u32 $0x80, s30;
	vm0 =	vgt.s32 v2, $0x7FFFF;
	v3 =	vadd.s32 $0xFFF80000, v2  }
0xdd: {  	s1 =	sand.u32 $0x70, s30;
	s26 =	sadd.s32 s31, s26;
	v2 =	vsel vm0, v3, v2  }
0xde: {  	s1 =	sadd.s32 s1, s26;
	[tilespmem:s28+$0x0] =	vst v2  }
0xdf: {  	v2 =	vld [tilespmem:s1+$0x0];
	_ =	sdelay $0x4  }
0xe0: {  	vm15 =	vgt.s32 v2, $0x7FFFF;
	v3 =	vadd.s32 $0xFFF80000, v2  }
0xe1: {  	s31 =	sadd.s32 $0x10, s28;
	v2 =	vsel vm15, v3, v2  }
0xe2: {  	[tilespmem:s31+$0x0] =	vst v2  }
0xe3: {  	[tilespmem:s11], [sflag:$0x1] =	stream.indirect.gather [hbm4b:s4+s9], $0x80, s10, s9, $0xb8;
	[tilespmem:$0x1E600] =	vst v63  }
.LBB2_10:
0xe4: {  	_ =	swait.ge [sflag:s18], $0x8000  }
0xe5: {  	[sflag:s18] =	ssyncset.done $0x0  }
0xe6: {  	s26 =	simm.s32 $0x0;
	s28 =	simm.s32 $0x0;
	[sflag:s18] =	ssyncadd.s32 $0xFFFF8000  }
.LBB2_11:
0xe7: {  	s1 =	sand.u32 $0x80, s28  }
0xe8: {  	s29 =	sand.u32 $0x70, s28;
	s1 =	sadd.s32 s1, s25  }
0xe9: {  	s1 =	sadd.s32 s29, s1  }
0xea: {  	v2 =	vld [tilespmem:s1+$0x0];
	_ =	sdelay $0x3  }
0xeb: {  	v3 =	vmov s28  }
0xec: {  	vm0 =	vgt.s32 v2, $0x7FFFF;
	v2 =	vshll.u32 v3, $0x7  }
0xed: {  	v3 =	vsel vm0, $0x40, v0;
	v2 =	vor.u32 v1, v2  }
0xee: {  	v2 =	vor.u32 v2, v3  }
0xef: {  	v3 =	vor.u32 $0x1, v2  }
0xf0: {  	v4 =	vor.u32 $0x2, v2  }
0xf1: {  	v5 =	vor.u32 $0x3, v2  }
0xf2: {  	v6 =	vor.u32 $0x4, v2  }
0xf3: {  	v8 =	vor.u32 $0x5, v2;
	v7 =	vld.idx.msk [tilespmem:v2+s13+$0x0], $0xffff  }
0xf4: {  	v9 =	vor.u32 $0x6, v2;
	v3 =	vld.idx.msk [tilespmem:v3+s13+$0x0], $0xffff  }
0xf5: {  	v10 =	vor.u32 $0x7, v2;
	v4 =	vld.idx.msk [tilespmem:v4+s13+$0x0], $0xffff  }
0xf6: {  	v11 =	vor.u32 $0x8, v2;
	v5 =	vld.idx.msk [tilespmem:v5+s13+$0x0], $0xffff  }
0xf7: {  	v12 =	vor.u32 $0x9, v2;
	v6 =	vld.idx.msk [tilespmem:v6+s13+$0x0], $0xffff  }
0xf8: {  	v13 =	vor.u32 $0xA, v2;
	v8 =	vld.idx.msk [tilespmem:v8+s13+$0x0], $0xffff  }
0xf9: {  	v14 =	vor.u32 $0xB, v2;
	v9 =	vld.idx.msk [tilespmem:v9+s13+$0x0], $0xffff  }
0xfa: {  	v15 =	vor.u32 $0xC, v2;
	v10 =	vld.idx.msk [tilespmem:v10+s13+$0x0], $0xffff  }
0xfb: {  	v16 =	vor.u32 $0xD, v2;
	v11 =	vld.idx.msk [tilespmem:v11+s13+$0x0], $0xffff  }
0xfc: {  	v17 =	vor.u32 $0xE, v2;
	v12 =	vld.idx.msk [tilespmem:v12+s13+$0x0], $0xffff  }
0xfd: {  	v18 =	vor.u32 $0xF, v2;
	v13 =	vld.idx.msk [tilespmem:v13+s13+$0x0], $0xffff  }
0xfe: {  	v14 =	vld.idx.msk [tilespmem:v14+s13+$0x0], $0xffff  }
0xff: {  	v15 =	vld.idx.msk [tilespmem:v15+s13+$0x0], $0xffff  }
0x100: {  	s31 =	sand.u32 $0x400, s26;
	v16 =	vld.idx.msk [tilespmem:v16+s13+$0x0], $0xffff;
	v7 =	vmul.f32 $1.250000000e-01, v7  }
0x101: {  	s29 =	sor.u32 s29, s31;
	v17 =	vld.idx.msk [tilespmem:v17+s13+$0x0], $0xffff;
	v3 =	vmul.f32 $1.250000000e-01, v3  }
0x102: {  	v18 =	vld.idx.msk [tilespmem:v18+s13+$0x0], $0xffff;
	v4 =	vmul.f32 $1.250000000e-01, v4;
	[tilespmem:s29+$0x1A600] =	vst v7  }
0x103: {  	[tilespmem:s29+$0x1A680] =	vst v3;
	v3 =	vmul.f32 $1.250000000e-01, v5  }
0x104: {  	v42 =	vmul.f32 $1.250000000e-01, v6;
	[tilespmem:s29+$0x1A700] =	vst v4  }
0x105: {  	[tilespmem:s29+$0x1A780] =	vst v3;
	v3 =	vmul.f32 $1.250000000e-01, v8  }
0x106: {  	v43 =	vmul.f32 $1.250000000e-01, v9;
	[tilespmem:s29+$0x1A800] =	vst v42  }
0x107: {  	[tilespmem:s29+$0x1A880] =	vst v3;
	v3 =	vmul.f32 $1.250000000e-01, v10  }
0x108: {  	v44 =	vmul.f32 $1.250000000e-01, v11;
	[tilespmem:s29+$0x1A900] =	vst v43  }
0x109: {  	[tilespmem:s29+$0x1A980] =	vst v3;
	v3 =	vmul.f32 $1.250000000e-01, v12  }
0x10a: {  	v45 =	vmul.f32 $1.250000000e-01, v13;
	[tilespmem:s29+$0x1AE00] =	vst v44  }
0x10b: {  	[tilespmem:s29+$0x1AE80] =	vst v3;
	v3 =	vmul.f32 $1.250000000e-01, v14  }
0x10c: {  	v46 =	vmul.f32 $1.250000000e-01, v15;
	[tilespmem:s29+$0x1AF00] =	vst v45  }
0x10d: {  	v47 =	vor.u32 $0x10, v2;
	[tilespmem:s29+$0x1AF80] =	vst v3;
	v3 =	vmul.f32 $1.250000000e-01, v16  }
0x10e: {  	v49 =	vor.u32 $0x11, v2;
	v48 =	vmul.f32 $1.250000000e-01, v17;
	[tilespmem:s29+$0x1B000] =	vst v46  }
0x10f: {  	v50 =	vor.u32 $0x12, v2;
	[tilespmem:s29+$0x1B080] =	vst v3;
	v3 =	vmul.f32 $1.250000000e-01, v18  }
0x110: {  	v51 =	vor.u32 $0x13, v2;
	[tilespmem:s29+$0x1B100] =	vst v48  }
0x111: {  	v52 =	vor.u32 $0x15, v2;
	[tilespmem:s29+$0x1B180] =	vst v3  }
0x112: {  	v53 =	vor.u32 $0x16, v2;
	v5 =	vld.idx.msk [tilespmem:v47+s13+$0x0], $0xffff  }
0x113: {  	v54 =	vor.u32 $0x17, v2;
	v6 =	vld.idx.msk [tilespmem:v49+s13+$0x0], $0xffff  }
0x114: {  	v55 =	vor.u32 $0x18, v2;
	v7 =	vld.idx.msk [tilespmem:v50+s13+$0x0], $0xffff  }
0x115: {  	v56 =	vor.u32 $0x19, v2;
	v4 =	vld.idx.msk [tilespmem:v51+s13+$0x0], $0xffff  }
0x116: {  	v57 =	vor.u32 $0x1A, v2;
	v8 =	vld.idx.msk [tilespmem:v52+s13+$0x0], $0xffff  }
0x117: {  	v58 =	vor.u32 $0x1B, v2;
	v9 =	vld.idx.msk [tilespmem:v53+s13+$0x0], $0xffff  }
0x118: {  	v59 =	vor.u32 $0x1C, v2;
	v10 =	vld.idx.msk [tilespmem:v54+s13+$0x0], $0xffff  }
0x119: {  	v60 =	vor.u32 $0x1D, v2;
	v11 =	vld.idx.msk [tilespmem:v55+s13+$0x0], $0xffff  }
0x11a: {  	v3 =	vor.u32 $0x14, v2;
	v12 =	vld.idx.msk [tilespmem:v56+s13+$0x0], $0xffff  }
0x11b: {  	v61 =	vor.u32 $0x1E, v2;
	v13 =	vld.idx.msk [tilespmem:v57+s13+$0x0], $0xffff  }
0x11c: {  	v62 =	vor.u32 $0x1F, v2;
	v14 =	vld.idx.msk [tilespmem:v58+s13+$0x0], $0xffff  }
0x11d: {  	v15 =	vld.idx.msk [tilespmem:v59+s13+$0x0], $0xffff  }
0x11e: {  	v16 =	vld.idx.msk [tilespmem:v60+s13+$0x0], $0xffff  }
0x11f: {  	v3 =	vld.idx.msk [tilespmem:v3+s13+$0x0], $0xffff;
	v5 =	vmul.f32 $1.250000000e-01, v5  }
0x120: {  	v17 =	vld.idx.msk [tilespmem:v61+s13+$0x0], $0xffff;
	v6 =	vmul.f32 $1.250000000e-01, v6  }
0x121: {  	v18 =	vld.idx.msk [tilespmem:v62+s13+$0x0], $0xffff;
	v63 =	vmul.f32 $1.250000000e-01, v7;
	[tilespmem:s29+$0x1B600] =	vst v5  }
0x122: {  	v4 =	vmul.f32 $1.250000000e-01, v4;
	[tilespmem:s29+$0x1B680] =	vst v6  }
0x123: {  	v8 =	vmul.f32 $1.250000000e-01, v8;
	[tilespmem:s29+$0x1B700] =	vst v63  }
0x124: {  	[tilespmem:s29+$0x1B780] =	vst v4;
	v3 =	vmul.f32 $1.250000000e-01, v3  }
0x125: {  	v10 =	vmul.f32 $1.250000000e-01, v10;
	[tilespmem:s29+$0x1B880] =	vst v8  }
0x126: {  	[tilespmem:s29+$0x1B800] =	vst v3;
	v3 =	vmul.f32 $1.250000000e-01, v9  }
0x127: {  	v19 =	vmul.f32 $1.250000000e-01, v12;
	[tilespmem:s29+$0x1B980] =	vst v10  }
0x128: {  	[tilespmem:s29+$0x1B900] =	vst v3;
	v3 =	vmul.f32 $1.250000000e-01, v11  }
0x129: {  	v20 =	vmul.f32 $1.250000000e-01, v14;
	[tilespmem:s29+$0x1BE80] =	vst v19  }
0x12a: {  	[tilespmem:s29+$0x1BE00] =	vst v3;
	v3 =	vmul.f32 $1.250000000e-01, v13  }
0x12b: {  	v21 =	vmul.f32 $1.250000000e-01, v16;
	[tilespmem:s29+$0x1BF80] =	vst v20  }
0x12c: {  	v22 =	vor.u32 $0x20, v2;
	[tilespmem:s29+$0x1BF00] =	vst v3;
	v3 =	vmul.f32 $1.250000000e-01, v15  }
0x12d: {  	v23 =	vor.u32 $0x21, v2;
	v24 =	vmul.f32 $1.250000000e-01, v18;
	[tilespmem:s29+$0x1C080] =	vst v21  }
0x12e: {  	v25 =	vor.u32 $0x22, v2;
	[tilespmem:s29+$0x1C000] =	vst v3;
	v3 =	vmul.f32 $1.250000000e-01, v17  }
0x12f: {  	v26 =	vor.u32 $0x24, v2;
	[tilespmem:s29+$0x1C180] =	vst v24  }
0x130: {  	v27 =	vor.u32 $0x25, v2;
	[tilespmem:s29+$0x1C100] =	vst v3  }
0x131: {  	v28 =	vor.u32 $0x26, v2;
	v5 =	vld.idx.msk [tilespmem:v22+s13+$0x0], $0xffff  }
0x132: {  	v29 =	vor.u32 $0x27, v2;
	v6 =	vld.idx.msk [tilespmem:v23+s13+$0x0], $0xffff  }
0x133: {  	v30 =	vor.u32 $0x28, v2;
	v7 =	vld.idx.msk [tilespmem:v25+s13+$0x0], $0xffff  }
0x134: {  	v31 =	vor.u32 $0x29, v2;
	v4 =	vld.idx.msk [tilespmem:v26+s13+$0x0], $0xffff  }
0x135: {  	v32 =	vor.u32 $0x2A, v2;
	v8 =	vld.idx.msk [tilespmem:v27+s13+$0x0], $0xffff  }
0x136: {  	v33 =	vor.u32 $0x2B, v2;
	v9 =	vld.idx.msk [tilespmem:v28+s13+$0x0], $0xffff  }
0x137: {  	v3 =	vor.u32 $0x23, v2;
	v10 =	vld.idx.msk [tilespmem:v29+s13+$0x0], $0xffff  }
0x138: {  	v34 =	vor.u32 $0x2C, v2;
	v11 =	vld.idx.msk [tilespmem:v30+s13+$0x0], $0xffff  }
0x139: {  	v35 =	vor.u32 $0x2D, v2;
	v12 =	vld.idx.msk [tilespmem:v31+s13+$0x0], $0xffff  }
0x13a: {  	v36 =	vor.u32 $0x2E, v2;
	v13 =	vld.idx.msk [tilespmem:v32+s13+$0x0], $0xffff  }
0x13b: {  	v37 =	vor.u32 $0x2F, v2;
	v14 =	vld.idx.msk [tilespmem:v33+s13+$0x0], $0xffff  }
0x13c: {  	v3 =	vld.idx.msk [tilespmem:v3+s13+$0x0], $0xffff  }
0x13d: {  	v15 =	vld.idx.msk [tilespmem:v34+s13+$0x0], $0xffff  }
0x13e: {  	v16 =	vld.idx.msk [tilespmem:v35+s13+$0x0], $0xffff;
	v5 =	vmul.f32 $1.250000000e-01, v5  }
0x13f: {  	v17 =	vld.idx.msk [tilespmem:v36+s13+$0x0], $0xffff;
	v6 =	vmul.f32 $1.250000000e-01, v6  }
0x140: {  	v18 =	vld.idx.msk [tilespmem:v37+s13+$0x0], $0xffff;
	v38 =	vmul.f32 $1.250000000e-01, v7;
	[tilespmem:s29+$0x1C600] =	vst v5  }
0x141: {  	[tilespmem:s29+$0x1C680] =	vst v6;
	v3 =	vmul.f32 $1.250000000e-01, v3  }
0x142: {  	v4 =	vmul.f32 $1.250000000e-01, v4;
	[tilespmem:s29+$0x1C700] =	vst v38  }
0x143: {  	[tilespmem:s29+$0x1C780] =	vst v3;
	v3 =	vmul.f32 $1.250000000e-01, v8  }
0x144: {  	v39 =	vmul.f32 $1.250000000e-01, v9;
	[tilespmem:s29+$0x1C800] =	vst v4  }
0x145: {  	[tilespmem:s29+$0x1C880] =	vst v3;
	v3 =	vmul.f32 $1.250000000e-01, v10  }
0x146: {  	v40 =	vmul.f32 $1.250000000e-01, v11;
	[tilespmem:s29+$0x1C900] =	vst v39  }
0x147: {  	[tilespmem:s29+$0x1C980] =	vst v3;
	v3 =	vmul.f32 $1.250000000e-01, v12  }
0x148: {  	v41 =	vmul.f32 $1.250000000e-01, v13;
	[tilespmem:s29+$0x1CE00] =	vst v40  }
0x149: {  	[tilespmem:s29+$0x1CE80] =	vst v3;
	v3 =	vmul.f32 $1.250000000e-01, v14  }
0x14a: {  	v42 =	vmul.f32 $1.250000000e-01, v15;
	[tilespmem:s29+$0x1CF00] =	vst v41  }
0x14b: {  	v43 =	vor.u32 $0x30, v2;
	[tilespmem:s29+$0x1CF80] =	vst v3;
	v3 =	vmul.f32 $1.250000000e-01, v16  }
0x14c: {  	v45 =	vor.u32 $0x31, v2;
	v44 =	vmul.f32 $1.250000000e-01, v17;
	[tilespmem:s29+$0x1D000] =	vst v42  }
0x14d: {  	v46 =	vor.u32 $0x32, v2;
	[tilespmem:s29+$0x1D080] =	vst v3;
	v3 =	vmul.f32 $1.250000000e-01, v18  }
0x14e: {  	v47 =	vor.u32 $0x33, v2;
	[tilespmem:s29+$0x1D100] =	vst v44  }
0x14f: {  	v48 =	vor.u32 $0x35, v2;
	[tilespmem:s29+$0x1D180] =	vst v3  }
0x150: {  	v49 =	vor.u32 $0x36, v2;
	v5 =	vld.idx.msk [tilespmem:v43+s13+$0x0], $0xffff  }
0x151: {  	v50 =	vor.u32 $0x37, v2;
	v6 =	vld.idx.msk [tilespmem:v45+s13+$0x0], $0xffff  }
0x152: {  	v51 =	vor.u32 $0x38, v2;
	v7 =	vld.idx.msk [tilespmem:v46+s13+$0x0], $0xffff  }
0x153: {  	v52 =	vor.u32 $0x39, v2;
	v4 =	vld.idx.msk [tilespmem:v47+s13+$0x0], $0xffff  }
0x154: {  	v53 =	vor.u32 $0x3A, v2;
	v8 =	vld.idx.msk [tilespmem:v48+s13+$0x0], $0xffff  }
0x155: {  	v54 =	vor.u32 $0x3B, v2;
	v9 =	vld.idx.msk [tilespmem:v49+s13+$0x0], $0xffff  }
0x156: {  	v55 =	vor.u32 $0x3C, v2;
	v10 =	vld.idx.msk [tilespmem:v50+s13+$0x0], $0xffff  }
0x157: {  	v56 =	vor.u32 $0x3D, v2;
	v11 =	vld.idx.msk [tilespmem:v51+s13+$0x0], $0xffff  }
0x158: {  	v3 =	vor.u32 $0x34, v2;
	v12 =	vld.idx.msk [tilespmem:v52+s13+$0x0], $0xffff  }
0x159: {  	v57 =	vor.u32 $0x3E, v2;
	v13 =	vld.idx.msk [tilespmem:v53+s13+$0x0], $0xffff  }
0x15a: {  	v2 =	vor.u32 $0x3F, v2;
	v14 =	vld.idx.msk [tilespmem:v54+s13+$0x0], $0xffff  }
0x15b: {  	v15 =	vld.idx.msk [tilespmem:v55+s13+$0x0], $0xffff  }
0x15c: {  	v16 =	vld.idx.msk [tilespmem:v56+s13+$0x0], $0xffff  }
0x15d: {  	v3 =	vld.idx.msk [tilespmem:v3+s13+$0x0], $0xffff;
	v5 =	vmul.f32 $1.250000000e-01, v5  }
0x15e: {  	v17 =	vld.idx.msk [tilespmem:v57+s13+$0x0], $0xffff;
	v6 =	vmul.f32 $1.250000000e-01, v6  }
0x15f: {  	v2 =	vld.idx.msk [tilespmem:v2+s13+$0x0], $0xffff;
	v58 =	vmul.f32 $1.250000000e-01, v7;
	[tilespmem:s29+$0x1D600] =	vst v5  }
0x160: {  	v4 =	vmul.f32 $1.250000000e-01, v4;
	[tilespmem:s29+$0x1D680] =	vst v6  }
0x161: {  	v59 =	vmul.f32 $1.250000000e-01, v8;
	[tilespmem:s29+$0x1D700] =	vst v58  }
0x162: {  	[tilespmem:s29+$0x1D780] =	vst v4;
	v3 =	vmul.f32 $1.250000000e-01, v3  }
0x163: {  	v60 =	vmul.f32 $1.250000000e-01, v10;
	[tilespmem:s29+$0x1D880] =	vst v59  }
0x164: {  	[tilespmem:s29+$0x1D800] =	vst v3;
	v3 =	vmul.f32 $1.250000000e-01, v9  }
0x165: {  	v61 =	vmul.f32 $1.250000000e-01, v12;
	[tilespmem:s29+$0x1D980] =	vst v60  }
0x166: {  	[tilespmem:s29+$0x1D900] =	vst v3;
	v3 =	vmul.f32 $1.250000000e-01, v11  }
0x167: {  	v62 =	vmul.f32 $1.250000000e-01, v14;
	[tilespmem:s29+$0x1DE80] =	vst v61  }
0x168: {  	[tilespmem:s29+$0x1DE00] =	vst v3;
	v3 =	vmul.f32 $1.250000000e-01, v13  }
0x169: {  	p0 =	sne.s32 s28, $0xF0;
	v63 =	vmul.f32 $1.250000000e-01, v16;
	[tilespmem:s29+$0x1DF80] =	vst v62  }
.Ltmp4:
0x16a: {  	[tilespmem:s29+$0x1DF00] =	vst v3;
	v3 =	vmul.f32 $1.250000000e-01, v15;
	(pc) =	sbr.rel @p0 .LBB2_11-.Ltmp4, $4  }
0x16b: {  	[tilespmem:s29+$0x1E080] =	vst v63;
	v2 =	vmul.f32 $1.250000000e-01, v2  }
0x16c: {  	[tilespmem:s29+$0x1E000] =	vst v3;
	v3 =	vmul.f32 $1.250000000e-01, v17  }
0x16d: {  	[tilespmem:s29+$0x1E180] =	vst v2  }
0x16e: {  	s26 =	sadd.s32 $0x80, s26;
	s28 =	sadd.s32 $0x10, s28;
	[tilespmem:s29+$0x1E100] =	vst v3  }
0x16f: {  	s23 =	sadd.s32 $0x1, s23  }
0x170: {  	s1 =	sadd.s32 s5, s24;
	p0 =	sne.s32 s23, $0x32  }
.Ltmp5:
0x171: {  	s24 =	sshll.u32 s1, $0x8;
	(pc) =	sbr.rel @p0 .LBB2_2-.Ltmp5, $4  }
0x172: {  	s1 =	sshll.u32 s1, $0xB;
	s24 =	sand.u32 $0xF00, s24  }
0x173: {  	s1 =	sand.u32 $0xFFF8000, s1;
	s24 =	sadd.s32 s2, s24  }
0x174: {  	s1 =	sadd.s32 s1, s24  }
0x175: {  	[hbm4b:s1+s15] =	stream.strided.scatter [tilespmem:s19], [sflag:$0x4], $0x4000, s16, s15, $0x38;
	[tilespmem:$0x1E600] =	vst v63  }
0x176: {  	s22 =	sadd.s32 $0x1, s22  }
0x177: {  	_ =	swait.ge [sflag:s20], $0x4000;
	p0 =	sne.s32 s22, s7  }
.Ltmp6:
0x178: {  	[sflag:s20] =	ssyncset.done $0x0;
	(pc) =	sbr.rel @p0 .LBB2_1-.Ltmp6, $4  }
0x179: {  	[sflag:s20] =	ssyncadd.s32 $0xFFFFC000  }
0x17a: {  	_ =	swait.ge [sflag:s21], $0x4000  }
0x17b: {  	[sflag:s21] =	ssyncset.done $0x0  }
0x17c: {  	[sflag:s21] =	ssyncadd.s32 $0xFFFFC000  }
0x17d: {  	_ =	sfence.sel $0x180000  }
0x17e: {  	[bflag:$0x0] =	sbarrier.arrive $0xFFFF  }
0x17f: {  	_ =	strace $0x90000047  }
0x180: {  	[bflag:$0x2] =	sbarrier.arrive $0xFFFF  }
0x181: {  	p0 =	sne.s32 s0, $0x0;
	s0 =	rddreg [dreg:$0x2]  }
0x182: {  	s0 =	sadd.s32 @!p0 $0x100000, s0  }
0x183: {  	[sflag:s0] =	ssyncadd.tile.s32 @!p0 $0x1;
	_ =	shalt  }
.Lfunc_end2:
_tile_overlayer_lowered:
.L_overlay_start_2:
0x184: {  	(tag) =	ssettag $0x2  }
0x185: {  	s0 =	rddreg [dreg:$0x0];
	s2 =	stileid.u32  }
0x186: {  	s1 =	rddreg [dreg:$0x1];
	p0 =	sne.s32 s2, $0x0  }
0x187: {  	s3 =	rddreg [dreg:$0x2];
	[bflag:$0x3] =	sbarrier.arrive $0xFFFF;
	s2 =	simm.s32 @!p0 $0x1C05  }
0x188: {  	[timem:s3], [sflag:s2] =	dma.local @!p0 [hbm:s0], s1  }
0x189: {  	s0 =	simm.s32 @!p0 $0x5  }
0x18a: {  	_ =	swait.ge @!p0 [sflag:s0], s1  }
0x18b: {  	s1 =	ssub.s32 @!p0 $0x0, s1;
	[sflag:s0] =	ssyncset.done @!p0 $0x0  }
0x18c: {  	[sflag:s0] =	ssyncadd.s32 @!p0 s1  }
0x18d: {  	[bflag:$0x3] =	sbarrier.arrive $0xFFFF  }
0x18e: {  	_ =	shalt  }

</sc_bundles>
